<compile_context>
chip_gen: v7x
topology: tpu7x:2x2x1
jax: 0.10.2.dev20260603
libtpu: 0.0.44.dev20260713+nightly
codegen_flags: <defaults>
</compile_context>

<pallas_src>
import functools

import jax
import jax.numpy as jnp
from jax import lax
from jax.experimental import pallas as pl
from jax.experimental.pallas import tpu as pltpu
from jax.experimental.pallas import tpu_sc as plsc

_info = plsc.get_sparse_core_info()
_NC, _NS = _info.num_cores, _info.num_subcores
_NW = _NC * _NS
_NPG = 4
_NTG = _NW // _NPG


def _sc_plane_gather(idx, wt):
    mesh = plsc.VectorSubcoreMesh(core_axis_name="c", subcore_axis_name="s")

    @functools.partial(
        pl.kernel,
        out_type=jax.ShapeDtypeStruct((256, 4, 8, 8, 128), jnp.float32),
        mesh=mesh,
        compiler_params=pltpu.CompilerParams(
            use_tc_tiling_on_sc=False, needs_layout_passes=False
        ),
        scratch_types=[
            pltpu.VMEM((8 * 8192,), jnp.float32),
            pltpu.VMEM((4, 8, 8, 128), jnp.int32),
            pltpu.VMEM((2, 8, 8, 128), jnp.float32),
            pltpu.SemaphoreType.DMA,
            pltpu.SemaphoreType.DMA,
        ],
    )
    def body(idx_hbm, wt_hbm, out_hbm, planes_v, idx_v, stage_v,
             wsem0, wsem1):
        wid = lax.axis_index("s") * _NC + lax.axis_index("c")
        tg = wid // _NPG
        pg = wid % _NPG
        cp_w = pltpu.async_copy(wt_hbm.at[pg], planes_v, wsem0)
        cp_i = pltpu.async_copy(idx_hbm.at[pl.ds(4 * tg, 4)], idx_v, wsem1)
        cp_w.wait()
        cp_i.wait()
        wsems = (wsem0, wsem1)
        zeros16 = [jnp.zeros((16,), jnp.float32) for _ in range(8)]

        def wait_write(slot):
            pltpu.make_async_copy(
                stage_v.at[slot], out_hbm.at[0].at[pg], wsems[slot]
            ).wait()

        def pair_body(i, carry):
            for slot in range(2):
                @pl.when(i > 0)
                def _():
                    wait_write(slot)
                bl = 2 * i + slot
                rt = lax.shift_right_logical(bl, 3)
                sb = lax.bitwise_and(bl, 7)

                def ct_body(ct, prev):
                    ct_prev = lax.max(ct - 1, 0)
                    vidxs = []
                    for j in range(8):
                        vidxs.append(idx_v[rt, ct, sb, pl.ds(16 * j, 16)])
                        stage_v[slot, ct_prev, j, pl.ds(16 * 7, 16)] = prev[j]
                    ks = [
                        lax.add(
                            lax.shift_left(lax.shift_right_logical(v, 7), 10),
                            lax.bitwise_and(v, 127),
                        )
                        for v in vidxs
                    ]
                    grp = None
                    for l16 in range(8):
                        cur = []
                        for s in range(8):
                            cur.append(plsc.load_gather(
                                planes_v.at[pl.ds(128 * s, 64640)], [ks[l16]]
                            ))
                            if l16 > 0:
                                stage_v[slot, ct, s, pl.ds(16 * (l16 - 1), 16)] = grp[s]
                        grp = cur
                    return tuple(grp)

                last = lax.fori_loop(0, 8, ct_body, tuple(zeros16))
                for s in range(8):
                    stage_v[slot, 7, s, pl.ds(16 * 7, 16)] = last[s]
                b = 32 * tg + bl
                pltpu.async_copy(
                    stage_v.at[slot], out_hbm.at[b].at[pg], wsems[slot]
                )
            return carry

        lax.fori_loop(0, 16, pair_body, 0)
        wait_write(0)
        wait_write(1)

    return body(idx, wt)


def kernel(embed_id, weight):
    idx = embed_id.astype(jnp.int32).reshape(32, 8, 8, 128).transpose(0, 2, 1, 3)
    wt = (weight.reshape(64, 128, 4, 8).transpose(2, 0, 3, 1)
          .reshape(4, 8 * 8192))
    out5 = _sc_plane_gather(idx, wt)
    out = out5.transpose(0, 1, 3, 2, 4).reshape(256, 32, 1024).transpose(0, 2, 1)
    return out

# --- scband reference (transcript-rebuilt; emitter-appended) ---
"""Pipeline reference for scband-embedding-ema-66005057404959 (READ-ONLY COPY).

The authoritative reference and input builder live on the scoring server;
editing this copy changes nothing except your own understanding.
"""

import jax, jax.numpy as jnp
import numpy as np

NUM_TOKENS = 8192
CODEBOOK_DIM = 32

def setup_inputs(seed: int = 0) -> dict:
    key = jax.random.key(seed)
    k1, k2 = jax.random.split(key)
    embed_id = jax.random.randint(k1, (256, 1024), 0, NUM_TOKENS)
    weight = jax.random.normal(k2, (NUM_TOKENS, CODEBOOK_DIM), dtype=jnp.float32)
    return {"embed_id": embed_id, "weight": weight}

def reference(embed_id, weight):
    # F.embedding(embed_id, weight) -> gather rows of the codebook
    return jnp.take(weight, embed_id, axis=0)

if __name__ == "__main__":
    import jax
    _d = setup_inputs()
    print(jax.jit(kernel)(*tuple(_d.values())))

</pallas_src>

<mosaic_0001>
#map = affine_map<(d0, d1) -> (0, 0, 0, 0)>
#map1 = affine_map<(d0, d1) -> (0, 0)>
#map2 = affine_map<(d0, d1) -> (0, 0, 0, 0, 0)>
module attributes {stable_mosaic.version = 14 : i64} {
  func.func @body(%arg0: i32, %arg1: i32, %arg2: memref<32x8x8x128xi32, #tpu.memory_space<hbm>>, %arg3: memref<4x65536xf32, #tpu.memory_space<hbm>>, %arg4: memref<256x4x8x8x128xf32, #tpu.memory_space<hbm>>, %arg5: memref<65536xf32, #tpu.memory_space<vmem>>, %arg6: memref<4x8x8x128xi32, #tpu.memory_space<vmem>>, %arg7: memref<2x8x8x128xf32, #tpu.memory_space<vmem>>, %arg8: memref<!tpu.dma_semaphore, #tpu.memory_space<semaphore_mem>>, %arg9: memref<!tpu.dma_semaphore, #tpu.memory_space<semaphore_mem>>) attributes {dimension_semantics = [#tpu.dimension_semantics<core_parallel>, #tpu.dimension_semantics<subcore_parallel>], iteration_bounds = array<i64: 2, 16>, scalar_prefetch = 0 : i64, scratch_operands = 5 : i64, tpu.core_type = #tpu.core_type<sc_vector_subcore>, window_params = [{transform_indices = #map}, {transform_indices = #map1}, {transform_indices = #map2}]} {
    %mul3A = arith.constant 2 : i32
    %mul3A_0 = arith.muli %arg1, %mul3A : i32
    %add3A = arith.addi %mul3A_0, %arg0 : i32
    %jit3A = arith.constant 4 : i32
    %div3A = arith.divsi %add3A, %jit3A : i32
    %sign3A = arith.constant 0 : i32
    %sign3A_1 = arith.cmpi sgt, %add3A, %sign3A : i32
    %sign3A_2 = arith.extui %sign3A_1 : i1 to i32
    %sign3A_3 = arith.constant 0 : i32
    %sign3A_4 = arith.cmpi slt, %add3A, %sign3A_3 : i32
    %sign3A_5 = arith.extui %sign3A_4 : i1 to i32
    %sign3A_6 = arith.subi %sign3A_2, %sign3A_5 : i32
    %sign3A_7 = arith.constant 0 : i32
    %sign3A_8 = arith.cmpi sgt, %jit3A, %sign3A_7 : i32
    %sign3A_9 = arith.extui %sign3A_8 : i1 to i32
    %sign3A_10 = arith.constant 0 : i32
    %sign3A_11 = arith.cmpi slt, %jit3A, %sign3A_10 : i32
    %sign3A_12 = arith.extui %sign3A_11 : i1 to i32
    %sign3A_13 = arith.subi %sign3A_9, %sign3A_12 : i32
    %ne3A = arith.cmpi ne, %sign3A_6, %sign3A_13 : i32
    %rem3A = arith.remsi %add3A, %jit3A : i32
    %ne3A_14 = arith.constant 0 : i32
    %ne3A_15 = arith.cmpi ne, %rem3A, %ne3A_14 : i32
    %and3A = arith.andi %ne3A, %ne3A_15 : i1
    %sub3A = arith.constant 1 : i32
    %sub3A_16 = arith.subi %div3A, %sub3A : i32
    %select_n3A = arith.select %and3A, %sub3A_16, %div3A : i32
    %jit3A_17 = arith.constant 4 : i32
    %eq3A = arith.constant 0 : i32
    %eq3A_18 = arith.cmpi eq, %jit3A_17, %eq3A : i32
    %jit3A_19 = arith.constant 1 : i32
    %select_n3A_20 = arith.select %eq3A_18, %jit3A_19, %jit3A_17 : i32
    %rem3A_21 = arith.remsi %add3A, %select_n3A_20 : i32
    %ne3A_22 = arith.constant 0 : i32
    %ne3A_23 = arith.cmpi ne, %rem3A_21, %ne3A_22 : i32
    %lt3A = arith.constant 0 : i32
    %lt3A_24 = arith.cmpi slt, %rem3A_21, %lt3A : i32
    %lt3A_25 = arith.constant 0 : i32
    %lt3A_26 = arith.cmpi slt, %select_n3A_20, %lt3A_25 : i32
    %ne3A_27 = arith.xori %lt3A_24, %lt3A_26 : i1
    %and3A_28 = arith.andi %ne3A_27, %ne3A_23 : i1
    %add3A_29 = arith.addi %rem3A_21, %select_n3A_20 : i32
    %select_n3A_30 = arith.select %and3A_28, %add3A_29, %rem3A_21 : i32
    %dma_start3A = arith.constant 0 : i32
    %dma_start3A_31 = tpu.memref_slice %arg3[%select_n3A_30, %dma_start3A] : memref<4x65536xf32, #tpu.memory_space<hbm>> -> memref<1x65536xf32, #tpu.memory_space<hbm>>
    %dma_start3A_32 = tpu.memref_squeeze %dma_start3A_31 : memref<1x65536xf32, #tpu.memory_space<hbm>> -> memref<65536xf32, #tpu.memory_space<hbm>>
    %dma_start3A_33 = arith.constant 0 : i32
    %dma_start3A_34 = tpu.memref_slice %arg3[%select_n3A_30, %dma_start3A_33] : memref<4x65536xf32, #tpu.memory_space<hbm>> -> memref<1x65536xf32, #tpu.memory_space<hbm>>
    %dma_start3A_35 = tpu.memref_squeeze %dma_start3A_34 : memref<1x65536xf32, #tpu.memory_space<hbm>> -> memref<65536xf32, #tpu.memory_space<hbm>>
    tpu.enqueue_dma source(%dma_start3A_35 : memref<65536xf32, #tpu.memory_space<hbm>>) target(%arg5 : memref<65536xf32, #tpu.memory_space<vmem>>) target_semaphore(%arg8 : memref<!tpu.dma_semaphore, #tpu.memory_space<semaphore_mem>>)
    %mul3A_36 = arith.constant 4 : i32
    %mul3A_37 = arith.muli %mul3A_36, %select_n3A : i32
    %dma_start3A_38 = arith.constant 0 : i32
    %dma_start3A_39 = arith.constant 0 : i32
    %dma_start3A_40 = arith.constant 0 : i32
    %dma_start3A_41 = tpu.memref_slice %arg2[%mul3A_37, %dma_start3A_38, %dma_start3A_39, %dma_start3A_40] : memref<32x8x8x128xi32, #tpu.memory_space<hbm>> -> memref<4x8x8x128xi32, #tpu.memory_space<hbm>>
    %dma_start3A_42 = arith.constant 0 : i32
    %dma_start3A_43 = arith.constant 0 : i32
    %dma_start3A_44 = arith.constant 0 : i32
    %dma_start3A_45 = tpu.memref_slice %arg2[%mul3A_37, %dma_start3A_42, %dma_start3A_43, %dma_start3A_44] : memref<32x8x8x128xi32, #tpu.memory_space<hbm>> -> memref<4x8x8x128xi32, #tpu.memory_space<hbm>>
    tpu.enqueue_dma source(%dma_start3A_45 : memref<4x8x8x128xi32, #tpu.memory_space<hbm>>) target(%arg6 : memref<4x8x8x128xi32, #tpu.memory_space<vmem>>) target_semaphore(%arg9 : memref<!tpu.dma_semaphore, #tpu.memory_space<semaphore_mem>>)
    %dma_wait3A = arith.constant 0 : i32
    %dma_wait3A_46 = tpu.memref_slice %arg3[%select_n3A_30, %dma_wait3A] : memref<4x65536xf32, #tpu.memory_space<hbm>> -> memref<1x65536xf32, #tpu.memory_space<hbm>>
    %dma_wait3A_47 = tpu.memref_squeeze %dma_wait3A_46 : memref<1x65536xf32, #tpu.memory_space<hbm>> -> memref<65536xf32, #tpu.memory_space<hbm>>
    %dma_wait3A_48 = arith.constant 0 : i32
    %dma_wait3A_49 = tpu.memref_slice %arg3[%select_n3A_30, %dma_wait3A_48] : memref<4x65536xf32, #tpu.memory_space<hbm>> -> memref<1x65536xf32, #tpu.memory_space<hbm>>
    %dma_wait3A_50 = tpu.memref_squeeze %dma_wait3A_49 : memref<1x65536xf32, #tpu.memory_space<hbm>> -> memref<65536xf32, #tpu.memory_space<hbm>>
    tpu.wait_dma2 semaphore(%arg8 : memref<!tpu.dma_semaphore, #tpu.memory_space<semaphore_mem>>) src(%dma_wait3A_50 : memref<65536xf32, #tpu.memory_space<hbm>>) dst(%arg5 : memref<65536xf32, #tpu.memory_space<vmem>>)
    %dma_wait3A_51 = arith.constant 0 : i32
    %dma_wait3A_52 = arith.constant 0 : i32
    %dma_wait3A_53 = arith.constant 0 : i32
    %dma_wait3A_54 = tpu.memref_slice %arg2[%mul3A_37, %dma_wait3A_51, %dma_wait3A_52, %dma_wait3A_53] : memref<32x8x8x128xi32, #tpu.memory_space<hbm>> -> memref<4x8x8x128xi32, #tpu.memory_space<hbm>>
    %dma_wait3A_55 = arith.constant 0 : i32
    %dma_wait3A_56 = arith.constant 0 : i32
    %dma_wait3A_57 = arith.constant 0 : i32
    %dma_wait3A_58 = tpu.memref_slice %arg2[%mul3A_37, %dma_wait3A_55, %dma_wait3A_56, %dma_wait3A_57] : memref<32x8x8x128xi32, #tpu.memory_space<hbm>> -> memref<4x8x8x128xi32, #tpu.memory_space<hbm>>
    tpu.wait_dma2 semaphore(%arg9 : memref<!tpu.dma_semaphore, #tpu.memory_space<semaphore_mem>>) src(%dma_wait3A_58 : memref<4x8x8x128xi32, #tpu.memory_space<hbm>>) dst(%arg6 : memref<4x8x8x128xi32, #tpu.memory_space<vmem>>)
    %broadcast_in_dim3A = arith.constant 0.000000e+00 : f32
    %broadcast_in_dim3A_59 = vector.broadcast %broadcast_in_dim3A : f32 to vector<16xf32>
    %broadcast_in_dim3A_60 = arith.constant 0.000000e+00 : f32
    %broadcast_in_dim3A_61 = vector.broadcast %broadcast_in_dim3A_60 : f32 to vector<16xf32>
    %broadcast_in_dim3A_62 = arith.constant 0.000000e+00 : f32
    %broadcast_in_dim3A_63 = vector.broadcast %broadcast_in_dim3A_62 : f32 to vector<16xf32>
    %broadcast_in_dim3A_64 = arith.constant 0.000000e+00 : f32
    %broadcast_in_dim3A_65 = vector.broadcast %broadcast_in_dim3A_64 : f32 to vector<16xf32>
    %broadcast_in_dim3A_66 = arith.constant 0.000000e+00 : f32
    %broadcast_in_dim3A_67 = vector.broadcast %broadcast_in_dim3A_66 : f32 to vector<16xf32>
    %broadcast_in_dim3A_68 = arith.constant 0.000000e+00 : f32
    %broadcast_in_dim3A_69 = vector.broadcast %broadcast_in_dim3A_68 : f32 to vector<16xf32>
    %broadcast_in_dim3A_70 = arith.constant 0.000000e+00 : f32
    %broadcast_in_dim3A_71 = vector.broadcast %broadcast_in_dim3A_70 : f32 to vector<16xf32>
    %broadcast_in_dim3A_72 = arith.constant 0.000000e+00 : f32
    %broadcast_in_dim3A_73 = vector.broadcast %broadcast_in_dim3A_72 : f32 to vector<16xf32>
    %scan3A = arith.constant 0 : i32
    %scan3A_74 = arith.constant 0 : i32
    %scan3A_75 = arith.constant 16 : i32
    %scan3A_76 = arith.addi %scan3A_74, %scan3A_75 : i32
    %scan3A_77 = arith.constant 1 : i32
    scf.for %scan3A_147 = %scan3A_74 to %scan3A_76 step %scan3A_77  : i32 {
      %gt3A = arith.constant 0 : i32
      %gt3A_148 = arith.cmpi sgt, %scan3A_147, %gt3A : i32
      %convert_element_type3A = arith.extui %gt3A_148 : i1 to i32
      %cond3A = arith.constant 0 : i32
      %cond3A_149 = arith.cmpi ne, %convert_element_type3A, %cond3A : i32
      scf.if %cond3A_149 {
        %dma_wait3A_381 = arith.constant 0 : i32
        %dma_wait3A_382 = arith.constant 0 : i32
        %dma_wait3A_383 = arith.constant 0 : i32
        %dma_wait3A_384 = arith.constant 0 : i32
        %dma_wait3A_385 = arith.constant 0 : i32
        %dma_wait3A_386 = tpu.memref_slice %arg7[%dma_wait3A_381, %dma_wait3A_383, %dma_wait3A_384, %dma_wait3A_385] : memref<2x8x8x128xf32, #tpu.memory_space<vmem>> -> memref<1x8x8x128xf32, #tpu.memory_space<vmem>>
        %dma_wait3A_387 = tpu.memref_squeeze %dma_wait3A_386 : memref<1x8x8x128xf32, #tpu.memory_space<vmem>> -> memref<8x8x128xf32, #tpu.memory_space<vmem>>
        %dma_wait3A_388 = arith.constant 0 : i32
        %dma_wait3A_389 = arith.constant 0 : i32
        %dma_wait3A_390 = arith.constant 0 : i32
        %dma_wait3A_391 = arith.constant 0 : i32
        %dma_wait3A_392 = tpu.memref_slice %arg4[%dma_wait3A_382, %dma_wait3A_388, %dma_wait3A_389, %dma_wait3A_390, %dma_wait3A_391] : memref<256x4x8x8x128xf32, #tpu.memory_space<hbm>> -> memref<1x4x8x8x128xf32, #tpu.memory_space<hbm>>
        %dma_wait3A_393 = tpu.memref_squeeze %dma_wait3A_392 : memref<1x4x8x8x128xf32, #tpu.memory_space<hbm>> -> memref<4x8x8x128xf32, #tpu.memory_space<hbm>>
        %dma_wait3A_394 = arith.constant 0 : i32
        %dma_wait3A_395 = arith.constant 0 : i32
        %dma_wait3A_396 = arith.constant 0 : i32
        %dma_wait3A_397 = tpu.memref_slice %dma_wait3A_393[%select_n3A_30, %dma_wait3A_394, %dma_wait3A_395, %dma_wait3A_396] : memref<4x8x8x128xf32, #tpu.memory_space<hbm>> -> memref<1x8x8x128xf32, #tpu.memory_space<hbm>>
        %dma_wait3A_398 = tpu.memref_squeeze %dma_wait3A_397 : memref<1x8x8x128xf32, #tpu.memory_space<hbm>> -> memref<8x8x128xf32, #tpu.memory_space<hbm>>
        %dma_wait3A_399 = arith.constant 0 : i32
        %dma_wait3A_400 = arith.constant 0 : i32
        %dma_wait3A_401 = arith.constant 0 : i32
        %dma_wait3A_402 = arith.constant 0 : i32
        %dma_wait3A_403 = tpu.memref_slice %arg4[%dma_wait3A_382, %dma_wait3A_399, %dma_wait3A_400, %dma_wait3A_401, %dma_wait3A_402] : memref<256x4x8x8x128xf32, #tpu.memory_space<hbm>> -> memref<1x4x8x8x128xf32, #tpu.memory_space<hbm>>
        %dma_wait3A_404 = tpu.memref_squeeze %dma_wait3A_403 : memref<1x4x8x8x128xf32, #tpu.memory_space<hbm>> -> memref<4x8x8x128xf32, #tpu.memory_space<hbm>>
        %dma_wait3A_405 = arith.constant 0 : i32
        %dma_wait3A_406 = arith.constant 0 : i32
        %dma_wait3A_407 = arith.constant 0 : i32
        %dma_wait3A_408 = tpu.memref_slice %dma_wait3A_404[%select_n3A_30, %dma_wait3A_405, %dma_wait3A_406, %dma_wait3A_407] : memref<4x8x8x128xf32, #tpu.memory_space<hbm>> -> memref<1x8x8x128xf32, #tpu.memory_space<hbm>>
        %dma_wait3A_409 = tpu.memref_squeeze %dma_wait3A_408 : memref<1x8x8x128xf32, #tpu.memory_space<hbm>> -> memref<8x8x128xf32, #tpu.memory_space<hbm>>
        %dma_wait3A_410 = arith.constant 0 : i32
        %dma_wait3A_411 = arith.constant 0 : i32
        %dma_wait3A_412 = arith.constant 0 : i32
        %dma_wait3A_413 = tpu.memref_slice %arg7[%dma_wait3A_381, %dma_wait3A_410, %dma_wait3A_411, %dma_wait3A_412] : memref<2x8x8x128xf32, #tpu.memory_space<vmem>> -> memref<1x8x8x128xf32, #tpu.memory_space<vmem>>
        %dma_wait3A_414 = tpu.memref_squeeze %dma_wait3A_413 : memref<1x8x8x128xf32, #tpu.memory_space<vmem>> -> memref<8x8x128xf32, #tpu.memory_space<vmem>>
        tpu.wait_dma2 semaphore(%arg8 : memref<!tpu.dma_semaphore, #tpu.memory_space<semaphore_mem>>) src(%dma_wait3A_414 : memref<8x8x128xf32, #tpu.memory_space<vmem>>) dst(%dma_wait3A_409 : memref<8x8x128xf32, #tpu.memory_space<hbm>>)
      } else {
      }
      %mul3A_150 = arith.constant 2 : i32
      %mul3A_151 = arith.muli %mul3A_150, %scan3A_147 : i32
      %add3A_152 = arith.constant 0 : i32
      %add3A_153 = arith.addi %mul3A_151, %add3A_152 : i32
      %shift_right_logical3A = arith.constant 3 : i32
      %shift_right_logical3A_154 = arith.shrui %add3A_153, %shift_right_logical3A : i32
      %and3A_155 = arith.constant 7 : i32
      %and3A_156 = arith.andi %add3A_153, %and3A_155 : i32
      %scan3A_157 = arith.constant 0 : i32
      %scan3A_158 = arith.constant 8 : i32
      %scan3A_159 = arith.addi %scan3A_157, %scan3A_158 : i32
      %scan3A_160 = arith.constant 1 : i32
      %scan3A_161:8 = scf.for %scan3A_381 = %scan3A_157 to %scan3A_159 step %scan3A_160 iter_args(%scan3A_382 = %broadcast_in_dim3A_59, %scan3A_383 = %broadcast_in_dim3A_61, %scan3A_384 = %broadcast_in_dim3A_63, %scan3A_385 = %broadcast_in_dim3A_65, %scan3A_386 = %broadcast_in_dim3A_67, %scan3A_387 = %broadcast_in_dim3A_69, %scan3A_388 = %broadcast_in_dim3A_71, %scan3A_389 = %broadcast_in_dim3A_73) -> (vector<16xf32>, vector<16xf32>, vector<16xf32>, vector<16xf32>, vector<16xf32>, vector<16xf32>, vector<16xf32>, vector<16xf32>)  : i32 {
        %sub3A_390 = arith.constant 1 : i32
        %sub3A_391 = arith.subi %scan3A_381, %sub3A_390 : i32
        %max3A = arith.constant 0 : i32
        %max3A_392 = arith.maxsi %sub3A_391, %max3A : i32
        %get3A = arith.index_cast %shift_right_logical3A_154 : i32 to index
        %get3A_393 = arith.index_cast %scan3A_381 : i32 to index
        %get3A_394 = arith.index_cast %and3A_156 : i32 to index
        %get3A_395 = arith.constant 0 : index
        %get3A_396 = tpu.vector_load %arg6[%get3A, %get3A_393, %get3A_394, %get3A_395] {strides = array<i32>} : memref<4x8x8x128xi32, #tpu.memory_space<vmem>>, vector<16xi32>,
        %swap3A_397 = arith.constant 0 : i32
        %swap3A_398 = arith.constant 0 : i32
        %swap3A_399 = arith.index_cast %swap3A_397 : i32 to index
        %swap3A_400 = arith.index_cast %max3A_392 : i32 to index
        %swap3A_401 = arith.index_cast %swap3A_398 : i32 to index
        %swap3A_402 = arith.constant 112 : index
        %swap3A_403 = tpu.vector_load %arg7[%swap3A_399, %swap3A_400, %swap3A_401, %swap3A_402] {strides = array<i32>} : memref<2x8x8x128xf32, #tpu.memory_space<vmem>>, vector<16xf32>,
        tpu.vector_store %arg7[%swap3A_399, %swap3A_400, %swap3A_401, %swap3A_402], %scan3A_382 {strides = array<i32>} : memref<2x8x8x128xf32, #tpu.memory_space<vmem>>, vector<16xf32>,
        %get3A_404 = arith.index_cast %shift_right_logical3A_154 : i32 to index
        %get3A_405 = arith.index_cast %scan3A_381 : i32 to index
        %get3A_406 = arith.index_cast %and3A_156 : i32 to index
        %get3A_407 = arith.constant 16 : index
        %get3A_408 = tpu.vector_load %arg6[%get3A_404, %get3A_405, %get3A_406, %get3A_407] {strides = array<i32>} : memref<4x8x8x128xi32, #tpu.memory_space<vmem>>, vector<16xi32>,
        %swap3A_409 = arith.constant 0 : i32
        %swap3A_410 = arith.constant 1 : i32
        %swap3A_411 = arith.index_cast %swap3A_409 : i32 to index
        %swap3A_412 = arith.index_cast %max3A_392 : i32 to index
        %swap3A_413 = arith.index_cast %swap3A_410 : i32 to index
        %swap3A_414 = arith.constant 112 : index
        %swap3A_415 = tpu.vector_load %arg7[%swap3A_411, %swap3A_412, %swap3A_413, %swap3A_414] {strides = array<i32>} : memref<2x8x8x128xf32, #tpu.memory_space<vmem>>, vector<16xf32>,
        tpu.vector_store %arg7[%swap3A_411, %swap3A_412, %swap3A_413, %swap3A_414], %scan3A_383 {strides = array<i32>} : memref<2x8x8x128xf32, #tpu.memory_space<vmem>>, vector<16xf32>,
        %get3A_416 = arith.index_cast %shift_right_logical3A_154 : i32 to index
        %get3A_417 = arith.index_cast %scan3A_381 : i32 to index
        %get3A_418 = arith.index_cast %and3A_156 : i32 to index
        %get3A_419 = arith.constant 32 : index
        %get3A_420 = tpu.vector_load %arg6[%get3A_416, %get3A_417, %get3A_418, %get3A_419] {strides = array<i32>} : memref<4x8x8x128xi32, #tpu.memory_space<vmem>>, vector<16xi32>,
        %swap3A_421 = arith.constant 0 : i32
        %swap3A_422 = arith.constant 2 : i32
        %swap3A_423 = arith.index_cast %swap3A_421 : i32 to index
        %swap3A_424 = arith.index_cast %max3A_392 : i32 to index
        %swap3A_425 = arith.index_cast %swap3A_422 : i32 to index
        %swap3A_426 = arith.constant 112 : index
        %swap3A_427 = tpu.vector_load %arg7[%swap3A_423, %swap3A_424, %swap3A_425, %swap3A_426] {strides = array<i32>} : memref<2x8x8x128xf32, #tpu.memory_space<vmem>>, vector<16xf32>,
        tpu.vector_store %arg7[%swap3A_423, %swap3A_424, %swap3A_425, %swap3A_426], %scan3A_384 {strides = array<i32>} : memref<2x8x8x128xf32, #tpu.memory_space<vmem>>, vector<16xf32>,
        %get3A_428 = arith.index_cast %shift_right_logical3A_154 : i32 to index
        %get3A_429 = arith.index_cast %scan3A_381 : i32 to index
        %get3A_430 = arith.index_cast %and3A_156 : i32 to index
        %get3A_431 = arith.constant 48 : index
        %get3A_432 = tpu.vector_load %arg6[%get3A_428, %get3A_429, %get3A_430, %get3A_431] {strides = array<i32>} : memref<4x8x8x128xi32, #tpu.memory_space<vmem>>, vector<16xi32>,
        %swap3A_433 = arith.constant 0 : i32
        %swap3A_434 = arith.constant 3 : i32
        %swap3A_435 = arith.index_cast %swap3A_433 : i32 to index
        %swap3A_436 = arith.index_cast %max3A_392 : i32 to index
        %swap3A_437 = arith.index_cast %swap3A_434 : i32 to index
        %swap3A_438 = arith.constant 112 : index
        %swap3A_439 = tpu.vector_load %arg7[%swap3A_435, %swap3A_436, %swap3A_437, %swap3A_438] {strides = array<i32>} : memref<2x8x8x128xf32, #tpu.memory_space<vmem>>, vector<16xf32>,
        tpu.vector_store %arg7[%swap3A_435, %swap3A_436, %swap3A_437, %swap3A_438], %scan3A_385 {strides = array<i32>} : memref<2x8x8x128xf32, #tpu.memory_space<vmem>>, vector<16xf32>,
        %get3A_440 = arith.index_cast %shift_right_logical3A_154 : i32 to index
        %get3A_441 = arith.index_cast %scan3A_381 : i32 to index
        %get3A_442 = arith.index_cast %and3A_156 : i32 to index
        %get3A_443 = arith.constant 64 : index
        %get3A_444 = tpu.vector_load %arg6[%get3A_440, %get3A_441, %get3A_442, %get3A_443] {strides = array<i32>} : memref<4x8x8x128xi32, #tpu.memory_space<vmem>>, vector<16xi32>,
        %swap3A_445 = arith.constant 0 : i32
        %swap3A_446 = arith.constant 4 : i32
        %swap3A_447 = arith.index_cast %swap3A_445 : i32 to index
        %swap3A_448 = arith.index_cast %max3A_392 : i32 to index
        %swap3A_449 = arith.index_cast %swap3A_446 : i32 to index
        %swap3A_450 = arith.constant 112 : index
        %swap3A_451 = tpu.vector_load %arg7[%swap3A_447, %swap3A_448, %swap3A_449, %swap3A_450] {strides = array<i32>} : memref<2x8x8x128xf32, #tpu.memory_space<vmem>>, vector<16xf32>,
        tpu.vector_store %arg7[%swap3A_447, %swap3A_448, %swap3A_449, %swap3A_450], %scan3A_386 {strides = array<i32>} : memref<2x8x8x128xf32, #tpu.memory_space<vmem>>, vector<16xf32>,
        %get3A_452 = arith.index_cast %shift_right_logical3A_154 : i32 to index
        %get3A_453 = arith.index_cast %scan3A_381 : i32 to index
        %get3A_454 = arith.index_cast %and3A_156 : i32 to index
        %get3A_455 = arith.constant 80 : index
        %get3A_456 = tpu.vector_load %arg6[%get3A_452, %get3A_453, %get3A_454, %get3A_455] {strides = array<i32>} : memref<4x8x8x128xi32, #tpu.memory_space<vmem>>, vector<16xi32>,
        %swap3A_457 = arith.constant 0 : i32
        %swap3A_458 = arith.constant 5 : i32
        %swap3A_459 = arith.index_cast %swap3A_457 : i32 to index
        %swap3A_460 = arith.index_cast %max3A_392 : i32 to index
        %swap3A_461 = arith.index_cast %swap3A_458 : i32 to index
        %swap3A_462 = arith.constant 112 : index
        %swap3A_463 = tpu.vector_load %arg7[%swap3A_459, %swap3A_460, %swap3A_461, %swap3A_462] {strides = array<i32>} : memref<2x8x8x128xf32, #tpu.memory_space<vmem>>, vector<16xf32>,
        tpu.vector_store %arg7[%swap3A_459, %swap3A_460, %swap3A_461, %swap3A_462], %scan3A_387 {strides = array<i32>} : memref<2x8x8x128xf32, #tpu.memory_space<vmem>>, vector<16xf32>,
        %get3A_464 = arith.index_cast %shift_right_logical3A_154 : i32 to index
        %get3A_465 = arith.index_cast %scan3A_381 : i32 to index
        %get3A_466 = arith.index_cast %and3A_156 : i32 to index
        %get3A_467 = arith.constant 96 : index
        %get3A_468 = tpu.vector_load %arg6[%get3A_464, %get3A_465, %get3A_466, %get3A_467] {strides = array<i32>} : memref<4x8x8x128xi32, #tpu.memory_space<vmem>>, vector<16xi32>,
        %swap3A_469 = arith.constant 0 : i32
        %swap3A_470 = arith.constant 6 : i32
        %swap3A_471 = arith.index_cast %swap3A_469 : i32 to index
        %swap3A_472 = arith.index_cast %max3A_392 : i32 to index
        %swap3A_473 = arith.index_cast %swap3A_470 : i32 to index
        %swap3A_474 = arith.constant 112 : index
        %swap3A_475 = tpu.vector_load %arg7[%swap3A_471, %swap3A_472, %swap3A_473, %swap3A_474] {strides = array<i32>} : memref<2x8x8x128xf32, #tpu.memory_space<vmem>>, vector<16xf32>,
        tpu.vector_store %arg7[%swap3A_471, %swap3A_472, %swap3A_473, %swap3A_474], %scan3A_388 {strides = array<i32>} : memref<2x8x8x128xf32, #tpu.memory_space<vmem>>, vector<16xf32>,
        %get3A_476 = arith.index_cast %shift_right_logical3A_154 : i32 to index
        %get3A_477 = arith.index_cast %scan3A_381 : i32 to index
        %get3A_478 = arith.index_cast %and3A_156 : i32 to index
        %get3A_479 = arith.constant 112 : index
        %get3A_480 = tpu.vector_load %arg6[%get3A_476, %get3A_477, %get3A_478, %get3A_479] {strides = array<i32>} : memref<4x8x8x128xi32, #tpu.memory_space<vmem>>, vector<16xi32>,
        %swap3A_481 = arith.constant 0 : i32
        %swap3A_482 = arith.constant 7 : i32
        %swap3A_483 = arith.index_cast %swap3A_481 : i32 to index
        %swap3A_484 = arith.index_cast %max3A_392 : i32 to index
        %swap3A_485 = arith.index_cast %swap3A_482 : i32 to index
        %swap3A_486 = arith.constant 112 : index
        %swap3A_487 = tpu.vector_load %arg7[%swap3A_483, %swap3A_484, %swap3A_485, %swap3A_486] {strides = array<i32>} : memref<2x8x8x128xf32, #tpu.memory_space<vmem>>, vector<16xf32>,
        tpu.vector_store %arg7[%swap3A_483, %swap3A_484, %swap3A_485, %swap3A_486], %scan3A_389 {strides = array<i32>} : memref<2x8x8x128xf32, #tpu.memory_space<vmem>>, vector<16xf32>,
        %shift_right_logical3A_488 = arith.constant 7 : i32
        %shift_right_logical3A_489 = vector.broadcast %shift_right_logical3A_488 : i32 to vector<16xi32>
        %shift_right_logical3A_490 = arith.shrui %get3A_396, %shift_right_logical3A_489 : vector<16xi32>
        %shift_left3A = arith.constant 10 : i32
        %shift_left3A_491 = vector.broadcast %shift_left3A : i32 to vector<16xi32>
        %shift_left3A_492 = arith.shli %shift_right_logical3A_490, %shift_left3A_491 : vector<16xi32>
        %and3A_493 = arith.constant 127 : i32
        %and3A_494 = vector.broadcast %and3A_493 : i32 to vector<16xi32>
        %and3A_495 = arith.andi %get3A_396, %and3A_494 : vector<16xi32>
        %add3A_496 = arith.addi %shift_left3A_492, %and3A_495 : vector<16xi32>
        %shift_right_logical3A_497 = arith.constant 7 : i32
        %shift_right_logical3A_498 = vector.broadcast %shift_right_logical3A_497 : i32 to vector<16xi32>
        %shift_right_logical3A_499 = arith.shrui %get3A_408, %shift_right_logical3A_498 : vector<16xi32>
        %shift_left3A_500 = arith.constant 10 : i32
        %shift_left3A_501 = vector.broadcast %shift_left3A_500 : i32 to vector<16xi32>
        %shift_left3A_502 = arith.shli %shift_right_logical3A_499, %shift_left3A_501 : vector<16xi32>
        %and3A_503 = arith.constant 127 : i32
        %and3A_504 = vector.broadcast %and3A_503 : i32 to vector<16xi32>
        %and3A_505 = arith.andi %get3A_408, %and3A_504 : vector<16xi32>
        %add3A_506 = arith.addi %shift_left3A_502, %and3A_505 : vector<16xi32>
        %shift_right_logical3A_507 = arith.constant 7 : i32
        %shift_right_logical3A_508 = vector.broadcast %shift_right_logical3A_507 : i32 to vector<16xi32>
        %shift_right_logical3A_509 = arith.shrui %get3A_420, %shift_right_logical3A_508 : vector<16xi32>
        %shift_left3A_510 = arith.constant 10 : i32
        %shift_left3A_511 = vector.broadcast %shift_left3A_510 : i32 to vector<16xi32>
        %shift_left3A_512 = arith.shli %shift_right_logical3A_509, %shift_left3A_511 : vector<16xi32>
        %and3A_513 = arith.constant 127 : i32
        %and3A_514 = vector.broadcast %and3A_513 : i32 to vector<16xi32>
        %and3A_515 = arith.andi %get3A_420, %and3A_514 : vector<16xi32>
        %add3A_516 = arith.addi %shift_left3A_512, %and3A_515 : vector<16xi32>
        %shift_right_logical3A_517 = arith.constant 7 : i32
        %shift_right_logical3A_518 = vector.broadcast %shift_right_logical3A_517 : i32 to vector<16xi32>
        %shift_right_logical3A_519 = arith.shrui %get3A_432, %shift_right_logical3A_518 : vector<16xi32>
        %shift_left3A_520 = arith.constant 10 : i32
        %shift_left3A_521 = vector.broadcast %shift_left3A_520 : i32 to vector<16xi32>
        %shift_left3A_522 = arith.shli %shift_right_logical3A_519, %shift_left3A_521 : vector<16xi32>
        %and3A_523 = arith.constant 127 : i32
        %and3A_524 = vector.broadcast %and3A_523 : i32 to vector<16xi32>
        %and3A_525 = arith.andi %get3A_432, %and3A_524 : vector<16xi32>
        %add3A_526 = arith.addi %shift_left3A_522, %and3A_525 : vector<16xi32>
        %shift_right_logical3A_527 = arith.constant 7 : i32
        %shift_right_logical3A_528 = vector.broadcast %shift_right_logical3A_527 : i32 to vector<16xi32>
        %shift_right_logical3A_529 = arith.shrui %get3A_444, %shift_right_logical3A_528 : vector<16xi32>
        %shift_left3A_530 = arith.constant 10 : i32
        %shift_left3A_531 = vector.broadcast %shift_left3A_530 : i32 to vector<16xi32>
        %shift_left3A_532 = arith.shli %shift_right_logical3A_529, %shift_left3A_531 : vector<16xi32>
        %and3A_533 = arith.constant 127 : i32
        %and3A_534 = vector.broadcast %and3A_533 : i32 to vector<16xi32>
        %and3A_535 = arith.andi %get3A_444, %and3A_534 : vector<16xi32>
        %add3A_536 = arith.addi %shift_left3A_532, %and3A_535 : vector<16xi32>
        %shift_right_logical3A_537 = arith.constant 7 : i32
        %shift_right_logical3A_538 = vector.broadcast %shift_right_logical3A_537 : i32 to vector<16xi32>
        %shift_right_logical3A_539 = arith.shrui %get3A_456, %shift_right_logical3A_538 : vector<16xi32>
        %shift_left3A_540 = arith.constant 10 : i32
        %shift_left3A_541 = vector.broadcast %shift_left3A_540 : i32 to vector<16xi32>
        %shift_left3A_542 = arith.shli %shift_right_logical3A_539, %shift_left3A_541 : vector<16xi32>
        %and3A_543 = arith.constant 127 : i32
        %and3A_544 = vector.broadcast %and3A_543 : i32 to vector<16xi32>
        %and3A_545 = arith.andi %get3A_456, %and3A_544 : vector<16xi32>
        %add3A_546 = arith.addi %shift_left3A_542, %and3A_545 : vector<16xi32>
        %shift_right_logical3A_547 = arith.constant 7 : i32
        %shift_right_logical3A_548 = vector.broadcast %shift_right_logical3A_547 : i32 to vector<16xi32>
        %shift_right_logical3A_549 = arith.shrui %get3A_468, %shift_right_logical3A_548 : vector<16xi32>
        %shift_left3A_550 = arith.constant 10 : i32
        %shift_left3A_551 = vector.broadcast %shift_left3A_550 : i32 to vector<16xi32>
        %shift_left3A_552 = arith.shli %shift_right_logical3A_549, %shift_left3A_551 : vector<16xi32>
        %and3A_553 = arith.constant 127 : i32
        %and3A_554 = vector.broadcast %and3A_553 : i32 to vector<16xi32>
        %and3A_555 = arith.andi %get3A_468, %and3A_554 : vector<16xi32>
        %add3A_556 = arith.addi %shift_left3A_552, %and3A_555 : vector<16xi32>
        %shift_right_logical3A_557 = arith.constant 7 : i32
        %shift_right_logical3A_558 = vector.broadcast %shift_right_logical3A_557 : i32 to vector<16xi32>
        %shift_right_logical3A_559 = arith.shrui %get3A_480, %shift_right_logical3A_558 : vector<16xi32>
        %shift_left3A_560 = arith.constant 10 : i32
        %shift_left3A_561 = vector.broadcast %shift_left3A_560 : i32 to vector<16xi32>
        %shift_left3A_562 = arith.shli %shift_right_logical3A_559, %shift_left3A_561 : vector<16xi32>
        %and3A_563 = arith.constant 127 : i32
        %and3A_564 = vector.broadcast %and3A_563 : i32 to vector<16xi32>
        %and3A_565 = arith.andi %get3A_480, %and3A_564 : vector<16xi32>
        %add3A_566 = arith.addi %shift_left3A_562, %and3A_565 : vector<16xi32>
        %gather3A = arith.constant 0 : i32
        %gather3A_567 = tpu.memref_slice %arg5[%gather3A] : memref<65536xf32, #tpu.memory_space<vmem>> -> memref<64640xf32, #tpu.memory_space<vmem>>
        %gather3A_568 = tpu.vector_load_idx %gather3A_567[%add3A_496] : memref<64640xf32, #tpu.memory_space<vmem>>[vector<16xi32>], vector<16xf32>,
        %gather3A_569 = arith.constant 128 : i32
        %gather3A_570 = tpu.memref_slice %arg5[%gather3A_569] : memref<65536xf32, #tpu.memory_space<vmem>> -> memref<64640xf32, #tpu.memory_space<vmem>>
        %gather3A_571 = tpu.vector_load_idx %gather3A_570[%add3A_496] : memref<64640xf32, #tpu.memory_space<vmem>>[vector<16xi32>], vector<16xf32>,
        %gather3A_572 = arith.constant 256 : i32
        %gather3A_573 = tpu.memref_slice %arg5[%gather3A_572] : memref<65536xf32, #tpu.memory_space<vmem>> -> memref<64640xf32, #tpu.memory_space<vmem>>
        %gather3A_574 = tpu.vector_load_idx %gather3A_573[%add3A_496] : memref<64640xf32, #tpu.memory_space<vmem>>[vector<16xi32>], vector<16xf32>,
        %gather3A_575 = arith.constant 384 : i32
        %gather3A_576 = tpu.memref_slice %arg5[%gather3A_575] : memref<65536xf32, #tpu.memory_space<vmem>> -> memref<64640xf32, #tpu.memory_space<vmem>>
        %gather3A_577 = tpu.vector_load_idx %gather3A_576[%add3A_496] : memref<64640xf32, #tpu.memory_space<vmem>>[vector<16xi32>], vector<16xf32>,
        %gather3A_578 = arith.constant 512 : i32
        %gather3A_579 = tpu.memref_slice %arg5[%gather3A_578] : memref<65536xf32, #tpu.memory_space<vmem>> -> memref<64640xf32, #tpu.memory_space<vmem>>
        %gather3A_580 = tpu.vector_load_idx %gather3A_579[%add3A_496] : memref<64640xf32, #tpu.memory_space<vmem>>[vector<16xi32>], vector<16xf32>,
        %gather3A_581 = arith.constant 640 : i32
        %gather3A_582 = tpu.memref_slice %arg5[%gather3A_581] : memref<65536xf32, #tpu.memory_space<vmem>> -> memref<64640xf32, #tpu.memory_space<vmem>>
        %gather3A_583 = tpu.vector_load_idx %gather3A_582[%add3A_496] : memref<64640xf32, #tpu.memory_space<vmem>>[vector<16xi32>], vector<16xf32>,
        %gather3A_584 = arith.constant 768 : i32
        %gather3A_585 = tpu.memref_slice %arg5[%gather3A_584] : memref<65536xf32, #tpu.memory_space<vmem>> -> memref<64640xf32, #tpu.memory_space<vmem>>
        %gather3A_586 = tpu.vector_load_idx %gather3A_585[%add3A_496] : memref<64640xf32, #tpu.memory_space<vmem>>[vector<16xi32>], vector<16xf32>,
        %gather3A_587 = arith.constant 896 : i32
        %gather3A_588 = tpu.memref_slice %arg5[%gather3A_587] : memref<65536xf32, #tpu.memory_space<vmem>> -> memref<64640xf32, #tpu.memory_space<vmem>>
        %gather3A_589 = tpu.vector_load_idx %gather3A_588[%add3A_496] : memref<64640xf32, #tpu.memory_space<vmem>>[vector<16xi32>], vector<16xf32>,
        %gather3A_590 = arith.constant 0 : i32
        %gather3A_591 = tpu.memref_slice %arg5[%gather3A_590] : memref<65536xf32, #tpu.memory_space<vmem>> -> memref<64640xf32, #tpu.memory_space<vmem>>
        %gather3A_592 = tpu.vector_load_idx %gather3A_591[%add3A_506] : memref<64640xf32, #tpu.memory_space<vmem>>[vector<16xi32>], vector<16xf32>,
        %swap3A_593 = arith.constant 0 : i32
        %swap3A_594 = arith.constant 0 : i32
        %swap3A_595 = arith.index_cast %swap3A_593 : i32 to index
        %swap3A_596 = arith.index_cast %scan3A_381 : i32 to index
        %swap3A_597 = arith.index_cast %swap3A_594 : i32 to index
        %swap3A_598 = arith.constant 0 : index
        %swap3A_599 = tpu.vector_load %arg7[%swap3A_595, %swap3A_596, %swap3A_597, %swap3A_598] {strides = array<i32>} : memref<2x8x8x128xf32, #tpu.memory_space<vmem>>, vector<16xf32>,
        tpu.vector_store %arg7[%swap3A_595, %swap3A_596, %swap3A_597, %swap3A_598], %gather3A_568 {strides = array<i32>} : memref<2x8x8x128xf32, #tpu.memory_space<vmem>>, vector<16xf32>,
        %gather3A_600 = arith.constant 128 : i32
        %gather3A_601 = tpu.memref_slice %arg5[%gather3A_600] : memref<65536xf32, #tpu.memory_space<vmem>> -> memref<64640xf32, #tpu.memory_space<vmem>>
        %gather3A_602 = tpu.vector_load_idx %gather3A_601[%add3A_506] : memref<64640xf32, #tpu.memory_space<vmem>>[vector<16xi32>], vector<16xf32>,
        %swap3A_603 = arith.constant 0 : i32
        %swap3A_604 = arith.constant 1 : i32
        %swap3A_605 = arith.index_cast %swap3A_603 : i32 to index
        %swap3A_606 = arith.index_cast %scan3A_381 : i32 to index
        %swap3A_607 = arith.index_cast %swap3A_604 : i32 to index
        %swap3A_608 = arith.constant 0 : index
        %swap3A_609 = tpu.vector_load %arg7[%swap3A_605, %swap3A_606, %swap3A_607, %swap3A_608] {strides = array<i32>} : memref<2x8x8x128xf32, #tpu.memory_space<vmem>>, vector<16xf32>,
        tpu.vector_store %arg7[%swap3A_605, %swap3A_606, %swap3A_607, %swap3A_608], %gather3A_571 {strides = array<i32>} : memref<2x8x8x128xf32, #tpu.memory_space<vmem>>, vector<16xf32>,
        %gather3A_610 = arith.constant 256 : i32
        %gather3A_611 = tpu.memref_slice %arg5[%gather3A_610] : memref<65536xf32, #tpu.memory_space<vmem>> -> memref<64640xf32, #tpu.memory_space<vmem>>
        %gather3A_612 = tpu.vector_load_idx %gather3A_611[%add3A_506] : memref<64640xf32, #tpu.memory_space<vmem>>[vector<16xi32>], vector<16xf32>,
        %swap3A_613 = arith.constant 0 : i32
        %swap3A_614 = arith.constant 2 : i32
        %swap3A_615 = arith.index_cast %swap3A_613 : i32 to index
        %swap3A_616 = arith.index_cast %scan3A_381 : i32 to index
        %swap3A_617 = arith.index_cast %swap3A_614 : i32 to index
        %swap3A_618 = arith.constant 0 : index
        %swap3A_619 = tpu.vector_load %arg7[%swap3A_615, %swap3A_616, %swap3A_617, %swap3A_618] {strides = array<i32>} : memref<2x8x8x128xf32, #tpu.memory_space<vmem>>, vector<16xf32>,
        tpu.vector_store %arg7[%swap3A_615, %swap3A_616, %swap3A_617, %swap3A_618], %gather3A_574 {strides = array<i32>} : memref<2x8x8x128xf32, #tpu.memory_space<vmem>>, vector<16xf32>,
        %gather3A_620 = arith.constant 384 : i32
        %gather3A_621 = tpu.memref_slice %arg5[%gather3A_620] : memref<65536xf32, #tpu.memory_space<vmem>> -> memref<64640xf32, #tpu.memory_space<vmem>>
        %gather3A_622 = tpu.vector_load_idx %gather3A_621[%add3A_506] : memref<64640xf32, #tpu.memory_space<vmem>>[vector<16xi32>], vector<16xf32>,
        %swap3A_623 = arith.constant 0 : i32
        %swap3A_624 = arith.constant 3 : i32
        %swap3A_625 = arith.index_cast %swap3A_623 : i32 to index
        %swap3A_626 = arith.index_cast %scan3A_381 : i32 to index
        %swap3A_627 = arith.index_cast %swap3A_624 : i32 to index
        %swap3A_628 = arith.constant 0 : index
        %swap3A_629 = tpu.vector_load %arg7[%swap3A_625, %swap3A_626, %swap3A_627, %swap3A_628] {strides = array<i32>} : memref<2x8x8x128xf32, #tpu.memory_space<vmem>>, vector<16xf32>,
        tpu.vector_store %arg7[%swap3A_625, %swap3A_626, %swap3A_627, %swap3A_628], %gather3A_577 {strides = array<i32>} : memref<2x8x8x128xf32, #tpu.memory_space<vmem>>, vector<16xf32>,
        %gather3A_630 = arith.constant 512 : i32
        %gather3A_631 = tpu.memref_slice %arg5[%gather3A_630] : memref<65536xf32, #tpu.memory_space<vmem>> -> memref<64640xf32, #tpu.memory_space<vmem>>
        %gather3A_632 = tpu.vector_load_idx %gather3A_631[%add3A_506] : memref<64640xf32, #tpu.memory_space<vmem>>[vector<16xi32>], vector<16xf32>,
        %swap3A_633 = arith.constant 0 : i32
        %swap3A_634 = arith.constant 4 : i32
        %swap3A_635 = arith.index_cast %swap3A_633 : i32 to index
        %swap3A_636 = arith.index_cast %scan3A_381 : i32 to index
        %swap3A_637 = arith.index_cast %swap3A_634 : i32 to index
        %swap3A_638 = arith.constant 0 : index
        %swap3A_639 = tpu.vector_load %arg7[%swap3A_635, %swap3A_636, %swap3A_637, %swap3A_638] {strides = array<i32>} : memref<2x8x8x128xf32, #tpu.memory_space<vmem>>, vector<16xf32>,
        tpu.vector_store %arg7[%swap3A_635, %swap3A_636, %swap3A_637, %swap3A_638], %gather3A_580 {strides = array<i32>} : memref<2x8x8x128xf32, #tpu.memory_space<vmem>>, vector<16xf32>,
        %gather3A_640 = arith.constant 640 : i32
        %gather3A_641 = tpu.memref_slice %arg5[%gather3A_640] : memref<65536xf32, #tpu.memory_space<vmem>> -> memref<64640xf32, #tpu.memory_space<vmem>>
        %gather3A_642 = tpu.vector_load_idx %gather3A_641[%add3A_506] : memref<64640xf32, #tpu.memory_space<vmem>>[vector<16xi32>], vector<16xf32>,
        %swap3A_643 = arith.constant 0 : i32
        %swap3A_644 = arith.constant 5 : i32
        %swap3A_645 = arith.index_cast %swap3A_643 : i32 to index
        %swap3A_646 = arith.index_cast %scan3A_381 : i32 to index
        %swap3A_647 = arith.index_cast %swap3A_644 : i32 to index
        %swap3A_648 = arith.constant 0 : index
        %swap3A_649 = tpu.vector_load %arg7[%swap3A_645, %swap3A_646, %swap3A_647, %swap3A_648] {strides = array<i32>} : memref<2x8x8x128xf32, #tpu.memory_space<vmem>>, vector<16xf32>,
        tpu.vector_store %arg7[%swap3A_645, %swap3A_646, %swap3A_647, %swap3A_648], %gather3A_583 {strides = array<i32>} : memref<2x8x8x128xf32, #tpu.memory_space<vmem>>, vector<16xf32>,
        %gather3A_650 = arith.constant 768 : i32
        %gather3A_651 = tpu.memref_slice %arg5[%gather3A_650] : memref<65536xf32, #tpu.memory_space<vmem>> -> memref<64640xf32, #tpu.memory_space<vmem>>
        %gather3A_652 = tpu.vector_load_idx %gather3A_651[%add3A_506] : memref<64640xf32, #tpu.memory_space<vmem>>[vector<16xi32>], vector<16xf32>,
        %swap3A_653 = arith.constant 0 : i32
        %swap3A_654 = arith.constant 6 : i32
        %swap3A_655 = arith.index_cast %swap3A_653 : i32 to index
        %swap3A_656 = arith.index_cast %scan3A_381 : i32 to index
        %swap3A_657 = arith.index_cast %swap3A_654 : i32 to index
        %swap3A_658 = arith.constant 0 : index
        %swap3A_659 = tpu.vector_load %arg7[%swap3A_655, %swap3A_656, %swap3A_657, %swap3A_658] {strides = array<i32>} : memref<2x8x8x128xf32, #tpu.memory_space<vmem>>, vector<16xf32>,
        tpu.vector_store %arg7[%swap3A_655, %swap3A_656, %swap3A_657, %swap3A_658], %gather3A_586 {strides = array<i32>} : memref<2x8x8x128xf32, #tpu.memory_space<vmem>>, vector<16xf32>,
        %gather3A_660 = arith.constant 896 : i32
        %gather3A_661 = tpu.memref_slice %arg5[%gather3A_660] : memref<65536xf32, #tpu.memory_space<vmem>> -> memref<64640xf32, #tpu.memory_space<vmem>>
        %gather3A_662 = tpu.vector_load_idx %gather3A_661[%add3A_506] : memref<64640xf32, #tpu.memory_space<vmem>>[vector<16xi32>], vector<16xf32>,
        %swap3A_663 = arith.constant 0 : i32
        %swap3A_664 = arith.constant 7 : i32
        %swap3A_665 = arith.index_cast %swap3A_663 : i32 to index
        %swap3A_666 = arith.index_cast %scan3A_381 : i32 to index
        %swap3A_667 = arith.index_cast %swap3A_664 : i32 to index
        %swap3A_668 = arith.constant 0 : index
        %swap3A_669 = tpu.vector_load %arg7[%swap3A_665, %swap3A_666, %swap3A_667, %swap3A_668] {strides = array<i32>} : memref<2x8x8x128xf32, #tpu.memory_space<vmem>>, vector<16xf32>,
        tpu.vector_store %arg7[%swap3A_665, %swap3A_666, %swap3A_667, %swap3A_668], %gather3A_589 {strides = array<i32>} : memref<2x8x8x128xf32, #tpu.memory_space<vmem>>, vector<16xf32>,
        %gather3A_670 = arith.constant 0 : i32
        %gather3A_671 = tpu.memref_slice %arg5[%gather3A_670] : memref<65536xf32, #tpu.memory_space<vmem>> -> memref<64640xf32, #tpu.memory_space<vmem>>
        %gather3A_672 = tpu.vector_load_idx %gather3A_671[%add3A_516] : memref<64640xf32, #tpu.memory_space<vmem>>[vector<16xi32>], vector<16xf32>,
        %swap3A_673 = arith.constant 0 : i32
        %swap3A_674 = arith.constant 0 : i32
        %swap3A_675 = arith.index_cast %swap3A_673 : i32 to index
        %swap3A_676 = arith.index_cast %scan3A_381 : i32 to index
        %swap3A_677 = arith.index_cast %swap3A_674 : i32 to index
        %swap3A_678 = arith.constant 16 : index
        %swap3A_679 = tpu.vector_load %arg7[%swap3A_675, %swap3A_676, %swap3A_677, %swap3A_678] {strides = array<i32>} : memref<2x8x8x128xf32, #tpu.memory_space<vmem>>, vector<16xf32>,
        tpu.vector_store %arg7[%swap3A_675, %swap3A_676, %swap3A_677, %swap3A_678], %gather3A_592 {strides = array<i32>} : memref<2x8x8x128xf32, #tpu.memory_space<vmem>>, vector<16xf32>,
        %gather3A_680 = arith.constant 128 : i32
        %gather3A_681 = tpu.memref_slice %arg5[%gather3A_680] : memref<65536xf32, #tpu.memory_space<vmem>> -> memref<64640xf32, #tpu.memory_space<vmem>>
        %gather3A_682 = tpu.vector_load_idx %gather3A_681[%add3A_516] : memref<64640xf32, #tpu.memory_space<vmem>>[vector<16xi32>], vector<16xf32>,
        %swap3A_683 = arith.constant 0 : i32
        %swap3A_684 = arith.constant 1 : i32
        %swap3A_685 = arith.index_cast %swap3A_683 : i32 to index
        %swap3A_686 = arith.index_cast %scan3A_381 : i32 to index
        %swap3A_687 = arith.index_cast %swap3A_684 : i32 to index
        %swap3A_688 = arith.constant 16 : index
        %swap3A_689 = tpu.vector_load %arg7[%swap3A_685, %swap3A_686, %swap3A_687, %swap3A_688] {strides = array<i32>} : memref<2x8x8x128xf32, #tpu.memory_space<vmem>>, vector<16xf32>,
        tpu.vector_store %arg7[%swap3A_685, %swap3A_686, %swap3A_687, %swap3A_688], %gather3A_602 {strides = array<i32>} : memref<2x8x8x128xf32, #tpu.memory_space<vmem>>, vector<16xf32>,
        %gather3A_690 = arith.constant 256 : i32
        %gather3A_691 = tpu.memref_slice %arg5[%gather3A_690] : memref<65536xf32, #tpu.memory_space<vmem>> -> memref<64640xf32, #tpu.memory_space<vmem>>
        %gather3A_692 = tpu.vector_load_idx %gather3A_691[%add3A_516] : memref<64640xf32, #tpu.memory_space<vmem>>[vector<16xi32>], vector<16xf32>,
        %swap3A_693 = arith.constant 0 : i32
        %swap3A_694 = arith.constant 2 : i32
        %swap3A_695 = arith.index_cast %swap3A_693 : i32 to index
        %swap3A_696 = arith.index_cast %scan3A_381 : i32 to index
        %swap3A_697 = arith.index_cast %swap3A_694 : i32 to index
        %swap3A_698 = arith.constant 16 : index
        %swap3A_699 = tpu.vector_load %arg7[%swap3A_695, %swap3A_696, %swap3A_697, %swap3A_698] {strides = array<i32>} : memref<2x8x8x128xf32, #tpu.memory_space<vmem>>, vector<16xf32>,
        tpu.vector_store %arg7[%swap3A_695, %swap3A_696, %swap3A_697, %swap3A_698], %gather3A_612 {strides = array<i32>} : memref<2x8x8x128xf32, #tpu.memory_space<vmem>>, vector<16xf32>,
        %gather3A_700 = arith.constant 384 : i32
        %gather3A_701 = tpu.memref_slice %arg5[%gather3A_700] : memref<65536xf32, #tpu.memory_space<vmem>> -> memref<64640xf32, #tpu.memory_space<vmem>>
        %gather3A_702 = tpu.vector_load_idx %gather3A_701[%add3A_516] : memref<64640xf32, #tpu.memory_space<vmem>>[vector<16xi32>], vector<16xf32>,
        %swap3A_703 = arith.constant 0 : i32
        %swap3A_704 = arith.constant 3 : i32
        %swap3A_705 = arith.index_cast %swap3A_703 : i32 to index
        %swap3A_706 = arith.index_cast %scan3A_381 : i32 to index
        %swap3A_707 = arith.index_cast %swap3A_704 : i32 to index
        %swap3A_708 = arith.constant 16 : index
        %swap3A_709 = tpu.vector_load %arg7[%swap3A_705, %swap3A_706, %swap3A_707, %swap3A_708] {strides = array<i32>} : memref<2x8x8x128xf32, #tpu.memory_space<vmem>>, vector<16xf32>,
        tpu.vector_store %arg7[%swap3A_705, %swap3A_706, %swap3A_707, %swap3A_708], %gather3A_622 {strides = array<i32>} : memref<2x8x8x128xf32, #tpu.memory_space<vmem>>, vector<16xf32>,
        %gather3A_710 = arith.constant 512 : i32
        %gather3A_711 = tpu.memref_slice %arg5[%gather3A_710] : memref<65536xf32, #tpu.memory_space<vmem>> -> memref<64640xf32, #tpu.memory_space<vmem>>
        %gather3A_712 = tpu.vector_load_idx %gather3A_711[%add3A_516] : memref<64640xf32, #tpu.memory_space<vmem>>[vector<16xi32>], vector<16xf32>,
        %swap3A_713 = arith.constant 0 : i32
        %swap3A_714 = arith.constant 4 : i32
        %swap3A_715 = arith.index_cast %swap3A_713 : i32 to index
        %swap3A_716 = arith.index_cast %scan3A_381 : i32 to index
        %swap3A_717 = arith.index_cast %swap3A_714 : i32 to index
        %swap3A_718 = arith.constant 16 : index
        %swap3A_719 = tpu.vector_load %arg7[%swap3A_715, %swap3A_716, %swap3A_717, %swap3A_718] {strides = array<i32>} : memref<2x8x8x128xf32, #tpu.memory_space<vmem>>, vector<16xf32>,
        tpu.vector_store %arg7[%swap3A_715, %swap3A_716, %swap3A_717, %swap3A_718], %gather3A_632 {strides = array<i32>} : memref<2x8x8x128xf32, #tpu.memory_space<vmem>>, vector<16xf32>,
        %gather3A_720 = arith.constant 640 : i32
        %gather3A_721 = tpu.memref_slice %arg5[%gather3A_720] : memref<65536xf32, #tpu.memory_space<vmem>> -> memref<64640xf32, #tpu.memory_space<vmem>>
        %gather3A_722 = tpu.vector_load_idx %gather3A_721[%add3A_516] : memref<64640xf32, #tpu.memory_space<vmem>>[vector<16xi32>], vector<16xf32>,
        %swap3A_723 = arith.constant 0 : i32
        %swap3A_724 = arith.constant 5 : i32
        %swap3A_725 = arith.index_cast %swap3A_723 : i32 to index
        %swap3A_726 = arith.index_cast %scan3A_381 : i32 to index
        %swap3A_727 = arith.index_cast %swap3A_724 : i32 to index
        %swap3A_728 = arith.constant 16 : index
        %swap3A_729 = tpu.vector_load %arg7[%swap3A_725, %swap3A_726, %swap3A_727, %swap3A_728] {strides = array<i32>} : memref<2x8x8x128xf32, #tpu.memory_space<vmem>>, vector<16xf32>,
        tpu.vector_store %arg7[%swap3A_725, %swap3A_726, %swap3A_727, %swap3A_728], %gather3A_642 {strides = array<i32>} : memref<2x8x8x128xf32, #tpu.memory_space<vmem>>, vector<16xf32>,
        %gather3A_730 = arith.constant 768 : i32
        %gather3A_731 = tpu.memref_slice %arg5[%gather3A_730] : memref<65536xf32, #tpu.memory_space<vmem>> -> memref<64640xf32, #tpu.memory_space<vmem>>
        %gather3A_732 = tpu.vector_load_idx %gather3A_731[%add3A_516] : memref<64640xf32, #tpu.memory_space<vmem>>[vector<16xi32>], vector<16xf32>,
        %swap3A_733 = arith.constant 0 : i32
        %swap3A_734 = arith.constant 6 : i32
        %swap3A_735 = arith.index_cast %swap3A_733 : i32 to index
        %swap3A_736 = arith.index_cast %scan3A_381 : i32 to index
        %swap3A_737 = arith.index_cast %swap3A_734 : i32 to index
        %swap3A_738 = arith.constant 16 : index
        %swap3A_739 = tpu.vector_load %arg7[%swap3A_735, %swap3A_736, %swap3A_737, %swap3A_738] {strides = array<i32>} : memref<2x8x8x128xf32, #tpu.memory_space<vmem>>, vector<16xf32>,
        tpu.vector_store %arg7[%swap3A_735, %swap3A_736, %swap3A_737, %swap3A_738], %gather3A_652 {strides = array<i32>} : memref<2x8x8x128xf32, #tpu.memory_space<vmem>>, vector<16xf32>,
        %gather3A_740 = arith.constant 896 : i32
        %gather3A_741 = tpu.memref_slice %arg5[%gather3A_740] : memref<65536xf32, #tpu.memory_space<vmem>> -> memref<64640xf32, #tpu.memory_space<vmem>>
        %gather3A_742 = tpu.vector_load_idx %gather3A_741[%add3A_516] : memref<64640xf32, #tpu.memory_space<vmem>>[vector<16xi32>], vector<16xf32>,
        %swap3A_743 = arith.constant 0 : i32
        %swap3A_744 = arith.constant 7 : i32
        %swap3A_745 = arith.index_cast %swap3A_743 : i32 to index
        %swap3A_746 = arith.index_cast %scan3A_381 : i32 to index
        %swap3A_747 = arith.index_cast %swap3A_744 : i32 to index
        %swap3A_748 = arith.constant 16 : index
        %swap3A_749 = tpu.vector_load %arg7[%swap3A_745, %swap3A_746, %swap3A_747, %swap3A_748] {strides = array<i32>} : memref<2x8x8x128xf32, #tpu.memory_space<vmem>>, vector<16xf32>,
        tpu.vector_store %arg7[%swap3A_745, %swap3A_746, %swap3A_747, %swap3A_748], %gather3A_662 {strides = array<i32>} : memref<2x8x8x128xf32, #tpu.memory_space<vmem>>, vector<16xf32>,
        %gather3A_750 = arith.constant 0 : i32
        %gather3A_751 = tpu.memref_slice %arg5[%gather3A_750] : memref<65536xf32, #tpu.memory_space<vmem>> -> memref<64640xf32, #tpu.memory_space<vmem>>
        %gather3A_752 = tpu.vector_load_idx %gather3A_751[%add3A_526] : memref<64640xf32, #tpu.memory_space<vmem>>[vector<16xi32>], vector<16xf32>,
        %swap3A_753 = arith.constant 0 : i32
        %swap3A_754 = arith.constant 0 : i32
        %swap3A_755 = arith.index_cast %swap3A_753 : i32 to index
        %swap3A_756 = arith.index_cast %scan3A_381 : i32 to index
        %swap3A_757 = arith.index_cast %swap3A_754 : i32 to index
        %swap3A_758 = arith.constant 32 : index
        %swap3A_759 = tpu.vector_load %arg7[%swap3A_755, %swap3A_756, %swap3A_757, %swap3A_758] {strides = array<i32>} : memref<2x8x8x128xf32, #tpu.memory_space<vmem>>, vector<16xf32>,
        tpu.vector_store %arg7[%swap3A_755, %swap3A_756, %swap3A_757, %swap3A_758], %gather3A_672 {strides = array<i32>} : memref<2x8x8x128xf32, #tpu.memory_space<vmem>>, vector<16xf32>,
        %gather3A_760 = arith.constant 128 : i32
        %gather3A_761 = tpu.memref_slice %arg5[%gather3A_760] : memref<65536xf32, #tpu.memory_space<vmem>> -> memref<64640xf32, #tpu.memory_space<vmem>>
        %gather3A_762 = tpu.vector_load_idx %gather3A_761[%add3A_526] : memref<64640xf32, #tpu.memory_space<vmem>>[vector<16xi32>], vector<16xf32>,
        %swap3A_763 = arith.constant 0 : i32
        %swap3A_764 = arith.constant 1 : i32
        %swap3A_765 = arith.index_cast %swap3A_763 : i32 to index
        %swap3A_766 = arith.index_cast %scan3A_381 : i32 to index
        %swap3A_767 = arith.index_cast %swap3A_764 : i32 to index
        %swap3A_768 = arith.constant 32 : index
        %swap3A_769 = tpu.vector_load %arg7[%swap3A_765, %swap3A_766, %swap3A_767, %swap3A_768] {strides = array<i32>} : memref<2x8x8x128xf32, #tpu.memory_space<vmem>>, vector<16xf32>,
        tpu.vector_store %arg7[%swap3A_765, %swap3A_766, %swap3A_767, %swap3A_768], %gather3A_682 {strides = array<i32>} : memref<2x8x8x128xf32, #tpu.memory_space<vmem>>, vector<16xf32>,
        %gather3A_770 = arith.constant 256 : i32
        %gather3A_771 = tpu.memref_slice %arg5[%gather3A_770] : memref<65536xf32, #tpu.memory_space<vmem>> -> memref<64640xf32, #tpu.memory_space<vmem>>
        %gather3A_772 = tpu.vector_load_idx %gather3A_771[%add3A_526] : memref<64640xf32, #tpu.memory_space<vmem>>[vector<16xi32>], vector<16xf32>,
        %swap3A_773 = arith.constant 0 : i32
        %swap3A_774 = arith.constant 2 : i32
        %swap3A_775 = arith.index_cast %swap3A_773 : i32 to index
        %swap3A_776 = arith.index_cast %scan3A_381 : i32 to index
        %swap3A_777 = arith.index_cast %swap3A_774 : i32 to index
        %swap3A_778 = arith.constant 32 : index
        %swap3A_779 = tpu.vector_load %arg7[%swap3A_775, %swap3A_776, %swap3A_777, %swap3A_778] {strides = array<i32>} : memref<2x8x8x128xf32, #tpu.memory_space<vmem>>, vector<16xf32>,
        tpu.vector_store %arg7[%swap3A_775, %swap3A_776, %swap3A_777, %swap3A_778], %gather3A_692 {strides = array<i32>} : memref<2x8x8x128xf32, #tpu.memory_space<vmem>>, vector<16xf32>,
        %gather3A_780 = arith.constant 384 : i32
        %gather3A_781 = tpu.memref_slice %arg5[%gather3A_780] : memref<65536xf32, #tpu.memory_space<vmem>> -> memref<64640xf32, #tpu.memory_space<vmem>>
        %gather3A_782 = tpu.vector_load_idx %gather3A_781[%add3A_526] : memref<64640xf32, #tpu.memory_space<vmem>>[vector<16xi32>], vector<16xf32>,
        %swap3A_783 = arith.constant 0 : i32
        %swap3A_784 = arith.constant 3 : i32
        %swap3A_785 = arith.index_cast %swap3A_783 : i32 to index
        %swap3A_786 = arith.index_cast %scan3A_381 : i32 to index
        %swap3A_787 = arith.index_cast %swap3A_784 : i32 to index
        %swap3A_788 = arith.constant 32 : index
        %swap3A_789 = tpu.vector_load %arg7[%swap3A_785, %swap3A_786, %swap3A_787, %swap3A_788] {strides = array<i32>} : memref<2x8x8x128xf32, #tpu.memory_space<vmem>>, vector<16xf32>,
        tpu.vector_store %arg7[%swap3A_785, %swap3A_786, %swap3A_787, %swap3A_788], %gather3A_702 {strides = array<i32>} : memref<2x8x8x128xf32, #tpu.memory_space<vmem>>, vector<16xf32>,
        %gather3A_790 = arith.constant 512 : i32
        %gather3A_791 = tpu.memref_slice %arg5[%gather3A_790] : memref<65536xf32, #tpu.memory_space<vmem>> -> memref<64640xf32, #tpu.memory_space<vmem>>
        %gather3A_792 = tpu.vector_load_idx %gather3A_791[%add3A_526] : memref<64640xf32, #tpu.memory_space<vmem>>[vector<16xi32>], vector<16xf32>,
        %swap3A_793 = arith.constant 0 : i32
        %swap3A_794 = arith.constant 4 : i32
        %swap3A_795 = arith.index_cast %swap3A_793 : i32 to index
        %swap3A_796 = arith.index_cast %scan3A_381 : i32 to index
        %swap3A_797 = arith.index_cast %swap3A_794 : i32 to index
        %swap3A_798 = arith.constant 32 : index
        %swap3A_799 = tpu.vector_load %arg7[%swap3A_795, %swap3A_796, %swap3A_797, %swap3A_798] {strides = array<i32>} : memref<2x8x8x128xf32, #tpu.memory_space<vmem>>, vector<16xf32>,
        tpu.vector_store %arg7[%swap3A_795, %swap3A_796, %swap3A_797, %swap3A_798], %gather3A_712 {strides = array<i32>} : memref<2x8x8x128xf32, #tpu.memory_space<vmem>>, vector<16xf32>,
        %gather3A_800 = arith.constant 640 : i32
        %gather3A_801 = tpu.memref_slice %arg5[%gather3A_800] : memref<65536xf32, #tpu.memory_space<vmem>> -> memref<64640xf32, #tpu.memory_space<vmem>>
        %gather3A_802 = tpu.vector_load_idx %gather3A_801[%add3A_526] : memref<64640xf32, #tpu.memory_space<vmem>>[vector<16xi32>], vector<16xf32>,
        %swap3A_803 = arith.constant 0 : i32
        %swap3A_804 = arith.constant 5 : i32
        %swap3A_805 = arith.index_cast %swap3A_803 : i32 to index
        %swap3A_806 = arith.index_cast %scan3A_381 : i32 to index
        %swap3A_807 = arith.index_cast %swap3A_804 : i32 to index
        %swap3A_808 = arith.constant 32 : index
        %swap3A_809 = tpu.vector_load %arg7[%swap3A_805, %swap3A_806, %swap3A_807, %swap3A_808] {strides = array<i32>} : memref<2x8x8x128xf32, #tpu.memory_space<vmem>>, vector<16xf32>,
        tpu.vector_store %arg7[%swap3A_805, %swap3A_806, %swap3A_807, %swap3A_808], %gather3A_722 {strides = array<i32>} : memref<2x8x8x128xf32, #tpu.memory_space<vmem>>, vector<16xf32>,
        %gather3A_810 = arith.constant 768 : i32
        %gather3A_811 = tpu.memref_slice %arg5[%gather3A_810] : memref<65536xf32, #tpu.memory_space<vmem>> -> memref<64640xf32, #tpu.memory_space<vmem>>
        %gather3A_812 = tpu.vector_load_idx %gather3A_811[%add3A_526] : memref<64640xf32, #tpu.memory_space<vmem>>[vector<16xi32>], vector<16xf32>,
        %swap3A_813 = arith.constant 0 : i32
        %swap3A_814 = arith.constant 6 : i32
        %swap3A_815 = arith.index_cast %swap3A_813 : i32 to index
        %swap3A_816 = arith.index_cast %scan3A_381 : i32 to index
        %swap3A_817 = arith.index_cast %swap3A_814 : i32 to index
        %swap3A_818 = arith.constant 32 : index
        %swap3A_819 = tpu.vector_load %arg7[%swap3A_815, %swap3A_816, %swap3A_817, %swap3A_818] {strides = array<i32>} : memref<2x8x8x128xf32, #tpu.memory_space<vmem>>, vector<16xf32>,
        tpu.vector_store %arg7[%swap3A_815, %swap3A_816, %swap3A_817, %swap3A_818], %gather3A_732 {strides = array<i32>} : memref<2x8x8x128xf32, #tpu.memory_space<vmem>>, vector<16xf32>,
        %gather3A_820 = arith.constant 896 : i32
        %gather3A_821 = tpu.memref_slice %arg5[%gather3A_820] : memref<65536xf32, #tpu.memory_space<vmem>> -> memref<64640xf32, #tpu.memory_space<vmem>>
        %gather3A_822 = tpu.vector_load_idx %gather3A_821[%add3A_526] : memref<64640xf32, #tpu.memory_space<vmem>>[vector<16xi32>], vector<16xf32>,
        %swap3A_823 = arith.constant 0 : i32
        %swap3A_824 = arith.constant 7 : i32
        %swap3A_825 = arith.index_cast %swap3A_823 : i32 to index
        %swap3A_826 = arith.index_cast %scan3A_381 : i32 to index
        %swap3A_827 = arith.index_cast %swap3A_824 : i32 to index
        %swap3A_828 = arith.constant 32 : index
        %swap3A_829 = tpu.vector_load %arg7[%swap3A_825, %swap3A_826, %swap3A_827, %swap3A_828] {strides = array<i32>} : memref<2x8x8x128xf32, #tpu.memory_space<vmem>>, vector<16xf32>,
        tpu.vector_store %arg7[%swap3A_825, %swap3A_826, %swap3A_827, %swap3A_828], %gather3A_742 {strides = array<i32>} : memref<2x8x8x128xf32, #tpu.memory_space<vmem>>, vector<16xf32>,
        %gather3A_830 = arith.constant 0 : i32
        %gather3A_831 = tpu.memref_slice %arg5[%gather3A_830] : memref<65536xf32, #tpu.memory_space<vmem>> -> memref<64640xf32, #tpu.memory_space<vmem>>
        %gather3A_832 = tpu.vector_load_idx %gather3A_831[%add3A_536] : memref<64640xf32, #tpu.memory_space<vmem>>[vector<16xi32>], vector<16xf32>,
        %swap3A_833 = arith.constant 0 : i32
        %swap3A_834 = arith.constant 0 : i32
        %swap3A_835 = arith.index_cast %swap3A_833 : i32 to index
        %swap3A_836 = arith.index_cast %scan3A_381 : i32 to index
        %swap3A_837 = arith.index_cast %swap3A_834 : i32 to index
        %swap3A_838 = arith.constant 48 : index
        %swap3A_839 = tpu.vector_load %arg7[%swap3A_835, %swap3A_836, %swap3A_837, %swap3A_838] {strides = array<i32>} : memref<2x8x8x128xf32, #tpu.memory_space<vmem>>, vector<16xf32>,
        tpu.vector_store %arg7[%swap3A_835, %swap3A_836, %swap3A_837, %swap3A_838], %gather3A_752 {strides = array<i32>} : memref<2x8x8x128xf32, #tpu.memory_space<vmem>>, vector<16xf32>,
        %gather3A_840 = arith.constant 128 : i32
        %gather3A_841 = tpu.memref_slice %arg5[%gather3A_840] : memref<65536xf32, #tpu.memory_space<vmem>> -> memref<64640xf32, #tpu.memory_space<vmem>>
        %gather3A_842 = tpu.vector_load_idx %gather3A_841[%add3A_536] : memref<64640xf32, #tpu.memory_space<vmem>>[vector<16xi32>], vector<16xf32>,
        %swap3A_843 = arith.constant 0 : i32
        %swap3A_844 = arith.constant 1 : i32
        %swap3A_845 = arith.index_cast %swap3A_843 : i32 to index
        %swap3A_846 = arith.index_cast %scan3A_381 : i32 to index
        %swap3A_847 = arith.index_cast %swap3A_844 : i32 to index
        %swap3A_848 = arith.constant 48 : index
        %swap3A_849 = tpu.vector_load %arg7[%swap3A_845, %swap3A_846, %swap3A_847, %swap3A_848] {strides = array<i32>} : memref<2x8x8x128xf32, #tpu.memory_space<vmem>>, vector<16xf32>,
        tpu.vector_store %arg7[%swap3A_845, %swap3A_846, %swap3A_847, %swap3A_848], %gather3A_762 {strides = array<i32>} : memref<2x8x8x128xf32, #tpu.memory_space<vmem>>, vector<16xf32>,
        %gather3A_850 = arith.constant 256 : i32
        %gather3A_851 = tpu.memref_slice %arg5[%gather3A_850] : memref<65536xf32, #tpu.memory_space<vmem>> -> memref<64640xf32, #tpu.memory_space<vmem>>
        %gather3A_852 = tpu.vector_load_idx %gather3A_851[%add3A_536] : memref<64640xf32, #tpu.memory_space<vmem>>[vector<16xi32>], vector<16xf32>,
        %swap3A_853 = arith.constant 0 : i32
        %swap3A_854 = arith.constant 2 : i32
        %swap3A_855 = arith.index_cast %swap3A_853 : i32 to index
        %swap3A_856 = arith.index_cast %scan3A_381 : i32 to index
        %swap3A_857 = arith.index_cast %swap3A_854 : i32 to index
        %swap3A_858 = arith.constant 48 : index
        %swap3A_859 = tpu.vector_load %arg7[%swap3A_855, %swap3A_856, %swap3A_857, %swap3A_858] {strides = array<i32>} : memref<2x8x8x128xf32, #tpu.memory_space<vmem>>, vector<16xf32>,
        tpu.vector_store %arg7[%swap3A_855, %swap3A_856, %swap3A_857, %swap3A_858], %gather3A_772 {strides = array<i32>} : memref<2x8x8x128xf32, #tpu.memory_space<vmem>>, vector<16xf32>,
        %gather3A_860 = arith.constant 384 : i32
        %gather3A_861 = tpu.memref_slice %arg5[%gather3A_860] : memref<65536xf32, #tpu.memory_space<vmem>> -> memref<64640xf32, #tpu.memory_space<vmem>>
        %gather3A_862 = tpu.vector_load_idx %gather3A_861[%add3A_536] : memref<64640xf32, #tpu.memory_space<vmem>>[vector<16xi32>], vector<16xf32>,
        %swap3A_863 = arith.constant 0 : i32
        %swap3A_864 = arith.constant 3 : i32
        %swap3A_865 = arith.index_cast %swap3A_863 : i32 to index
        %swap3A_866 = arith.index_cast %scan3A_381 : i32 to index
        %swap3A_867 = arith.index_cast %swap3A_864 : i32 to index
        %swap3A_868 = arith.constant 48 : index
        %swap3A_869 = tpu.vector_load %arg7[%swap3A_865, %swap3A_866, %swap3A_867, %swap3A_868] {strides = array<i32>} : memref<2x8x8x128xf32, #tpu.memory_space<vmem>>, vector<16xf32>,
        tpu.vector_store %arg7[%swap3A_865, %swap3A_866, %swap3A_867, %swap3A_868], %gather3A_782 {strides = array<i32>} : memref<2x8x8x128xf32, #tpu.memory_space<vmem>>, vector<16xf32>,
        %gather3A_870 = arith.constant 512 : i32
        %gather3A_871 = tpu.memref_slice %arg5[%gather3A_870] : memref<65536xf32, #tpu.memory_space<vmem>> -> memref<64640xf32, #tpu.memory_space<vmem>>
        %gather3A_872 = tpu.vector_load_idx %gather3A_871[%add3A_536] : memref<64640xf32, #tpu.memory_space<vmem>>[vector<16xi32>], vector<16xf32>,
        %swap3A_873 = arith.constant 0 : i32
        %swap3A_874 = arith.constant 4 : i32
        %swap3A_875 = arith.index_cast %swap3A_873 : i32 to index
        %swap3A_876 = arith.index_cast %scan3A_381 : i32 to index
        %swap3A_877 = arith.index_cast %swap3A_874 : i32 to index
        %swap3A_878 = arith.constant 48 : index
        %swap3A_879 = tpu.vector_load %arg7[%swap3A_875, %swap3A_876, %swap3A_877, %swap3A_878] {strides = array<i32>} : memref<2x8x8x128xf32, #tpu.memory_space<vmem>>, vector<16xf32>,
        tpu.vector_store %arg7[%swap3A_875, %swap3A_876, %swap3A_877, %swap3A_878], %gather3A_792 {strides = array<i32>} : memref<2x8x8x128xf32, #tpu.memory_space<vmem>>, vector<16xf32>,
        %gather3A_880 = arith.constant 640 : i32
        %gather3A_881 = tpu.memref_slice %arg5[%gather3A_880] : memref<65536xf32, #tpu.memory_space<vmem>> -> memref<64640xf32, #tpu.memory_space<vmem>>
        %gather3A_882 = tpu.vector_load_idx %gather3A_881[%add3A_536] : memref<64640xf32, #tpu.memory_space<vmem>>[vector<16xi32>], vector<16xf32>,
        %swap3A_883 = arith.constant 0 : i32
        %swap3A_884 = arith.constant 5 : i32
        %swap3A_885 = arith.index_cast %swap3A_883 : i32 to index
        %swap3A_886 = arith.index_cast %scan3A_381 : i32 to index
        %swap3A_887 = arith.index_cast %swap3A_884 : i32 to index
        %swap3A_888 = arith.constant 48 : index
        %swap3A_889 = tpu.vector_load %arg7[%swap3A_885, %swap3A_886, %swap3A_887, %swap3A_888] {strides = array<i32>} : memref<2x8x8x128xf32, #tpu.memory_space<vmem>>, vector<16xf32>,
        tpu.vector_store %arg7[%swap3A_885, %swap3A_886, %swap3A_887, %swap3A_888], %gather3A_802 {strides = array<i32>} : memref<2x8x8x128xf32, #tpu.memory_space<vmem>>, vector<16xf32>,
        %gather3A_890 = arith.constant 768 : i32
        %gather3A_891 = tpu.memref_slice %arg5[%gather3A_890] : memref<65536xf32, #tpu.memory_space<vmem>> -> memref<64640xf32, #tpu.memory_space<vmem>>
        %gather3A_892 = tpu.vector_load_idx %gather3A_891[%add3A_536] : memref<64640xf32, #tpu.memory_space<vmem>>[vector<16xi32>], vector<16xf32>,
        %swap3A_893 = arith.constant 0 : i32
        %swap3A_894 = arith.constant 6 : i32
        %swap3A_895 = arith.index_cast %swap3A_893 : i32 to index
        %swap3A_896 = arith.index_cast %scan3A_381 : i32 to index
        %swap3A_897 = arith.index_cast %swap3A_894 : i32 to index
        %swap3A_898 = arith.constant 48 : index
        %swap3A_899 = tpu.vector_load %arg7[%swap3A_895, %swap3A_896, %swap3A_897, %swap3A_898] {strides = array<i32>} : memref<2x8x8x128xf32, #tpu.memory_space<vmem>>, vector<16xf32>,
        tpu.vector_store %arg7[%swap3A_895, %swap3A_896, %swap3A_897, %swap3A_898], %gather3A_812 {strides = array<i32>} : memref<2x8x8x128xf32, #tpu.memory_space<vmem>>, vector<16xf32>,
        %gather3A_900 = arith.constant 896 : i32
        %gather3A_901 = tpu.memref_slice %arg5[%gather3A_900] : memref<65536xf32, #tpu.memory_space<vmem>> -> memref<64640xf32, #tpu.memory_space<vmem>>
        %gather3A_902 = tpu.vector_load_idx %gather3A_901[%add3A_536] : memref<64640xf32, #tpu.memory_space<vmem>>[vector<16xi32>], vector<16xf32>,
        %swap3A_903 = arith.constant 0 : i32
        %swap3A_904 = arith.constant 7 : i32
        %swap3A_905 = arith.index_cast %swap3A_903 : i32 to index
        %swap3A_906 = arith.index_cast %scan3A_381 : i32 to index
        %swap3A_907 = arith.index_cast %swap3A_904 : i32 to index
        %swap3A_908 = arith.constant 48 : index
        %swap3A_909 = tpu.vector_load %arg7[%swap3A_905, %swap3A_906, %swap3A_907, %swap3A_908] {strides = array<i32>} : memref<2x8x8x128xf32, #tpu.memory_space<vmem>>, vector<16xf32>,
        tpu.vector_store %arg7[%swap3A_905, %swap3A_906, %swap3A_907, %swap3A_908], %gather3A_822 {strides = array<i32>} : memref<2x8x8x128xf32, #tpu.memory_space<vmem>>, vector<16xf32>,
        %gather3A_910 = arith.constant 0 : i32
        %gather3A_911 = tpu.memref_slice %arg5[%gather3A_910] : memref<65536xf32, #tpu.memory_space<vmem>> -> memref<64640xf32, #tpu.memory_space<vmem>>
        %gather3A_912 = tpu.vector_load_idx %gather3A_911[%add3A_546] : memref<64640xf32, #tpu.memory_space<vmem>>[vector<16xi32>], vector<16xf32>,
        %swap3A_913 = arith.constant 0 : i32
        %swap3A_914 = arith.constant 0 : i32
        %swap3A_915 = arith.index_cast %swap3A_913 : i32 to index
        %swap3A_916 = arith.index_cast %scan3A_381 : i32 to index
        %swap3A_917 = arith.index_cast %swap3A_914 : i32 to index
        %swap3A_918 = arith.constant 64 : index
        %swap3A_919 = tpu.vector_load %arg7[%swap3A_915, %swap3A_916, %swap3A_917, %swap3A_918] {strides = array<i32>} : memref<2x8x8x128xf32, #tpu.memory_space<vmem>>, vector<16xf32>,
        tpu.vector_store %arg7[%swap3A_915, %swap3A_916, %swap3A_917, %swap3A_918], %gather3A_832 {strides = array<i32>} : memref<2x8x8x128xf32, #tpu.memory_space<vmem>>, vector<16xf32>,
        %gather3A_920 = arith.constant 128 : i32
        %gather3A_921 = tpu.memref_slice %arg5[%gather3A_920] : memref<65536xf32, #tpu.memory_space<vmem>> -> memref<64640xf32, #tpu.memory_space<vmem>>
        %gather3A_922 = tpu.vector_load_idx %gather3A_921[%add3A_546] : memref<64640xf32, #tpu.memory_space<vmem>>[vector<16xi32>], vector<16xf32>,
        %swap3A_923 = arith.constant 0 : i32
        %swap3A_924 = arith.constant 1 : i32
        %swap3A_925 = arith.index_cast %swap3A_923 : i32 to index
        %swap3A_926 = arith.index_cast %scan3A_381 : i32 to index
        %swap3A_927 = arith.index_cast %swap3A_924 : i32 to index
        %swap3A_928 = arith.constant 64 : index
        %swap3A_929 = tpu.vector_load %arg7[%swap3A_925, %swap3A_926, %swap3A_927, %swap3A_928] {strides = array<i32>} : memref<2x8x8x128xf32, #tpu.memory_space<vmem>>, vector<16xf32>,
        tpu.vector_store %arg7[%swap3A_925, %swap3A_926, %swap3A_927, %swap3A_928], %gather3A_842 {strides = array<i32>} : memref<2x8x8x128xf32, #tpu.memory_space<vmem>>, vector<16xf32>,
        %gather3A_930 = arith.constant 256 : i32
        %gather3A_931 = tpu.memref_slice %arg5[%gather3A_930] : memref<65536xf32, #tpu.memory_space<vmem>> -> memref<64640xf32, #tpu.memory_space<vmem>>
        %gather3A_932 = tpu.vector_load_idx %gather3A_931[%add3A_546] : memref<64640xf32, #tpu.memory_space<vmem>>[vector<16xi32>], vector<16xf32>,
        %swap3A_933 = arith.constant 0 : i32
        %swap3A_934 = arith.constant 2 : i32
        %swap3A_935 = arith.index_cast %swap3A_933 : i32 to index
        %swap3A_936 = arith.index_cast %scan3A_381 : i32 to index
        %swap3A_937 = arith.index_cast %swap3A_934 : i32 to index
        %swap3A_938 = arith.constant 64 : index
        %swap3A_939 = tpu.vector_load %arg7[%swap3A_935, %swap3A_936, %swap3A_937, %swap3A_938] {strides = array<i32>} : memref<2x8x8x128xf32, #tpu.memory_space<vmem>>, vector<16xf32>,
        tpu.vector_store %arg7[%swap3A_935, %swap3A_936, %swap3A_937, %swap3A_938], %gather3A_852 {strides = array<i32>} : memref<2x8x8x128xf32, #tpu.memory_space<vmem>>, vector<16xf32>,
        %gather3A_940 = arith.constant 384 : i32
        %gather3A_941 = tpu.memref_slice %arg5[%gather3A_940] : memref<65536xf32, #tpu.memory_space<vmem>> -> memref<64640xf32, #tpu.memory_space<vmem>>
        %gather3A_942 = tpu.vector_load_idx %gather3A_941[%add3A_546] : memref<64640xf32, #tpu.memory_space<vmem>>[vector<16xi32>], vector<16xf32>,
        %swap3A_943 = arith.constant 0 : i32
        %swap3A_944 = arith.constant 3 : i32
        %swap3A_945 = arith.index_cast %swap3A_943 : i32 to index
        %swap3A_946 = arith.index_cast %scan3A_381 : i32 to index
        %swap3A_947 = arith.index_cast %swap3A_944 : i32 to index
        %swap3A_948 = arith.constant 64 : index
        %swap3A_949 = tpu.vector_load %arg7[%swap3A_945, %swap3A_946, %swap3A_947, %swap3A_948] {strides = array<i32>} : memref<2x8x8x128xf32, #tpu.memory_space<vmem>>, vector<16xf32>,
        tpu.vector_store %arg7[%swap3A_945, %swap3A_946, %swap3A_947, %swap3A_948], %gather3A_862 {strides = array<i32>} : memref<2x8x8x128xf32, #tpu.memory_space<vmem>>, vector<16xf32>,
        %gather3A_950 = arith.constant 512 : i32
        %gather3A_951 = tpu.memref_slice %arg5[%gather3A_950] : memref<65536xf32, #tpu.memory_space<vmem>> -> memref<64640xf32, #tpu.memory_space<vmem>>
        %gather3A_952 = tpu.vector_load_idx %gather3A_951[%add3A_546] : memref<64640xf32, #tpu.memory_space<vmem>>[vector<16xi32>], vector<16xf32>,
        %swap3A_953 = arith.constant 0 : i32
        %swap3A_954 = arith.constant 4 : i32
        %swap3A_955 = arith.index_cast %swap3A_953 : i32 to index
        %swap3A_956 = arith.index_cast %scan3A_381 : i32 to index
        %swap3A_957 = arith.index_cast %swap3A_954 : i32 to index
        %swap3A_958 = arith.constant 64 : index
        %swap3A_959 = tpu.vector_load %arg7[%swap3A_955, %swap3A_956, %swap3A_957, %swap3A_958] {strides = array<i32>} : memref<2x8x8x128xf32, #tpu.memory_space<vmem>>, vector<16xf32>,
        tpu.vector_store %arg7[%swap3A_955, %swap3A_956, %swap3A_957, %swap3A_958], %gather3A_872 {strides = array<i32>} : memref<2x8x8x128xf32, #tpu.memory_space<vmem>>, vector<16xf32>,
        %gather3A_960 = arith.constant 640 : i32
        %gather3A_961 = tpu.memref_slice %arg5[%gather3A_960] : memref<65536xf32, #tpu.memory_space<vmem>> -> memref<64640xf32, #tpu.memory_space<vmem>>
        %gather3A_962 = tpu.vector_load_idx %gather3A_961[%add3A_546] : memref<64640xf32, #tpu.memory_space<vmem>>[vector<16xi32>], vector<16xf32>,
        %swap3A_963 = arith.constant 0 : i32
        %swap3A_964 = arith.constant 5 : i32
        %swap3A_965 = arith.index_cast %swap3A_963 : i32 to index
        %swap3A_966 = arith.index_cast %scan3A_381 : i32 to index
        %swap3A_967 = arith.index_cast %swap3A_964 : i32 to index
        %swap3A_968 = arith.constant 64 : index
        %swap3A_969 = tpu.vector_load %arg7[%swap3A_965, %swap3A_966, %swap3A_967, %swap3A_968] {strides = array<i32>} : memref<2x8x8x128xf32, #tpu.memory_space<vmem>>, vector<16xf32>,
        tpu.vector_store %arg7[%swap3A_965, %swap3A_966, %swap3A_967, %swap3A_968], %gather3A_882 {strides = array<i32>} : memref<2x8x8x128xf32, #tpu.memory_space<vmem>>, vector<16xf32>,
        %gather3A_970 = arith.constant 768 : i32
        %gather3A_971 = tpu.memref_slice %arg5[%gather3A_970] : memref<65536xf32, #tpu.memory_space<vmem>> -> memref<64640xf32, #tpu.memory_space<vmem>>
        %gather3A_972 = tpu.vector_load_idx %gather3A_971[%add3A_546] : memref<64640xf32, #tpu.memory_space<vmem>>[vector<16xi32>], vector<16xf32>,
        %swap3A_973 = arith.constant 0 : i32
        %swap3A_974 = arith.constant 6 : i32
        %swap3A_975 = arith.index_cast %swap3A_973 : i32 to index
        %swap3A_976 = arith.index_cast %scan3A_381 : i32 to index
        %swap3A_977 = arith.index_cast %swap3A_974 : i32 to index
        %swap3A_978 = arith.constant 64 : index
        %swap3A_979 = tpu.vector_load %arg7[%swap3A_975, %swap3A_976, %swap3A_977, %swap3A_978] {strides = array<i32>} : memref<2x8x8x128xf32, #tpu.memory_space<vmem>>, vector<16xf32>,
        tpu.vector_store %arg7[%swap3A_975, %swap3A_976, %swap3A_977, %swap3A_978], %gather3A_892 {strides = array<i32>} : memref<2x8x8x128xf32, #tpu.memory_space<vmem>>, vector<16xf32>,
        %gather3A_980 = arith.constant 896 : i32
        %gather3A_981 = tpu.memref_slice %arg5[%gather3A_980] : memref<65536xf32, #tpu.memory_space<vmem>> -> memref<64640xf32, #tpu.memory_space<vmem>>
        %gather3A_982 = tpu.vector_load_idx %gather3A_981[%add3A_546] : memref<64640xf32, #tpu.memory_space<vmem>>[vector<16xi32>], vector<16xf32>,
        %swap3A_983 = arith.constant 0 : i32
        %swap3A_984 = arith.constant 7 : i32
        %swap3A_985 = arith.index_cast %swap3A_983 : i32 to index
        %swap3A_986 = arith.index_cast %scan3A_381 : i32 to index
        %swap3A_987 = arith.index_cast %swap3A_984 : i32 to index
        %swap3A_988 = arith.constant 64 : index
        %swap3A_989 = tpu.vector_load %arg7[%swap3A_985, %swap3A_986, %swap3A_987, %swap3A_988] {strides = array<i32>} : memref<2x8x8x128xf32, #tpu.memory_space<vmem>>, vector<16xf32>,
        tpu.vector_store %arg7[%swap3A_985, %swap3A_986, %swap3A_987, %swap3A_988], %gather3A_902 {strides = array<i32>} : memref<2x8x8x128xf32, #tpu.memory_space<vmem>>, vector<16xf32>,
        %gather3A_990 = arith.constant 0 : i32
        %gather3A_991 = tpu.memref_slice %arg5[%gather3A_990] : memref<65536xf32, #tpu.memory_space<vmem>> -> memref<64640xf32, #tpu.memory_space<vmem>>
        %gather3A_992 = tpu.vector_load_idx %gather3A_991[%add3A_556] : memref<64640xf32, #tpu.memory_space<vmem>>[vector<16xi32>], vector<16xf32>,
        %swap3A_993 = arith.constant 0 : i32
        %swap3A_994 = arith.constant 0 : i32
        %swap3A_995 = arith.index_cast %swap3A_993 : i32 to index
        %swap3A_996 = arith.index_cast %scan3A_381 : i32 to index
        %swap3A_997 = arith.index_cast %swap3A_994 : i32 to index
        %swap3A_998 = arith.constant 80 : index
        %swap3A_999 = tpu.vector_load %arg7[%swap3A_995, %swap3A_996, %swap3A_997, %swap3A_998] {strides = array<i32>} : memref<2x8x8x128xf32, #tpu.memory_space<vmem>>, vector<16xf32>,
        tpu.vector_store %arg7[%swap3A_995, %swap3A_996, %swap3A_997, %swap3A_998], %gather3A_912 {strides = array<i32>} : memref<2x8x8x128xf32, #tpu.memory_space<vmem>>, vector<16xf32>,
        %gather3A_1000 = arith.constant 128 : i32
        %gather3A_1001 = tpu.memref_slice %arg5[%gather3A_1000] : memref<65536xf32, #tpu.memory_space<vmem>> -> memref<64640xf32, #tpu.memory_space<vmem>>
        %gather3A_1002 = tpu.vector_load_idx %gather3A_1001[%add3A_556] : memref<64640xf32, #tpu.memory_space<vmem>>[vector<16xi32>], vector<16xf32>,
        %swap3A_1003 = arith.constant 0 : i32
        %swap3A_1004 = arith.constant 1 : i32
        %swap3A_1005 = arith.index_cast %swap3A_1003 : i32 to index
        %swap3A_1006 = arith.index_cast %scan3A_381 : i32 to index
        %swap3A_1007 = arith.index_cast %swap3A_1004 : i32 to index
        %swap3A_1008 = arith.constant 80 : index
        %swap3A_1009 = tpu.vector_load %arg7[%swap3A_1005, %swap3A_1006, %swap3A_1007, %swap3A_1008] {strides = array<i32>} : memref<2x8x8x128xf32, #tpu.memory_space<vmem>>, vector<16xf32>,
        tpu.vector_store %arg7[%swap3A_1005, %swap3A_1006, %swap3A_1007, %swap3A_1008], %gather3A_922 {strides = array<i32>} : memref<2x8x8x128xf32, #tpu.memory_space<vmem>>, vector<16xf32>,
        %gather3A_1010 = arith.constant 256 : i32
        %gather3A_1011 = tpu.memref_slice %arg5[%gather3A_1010] : memref<65536xf32, #tpu.memory_space<vmem>> -> memref<64640xf32, #tpu.memory_space<vmem>>
        %gather3A_1012 = tpu.vector_load_idx %gather3A_1011[%add3A_556] : memref<64640xf32, #tpu.memory_space<vmem>>[vector<16xi32>], vector<16xf32>,
        %swap3A_1013 = arith.constant 0 : i32
        %swap3A_1014 = arith.constant 2 : i32
        %swap3A_1015 = arith.index_cast %swap3A_1013 : i32 to index
        %swap3A_1016 = arith.index_cast %scan3A_381 : i32 to index
        %swap3A_1017 = arith.index_cast %swap3A_1014 : i32 to index
        %swap3A_1018 = arith.constant 80 : index
        %swap3A_1019 = tpu.vector_load %arg7[%swap3A_1015, %swap3A_1016, %swap3A_1017, %swap3A_1018] {strides = array<i32>} : memref<2x8x8x128xf32, #tpu.memory_space<vmem>>, vector<16xf32>,
        tpu.vector_store %arg7[%swap3A_1015, %swap3A_1016, %swap3A_1017, %swap3A_1018], %gather3A_932 {strides = array<i32>} : memref<2x8x8x128xf32, #tpu.memory_space<vmem>>, vector<16xf32>,
        %gather3A_1020 = arith.constant 384 : i32
        %gather3A_1021 = tpu.memref_slice %arg5[%gather3A_1020] : memref<65536xf32, #tpu.memory_space<vmem>> -> memref<64640xf32, #tpu.memory_space<vmem>>
        %gather3A_1022 = tpu.vector_load_idx %gather3A_1021[%add3A_556] : memref<64640xf32, #tpu.memory_space<vmem>>[vector<16xi32>], vector<16xf32>,
        %swap3A_1023 = arith.constant 0 : i32
        %swap3A_1024 = arith.constant 3 : i32
        %swap3A_1025 = arith.index_cast %swap3A_1023 : i32 to index
        %swap3A_1026 = arith.index_cast %scan3A_381 : i32 to index
        %swap3A_1027 = arith.index_cast %swap3A_1024 : i32 to index
        %swap3A_1028 = arith.constant 80 : index
        %swap3A_1029 = tpu.vector_load %arg7[%swap3A_1025, %swap3A_1026, %swap3A_1027, %swap3A_1028] {strides = array<i32>} : memref<2x8x8x128xf32, #tpu.memory_space<vmem>>, vector<16xf32>,
        tpu.vector_store %arg7[%swap3A_1025, %swap3A_1026, %swap3A_1027, %swap3A_1028], %gather3A_942 {strides = array<i32>} : memref<2x8x8x128xf32, #tpu.memory_space<vmem>>, vector<16xf32>,
        %gather3A_1030 = arith.constant 512 : i32
        %gather3A_1031 = tpu.memref_slice %arg5[%gather3A_1030] : memref<65536xf32, #tpu.memory_space<vmem>> -> memref<64640xf32, #tpu.memory_space<vmem>>
        %gather3A_1032 = tpu.vector_load_idx %gather3A_1031[%add3A_556] : memref<64640xf32, #tpu.memory_space<vmem>>[vector<16xi32>], vector<16xf32>,
        %swap3A_1033 = arith.constant 0 : i32
        %swap3A_1034 = arith.constant 4 : i32
        %swap3A_1035 = arith.index_cast %swap3A_1033 : i32 to index
        %swap3A_1036 = arith.index_cast %scan3A_381 : i32 to index
        %swap3A_1037 = arith.index_cast %swap3A_1034 : i32 to index
        %swap3A_1038 = arith.constant 80 : index
        %swap3A_1039 = tpu.vector_load %arg7[%swap3A_1035, %swap3A_1036, %swap3A_1037, %swap3A_1038] {strides = array<i32>} : memref<2x8x8x128xf32, #tpu.memory_space<vmem>>, vector<16xf32>,
        tpu.vector_store %arg7[%swap3A_1035, %swap3A_1036, %swap3A_1037, %swap3A_1038], %gather3A_952 {strides = array<i32>} : memref<2x8x8x128xf32, #tpu.memory_space<vmem>>, vector<16xf32>,
        %gather3A_1040 = arith.constant 640 : i32
        %gather3A_1041 = tpu.memref_slice %arg5[%gather3A_1040] : memref<65536xf32, #tpu.memory_space<vmem>> -> memref<64640xf32, #tpu.memory_space<vmem>>
        %gather3A_1042 = tpu.vector_load_idx %gather3A_1041[%add3A_556] : memref<64640xf32, #tpu.memory_space<vmem>>[vector<16xi32>], vector<16xf32>,
        %swap3A_1043 = arith.constant 0 : i32
        %swap3A_1044 = arith.constant 5 : i32
        %swap3A_1045 = arith.index_cast %swap3A_1043 : i32 to index
        %swap3A_1046 = arith.index_cast %scan3A_381 : i32 to index
        %swap3A_1047 = arith.index_cast %swap3A_1044 : i32 to index
        %swap3A_1048 = arith.constant 80 : index
        %swap3A_1049 = tpu.vector_load %arg7[%swap3A_1045, %swap3A_1046, %swap3A_1047, %swap3A_1048] {strides = array<i32>} : memref<2x8x8x128xf32, #tpu.memory_space<vmem>>, vector<16xf32>,
        tpu.vector_store %arg7[%swap3A_1045, %swap3A_1046, %swap3A_1047, %swap3A_1048], %gather3A_962 {strides = array<i32>} : memref<2x8x8x128xf32, #tpu.memory_space<vmem>>, vector<16xf32>,
        %gather3A_1050 = arith.constant 768 : i32
        %gather3A_1051 = tpu.memref_slice %arg5[%gather3A_1050] : memref<65536xf32, #tpu.memory_space<vmem>> -> memref<64640xf32, #tpu.memory_space<vmem>>
        %gather3A_1052 = tpu.vector_load_idx %gather3A_1051[%add3A_556] : memref<64640xf32, #tpu.memory_space<vmem>>[vector<16xi32>], vector<16xf32>,
        %swap3A_1053 = arith.constant 0 : i32
        %swap3A_1054 = arith.constant 6 : i32
        %swap3A_1055 = arith.index_cast %swap3A_1053 : i32 to index
        %swap3A_1056 = arith.index_cast %scan3A_381 : i32 to index
        %swap3A_1057 = arith.index_cast %swap3A_1054 : i32 to index
        %swap3A_1058 = arith.constant 80 : index
        %swap3A_1059 = tpu.vector_load %arg7[%swap3A_1055, %swap3A_1056, %swap3A_1057, %swap3A_1058] {strides = array<i32>} : memref<2x8x8x128xf32, #tpu.memory_space<vmem>>, vector<16xf32>,
        tpu.vector_store %arg7[%swap3A_1055, %swap3A_1056, %swap3A_1057, %swap3A_1058], %gather3A_972 {strides = array<i32>} : memref<2x8x8x128xf32, #tpu.memory_space<vmem>>, vector<16xf32>,
        %gather3A_1060 = arith.constant 896 : i32
        %gather3A_1061 = tpu.memref_slice %arg5[%gather3A_1060] : memref<65536xf32, #tpu.memory_space<vmem>> -> memref<64640xf32, #tpu.memory_space<vmem>>
        %gather3A_1062 = tpu.vector_load_idx %gather3A_1061[%add3A_556] : memref<64640xf32, #tpu.memory_space<vmem>>[vector<16xi32>], vector<16xf32>,
        %swap3A_1063 = arith.constant 0 : i32
        %swap3A_1064 = arith.constant 7 : i32
        %swap3A_1065 = arith.index_cast %swap3A_1063 : i32 to index
        %swap3A_1066 = arith.index_cast %scan3A_381 : i32 to index
        %swap3A_1067 = arith.index_cast %swap3A_1064 : i32 to index
        %swap3A_1068 = arith.constant 80 : index
        %swap3A_1069 = tpu.vector_load %arg7[%swap3A_1065, %swap3A_1066, %swap3A_1067, %swap3A_1068] {strides = array<i32>} : memref<2x8x8x128xf32, #tpu.memory_space<vmem>>, vector<16xf32>,
        tpu.vector_store %arg7[%swap3A_1065, %swap3A_1066, %swap3A_1067, %swap3A_1068], %gather3A_982 {strides = array<i32>} : memref<2x8x8x128xf32, #tpu.memory_space<vmem>>, vector<16xf32>,
        %gather3A_1070 = arith.constant 0 : i32
        %gather3A_1071 = tpu.memref_slice %arg5[%gather3A_1070] : memref<65536xf32, #tpu.memory_space<vmem>> -> memref<64640xf32, #tpu.memory_space<vmem>>
        %gather3A_1072 = tpu.vector_load_idx %gather3A_1071[%add3A_566] : memref<64640xf32, #tpu.memory_space<vmem>>[vector<16xi32>], vector<16xf32>,
        %swap3A_1073 = arith.constant 0 : i32
        %swap3A_1074 = arith.constant 0 : i32
        %swap3A_1075 = arith.index_cast %swap3A_1073 : i32 to index
        %swap3A_1076 = arith.index_cast %scan3A_381 : i32 to index
        %swap3A_1077 = arith.index_cast %swap3A_1074 : i32 to index
        %swap3A_1078 = arith.constant 96 : index
        %swap3A_1079 = tpu.vector_load %arg7[%swap3A_1075, %swap3A_1076, %swap3A_1077, %swap3A_1078] {strides = array<i32>} : memref<2x8x8x128xf32, #tpu.memory_space<vmem>>, vector<16xf32>,
        tpu.vector_store %arg7[%swap3A_1075, %swap3A_1076, %swap3A_1077, %swap3A_1078], %gather3A_992 {strides = array<i32>} : memref<2x8x8x128xf32, #tpu.memory_space<vmem>>, vector<16xf32>,
        %gather3A_1080 = arith.constant 128 : i32
        %gather3A_1081 = tpu.memref_slice %arg5[%gather3A_1080] : memref<65536xf32, #tpu.memory_space<vmem>> -> memref<64640xf32, #tpu.memory_space<vmem>>
        %gather3A_1082 = tpu.vector_load_idx %gather3A_1081[%add3A_566] : memref<64640xf32, #tpu.memory_space<vmem>>[vector<16xi32>], vector<16xf32>,
        %swap3A_1083 = arith.constant 0 : i32
        %swap3A_1084 = arith.constant 1 : i32
        %swap3A_1085 = arith.index_cast %swap3A_1083 : i32 to index
        %swap3A_1086 = arith.index_cast %scan3A_381 : i32 to index
        %swap3A_1087 = arith.index_cast %swap3A_1084 : i32 to index
        %swap3A_1088 = arith.constant 96 : index
        %swap3A_1089 = tpu.vector_load %arg7[%swap3A_1085, %swap3A_1086, %swap3A_1087, %swap3A_1088] {strides = array<i32>} : memref<2x8x8x128xf32, #tpu.memory_space<vmem>>, vector<16xf32>,
        tpu.vector_store %arg7[%swap3A_1085, %swap3A_1086, %swap3A_1087, %swap3A_1088], %gather3A_1002 {strides = array<i32>} : memref<2x8x8x128xf32, #tpu.memory_space<vmem>>, vector<16xf32>,
        %gather3A_1090 = arith.constant 256 : i32
        %gather3A_1091 = tpu.memref_slice %arg5[%gather3A_1090] : memref<65536xf32, #tpu.memory_space<vmem>> -> memref<64640xf32, #tpu.memory_space<vmem>>
        %gather3A_1092 = tpu.vector_load_idx %gather3A_1091[%add3A_566] : memref<64640xf32, #tpu.memory_space<vmem>>[vector<16xi32>], vector<16xf32>,
        %swap3A_1093 = arith.constant 0 : i32
        %swap3A_1094 = arith.constant 2 : i32
        %swap3A_1095 = arith.index_cast %swap3A_1093 : i32 to index
        %swap3A_1096 = arith.index_cast %scan3A_381 : i32 to index
        %swap3A_1097 = arith.index_cast %swap3A_1094 : i32 to index
        %swap3A_1098 = arith.constant 96 : index
        %swap3A_1099 = tpu.vector_load %arg7[%swap3A_1095, %swap3A_1096, %swap3A_1097, %swap3A_1098] {strides = array<i32>} : memref<2x8x8x128xf32, #tpu.memory_space<vmem>>, vector<16xf32>,
        tpu.vector_store %arg7[%swap3A_1095, %swap3A_1096, %swap3A_1097, %swap3A_1098], %gather3A_1012 {strides = array<i32>} : memref<2x8x8x128xf32, #tpu.memory_space<vmem>>, vector<16xf32>,
        %gather3A_1100 = arith.constant 384 : i32
        %gather3A_1101 = tpu.memref_slice %arg5[%gather3A_1100] : memref<65536xf32, #tpu.memory_space<vmem>> -> memref<64640xf32, #tpu.memory_space<vmem>>
        %gather3A_1102 = tpu.vector_load_idx %gather3A_1101[%add3A_566] : memref<64640xf32, #tpu.memory_space<vmem>>[vector<16xi32>], vector<16xf32>,
        %swap3A_1103 = arith.constant 0 : i32
        %swap3A_1104 = arith.constant 3 : i32
        %swap3A_1105 = arith.index_cast %swap3A_1103 : i32 to index
        %swap3A_1106 = arith.index_cast %scan3A_381 : i32 to index
        %swap3A_1107 = arith.index_cast %swap3A_1104 : i32 to index
        %swap3A_1108 = arith.constant 96 : index
        %swap3A_1109 = tpu.vector_load %arg7[%swap3A_1105, %swap3A_1106, %swap3A_1107, %swap3A_1108] {strides = array<i32>} : memref<2x8x8x128xf32, #tpu.memory_space<vmem>>, vector<16xf32>,
        tpu.vector_store %arg7[%swap3A_1105, %swap3A_1106, %swap3A_1107, %swap3A_1108], %gather3A_1022 {strides = array<i32>} : memref<2x8x8x128xf32, #tpu.memory_space<vmem>>, vector<16xf32>,
        %gather3A_1110 = arith.constant 512 : i32
        %gather3A_1111 = tpu.memref_slice %arg5[%gather3A_1110] : memref<65536xf32, #tpu.memory_space<vmem>> -> memref<64640xf32, #tpu.memory_space<vmem>>
        %gather3A_1112 = tpu.vector_load_idx %gather3A_1111[%add3A_566] : memref<64640xf32, #tpu.memory_space<vmem>>[vector<16xi32>], vector<16xf32>,
        %swap3A_1113 = arith.constant 0 : i32
        %swap3A_1114 = arith.constant 4 : i32
        %swap3A_1115 = arith.index_cast %swap3A_1113 : i32 to index
        %swap3A_1116 = arith.index_cast %scan3A_381 : i32 to index
        %swap3A_1117 = arith.index_cast %swap3A_1114 : i32 to index
        %swap3A_1118 = arith.constant 96 : index
        %swap3A_1119 = tpu.vector_load %arg7[%swap3A_1115, %swap3A_1116, %swap3A_1117, %swap3A_1118] {strides = array<i32>} : memref<2x8x8x128xf32, #tpu.memory_space<vmem>>, vector<16xf32>,
        tpu.vector_store %arg7[%swap3A_1115, %swap3A_1116, %swap3A_1117, %swap3A_1118], %gather3A_1032 {strides = array<i32>} : memref<2x8x8x128xf32, #tpu.memory_space<vmem>>, vector<16xf32>,
        %gather3A_1120 = arith.constant 640 : i32
        %gather3A_1121 = tpu.memref_slice %arg5[%gather3A_1120] : memref<65536xf32, #tpu.memory_space<vmem>> -> memref<64640xf32, #tpu.memory_space<vmem>>
        %gather3A_1122 = tpu.vector_load_idx %gather3A_1121[%add3A_566] : memref<64640xf32, #tpu.memory_space<vmem>>[vector<16xi32>], vector<16xf32>,
        %swap3A_1123 = arith.constant 0 : i32
        %swap3A_1124 = arith.constant 5 : i32
        %swap3A_1125 = arith.index_cast %swap3A_1123 : i32 to index
        %swap3A_1126 = arith.index_cast %scan3A_381 : i32 to index
        %swap3A_1127 = arith.index_cast %swap3A_1124 : i32 to index
        %swap3A_1128 = arith.constant 96 : index
        %swap3A_1129 = tpu.vector_load %arg7[%swap3A_1125, %swap3A_1126, %swap3A_1127, %swap3A_1128] {strides = array<i32>} : memref<2x8x8x128xf32, #tpu.memory_space<vmem>>, vector<16xf32>,
        tpu.vector_store %arg7[%swap3A_1125, %swap3A_1126, %swap3A_1127, %swap3A_1128], %gather3A_1042 {strides = array<i32>} : memref<2x8x8x128xf32, #tpu.memory_space<vmem>>, vector<16xf32>,
        %gather3A_1130 = arith.constant 768 : i32
        %gather3A_1131 = tpu.memref_slice %arg5[%gather3A_1130] : memref<65536xf32, #tpu.memory_space<vmem>> -> memref<64640xf32, #tpu.memory_space<vmem>>
        %gather3A_1132 = tpu.vector_load_idx %gather3A_1131[%add3A_566] : memref<64640xf32, #tpu.memory_space<vmem>>[vector<16xi32>], vector<16xf32>,
        %swap3A_1133 = arith.constant 0 : i32
        %swap3A_1134 = arith.constant 6 : i32
        %swap3A_1135 = arith.index_cast %swap3A_1133 : i32 to index
        %swap3A_1136 = arith.index_cast %scan3A_381 : i32 to index
        %swap3A_1137 = arith.index_cast %swap3A_1134 : i32 to index
        %swap3A_1138 = arith.constant 96 : index
        %swap3A_1139 = tpu.vector_load %arg7[%swap3A_1135, %swap3A_1136, %swap3A_1137, %swap3A_1138] {strides = array<i32>} : memref<2x8x8x128xf32, #tpu.memory_space<vmem>>, vector<16xf32>,
        tpu.vector_store %arg7[%swap3A_1135, %swap3A_1136, %swap3A_1137, %swap3A_1138], %gather3A_1052 {strides = array<i32>} : memref<2x8x8x128xf32, #tpu.memory_space<vmem>>, vector<16xf32>,
        %gather3A_1140 = arith.constant 896 : i32
        %gather3A_1141 = tpu.memref_slice %arg5[%gather3A_1140] : memref<65536xf32, #tpu.memory_space<vmem>> -> memref<64640xf32, #tpu.memory_space<vmem>>
        %gather3A_1142 = tpu.vector_load_idx %gather3A_1141[%add3A_566] : memref<64640xf32, #tpu.memory_space<vmem>>[vector<16xi32>], vector<16xf32>,
        %swap3A_1143 = arith.constant 0 : i32
        %swap3A_1144 = arith.constant 7 : i32
        %swap3A_1145 = arith.index_cast %swap3A_1143 : i32 to index
        %swap3A_1146 = arith.index_cast %scan3A_381 : i32 to index
        %swap3A_1147 = arith.index_cast %swap3A_1144 : i32 to index
        %swap3A_1148 = arith.constant 96 : index
        %swap3A_1149 = tpu.vector_load %arg7[%swap3A_1145, %swap3A_1146, %swap3A_1147, %swap3A_1148] {strides = array<i32>} : memref<2x8x8x128xf32, #tpu.memory_space<vmem>>, vector<16xf32>,
        tpu.vector_store %arg7[%swap3A_1145, %swap3A_1146, %swap3A_1147, %swap3A_1148], %gather3A_1062 {strides = array<i32>} : memref<2x8x8x128xf32, #tpu.memory_space<vmem>>, vector<16xf32>,
        scf.yield %gather3A_1072, %gather3A_1082, %gather3A_1092, %gather3A_1102, %gather3A_1112, %gather3A_1122, %gather3A_1132, %gather3A_1142 : vector<16xf32>, vector<16xf32>, vector<16xf32>, vector<16xf32>, vector<16xf32>, vector<16xf32>, vector<16xf32>, vector<16xf32>
      }
      %scan3A_162 = arith.constant 8 : i32
      %swap3A = arith.constant 0 : i32
      %swap3A_163 = arith.constant 7 : i32
      %swap3A_164 = arith.constant 0 : i32
      %swap3A_165 = arith.index_cast %swap3A : i32 to index
      %swap3A_166 = arith.index_cast %swap3A_163 : i32 to index
      %swap3A_167 = arith.index_cast %swap3A_164 : i32 to index
      %swap3A_168 = arith.constant 112 : index
      %swap3A_169 = tpu.vector_load %arg7[%swap3A_165, %swap3A_166, %swap3A_167, %swap3A_168] {strides = array<i32>} : memref<2x8x8x128xf32, #tpu.memory_space<vmem>>, vector<16xf32>,
      tpu.vector_store %arg7[%swap3A_165, %swap3A_166, %swap3A_167, %swap3A_168], %scan3A_161#0 {strides = array<i32>} : memref<2x8x8x128xf32, #tpu.memory_space<vmem>>, vector<16xf32>,
      %swap3A_170 = arith.constant 0 : i32
      %swap3A_171 = arith.constant 7 : i32
      %swap3A_172 = arith.constant 1 : i32
      %swap3A_173 = arith.index_cast %swap3A_170 : i32 to index
      %swap3A_174 = arith.index_cast %swap3A_171 : i32 to index
      %swap3A_175 = arith.index_cast %swap3A_172 : i32 to index
      %swap3A_176 = arith.constant 112 : index
      %swap3A_177 = tpu.vector_load %arg7[%swap3A_173, %swap3A_174, %swap3A_175, %swap3A_176] {strides = array<i32>} : memref<2x8x8x128xf32, #tpu.memory_space<vmem>>, vector<16xf32>,
      tpu.vector_store %arg7[%swap3A_173, %swap3A_174, %swap3A_175, %swap3A_176], %scan3A_161#1 {strides = array<i32>} : memref<2x8x8x128xf32, #tpu.memory_space<vmem>>, vector<16xf32>,
      %swap3A_178 = arith.constant 0 : i32
      %swap3A_179 = arith.constant 7 : i32
      %swap3A_180 = arith.constant 2 : i32
      %swap3A_181 = arith.index_cast %swap3A_178 : i32 to index
      %swap3A_182 = arith.index_cast %swap3A_179 : i32 to index
      %swap3A_183 = arith.index_cast %swap3A_180 : i32 to index
      %swap3A_184 = arith.constant 112 : index
      %swap3A_185 = tpu.vector_load %arg7[%swap3A_181, %swap3A_182, %swap3A_183, %swap3A_184] {strides = array<i32>} : memref<2x8x8x128xf32, #tpu.memory_space<vmem>>, vector<16xf32>,
      tpu.vector_store %arg7[%swap3A_181, %swap3A_182, %swap3A_183, %swap3A_184], %scan3A_161#2 {strides = array<i32>} : memref<2x8x8x128xf32, #tpu.memory_space<vmem>>, vector<16xf32>,
      %swap3A_186 = arith.constant 0 : i32
      %swap3A_187 = arith.constant 7 : i32
      %swap3A_188 = arith.constant 3 : i32
      %swap3A_189 = arith.index_cast %swap3A_186 : i32 to index
      %swap3A_190 = arith.index_cast %swap3A_187 : i32 to index
      %swap3A_191 = arith.index_cast %swap3A_188 : i32 to index
      %swap3A_192 = arith.constant 112 : index
      %swap3A_193 = tpu.vector_load %arg7[%swap3A_189, %swap3A_190, %swap3A_191, %swap3A_192] {strides = array<i32>} : memref<2x8x8x128xf32, #tpu.memory_space<vmem>>, vector<16xf32>,
      tpu.vector_store %arg7[%swap3A_189, %swap3A_190, %swap3A_191, %swap3A_192], %scan3A_161#3 {strides = array<i32>} : memref<2x8x8x128xf32, #tpu.memory_space<vmem>>, vector<16xf32>,
      %swap3A_194 = arith.constant 0 : i32
      %swap3A_195 = arith.constant 7 : i32
      %swap3A_196 = arith.constant 4 : i32
      %swap3A_197 = arith.index_cast %swap3A_194 : i32 to index
      %swap3A_198 = arith.index_cast %swap3A_195 : i32 to index
      %swap3A_199 = arith.index_cast %swap3A_196 : i32 to index
      %swap3A_200 = arith.constant 112 : index
      %swap3A_201 = tpu.vector_load %arg7[%swap3A_197, %swap3A_198, %swap3A_199, %swap3A_200] {strides = array<i32>} : memref<2x8x8x128xf32, #tpu.memory_space<vmem>>, vector<16xf32>,
      tpu.vector_store %arg7[%swap3A_197, %swap3A_198, %swap3A_199, %swap3A_200], %scan3A_161#4 {strides = array<i32>} : memref<2x8x8x128xf32, #tpu.memory_space<vmem>>, vector<16xf32>,
      %swap3A_202 = arith.constant 0 : i32
      %swap3A_203 = arith.constant 7 : i32
      %swap3A_204 = arith.constant 5 : i32
      %swap3A_205 = arith.index_cast %swap3A_202 : i32 to index
      %swap3A_206 = arith.index_cast %swap3A_203 : i32 to index
      %swap3A_207 = arith.index_cast %swap3A_204 : i32 to index
      %swap3A_208 = arith.constant 112 : index
      %swap3A_209 = tpu.vector_load %arg7[%swap3A_205, %swap3A_206, %swap3A_207, %swap3A_208] {strides = array<i32>} : memref<2x8x8x128xf32, #tpu.memory_space<vmem>>, vector<16xf32>,
      tpu.vector_store %arg7[%swap3A_205, %swap3A_206, %swap3A_207, %swap3A_208], %scan3A_161#5 {strides = array<i32>} : memref<2x8x8x128xf32, #tpu.memory_space<vmem>>, vector<16xf32>,
      %swap3A_210 = arith.constant 0 : i32
      %swap3A_211 = arith.constant 7 : i32
      %swap3A_212 = arith.constant 6 : i32
      %swap3A_213 = arith.index_cast %swap3A_210 : i32 to index
      %swap3A_214 = arith.index_cast %swap3A_211 : i32 to index
      %swap3A_215 = arith.index_cast %swap3A_212 : i32 to index
      %swap3A_216 = arith.constant 112 : index
      %swap3A_217 = tpu.vector_load %arg7[%swap3A_213, %swap3A_214, %swap3A_215, %swap3A_216] {strides = array<i32>} : memref<2x8x8x128xf32, #tpu.memory_space<vmem>>, vector<16xf32>,
      tpu.vector_store %arg7[%swap3A_213, %swap3A_214, %swap3A_215, %swap3A_216], %scan3A_161#6 {strides = array<i32>} : memref<2x8x8x128xf32, #tpu.memory_space<vmem>>, vector<16xf32>,
      %swap3A_218 = arith.constant 0 : i32
      %swap3A_219 = arith.constant 7 : i32
      %swap3A_220 = arith.constant 7 : i32
      %swap3A_221 = arith.index_cast %swap3A_218 : i32 to index
      %swap3A_222 = arith.index_cast %swap3A_219 : i32 to index
      %swap3A_223 = arith.index_cast %swap3A_220 : i32 to index
      %swap3A_224 = arith.constant 112 : index
      %swap3A_225 = tpu.vector_load %arg7[%swap3A_221, %swap3A_222, %swap3A_223, %swap3A_224] {strides = array<i32>} : memref<2x8x8x128xf32, #tpu.memory_space<vmem>>, vector<16xf32>,
      tpu.vector_store %arg7[%swap3A_221, %swap3A_222, %swap3A_223, %swap3A_224], %scan3A_161#7 {strides = array<i32>} : memref<2x8x8x128xf32, #tpu.memory_space<vmem>>, vector<16xf32>,
      %mul3A_226 = arith.constant 32 : i32
      %mul3A_227 = arith.muli %mul3A_226, %select_n3A : i32
      %add3A_228 = arith.addi %mul3A_227, %add3A_153 : i32
      %dma_start3A_229 = arith.constant 0 : i32
      %dma_start3A_230 = arith.constant 0 : i32
      %dma_start3A_231 = arith.constant 0 : i32
      %dma_start3A_232 = arith.constant 0 : i32
      %dma_start3A_233 = tpu.memref_slice %arg7[%dma_start3A_229, %dma_start3A_230, %dma_start3A_231, %dma_start3A_232] : memref<2x8x8x128xf32, #tpu.memory_space<vmem>> -> memref<1x8x8x128xf32, #tpu.memory_space<vmem>>
      %dma_start3A_234 = tpu.memref_squeeze %dma_start3A_233 : memref<1x8x8x128xf32, #tpu.memory_space<vmem>> -> memref<8x8x128xf32, #tpu.memory_space<vmem>>
      %dma_start3A_235 = arith.constant 0 : i32
      %dma_start3A_236 = arith.constant 0 : i32
      %dma_start3A_237 = arith.constant 0 : i32
      %dma_start3A_238 = arith.constant 0 : i32
      %dma_start3A_239 = tpu.memref_slice %arg4[%add3A_228, %dma_start3A_235, %dma_start3A_236, %dma_start3A_237, %dma_start3A_238] : memref<256x4x8x8x128xf32, #tpu.memory_space<hbm>> -> memref<1x4x8x8x128xf32, #tpu.memory_space<hbm>>
      %dma_start3A_240 = tpu.memref_squeeze %dma_start3A_239 : memref<1x4x8x8x128xf32, #tpu.memory_space<hbm>> -> memref<4x8x8x128xf32, #tpu.memory_space<hbm>>
      %dma_start3A_241 = arith.constant 0 : i32
      %dma_start3A_242 = arith.constant 0 : i32
      %dma_start3A_243 = arith.constant 0 : i32
      %dma_start3A_244 = tpu.memref_slice %dma_start3A_240[%select_n3A_30, %dma_start3A_241, %dma_start3A_242, %dma_start3A_243] : memref<4x8x8x128xf32, #tpu.memory_space<hbm>> -> memref<1x8x8x128xf32, #tpu.memory_space<hbm>>
      %dma_start3A_245 = tpu.memref_squeeze %dma_start3A_244 : memref<1x8x8x128xf32, #tpu.memory_space<hbm>> -> memref<8x8x128xf32, #tpu.memory_space<hbm>>
      %dma_start3A_246 = arith.constant 0 : i32
      %dma_start3A_247 = arith.constant 0 : i32
      %dma_start3A_248 = arith.constant 0 : i32
      %dma_start3A_249 = arith.constant 0 : i32
      %dma_start3A_250 = tpu.memref_slice %arg4[%add3A_228, %dma_start3A_246, %dma_start3A_247, %dma_start3A_248, %dma_start3A_249] : memref<256x4x8x8x128xf32, #tpu.memory_space<hbm>> -> memref<1x4x8x8x128xf32, #tpu.memory_space<hbm>>
      %dma_start3A_251 = tpu.memref_squeeze %dma_start3A_250 : memref<1x4x8x8x128xf32, #tpu.memory_space<hbm>> -> memref<4x8x8x128xf32, #tpu.memory_space<hbm>>
      %dma_start3A_252 = arith.constant 0 : i32
      %dma_start3A_253 = arith.constant 0 : i32
      %dma_start3A_254 = arith.constant 0 : i32
      %dma_start3A_255 = tpu.memref_slice %dma_start3A_251[%select_n3A_30, %dma_start3A_252, %dma_start3A_253, %dma_start3A_254] : memref<4x8x8x128xf32, #tpu.memory_space<hbm>> -> memref<1x8x8x128xf32, #tpu.memory_space<hbm>>
      %dma_start3A_256 = tpu.memref_squeeze %dma_start3A_255 : memref<1x8x8x128xf32, #tpu.memory_space<hbm>> -> memref<8x8x128xf32, #tpu.memory_space<hbm>>
      %dma_start3A_257 = arith.constant 0 : i32
      %dma_start3A_258 = arith.constant 0 : i32
      %dma_start3A_259 = arith.constant 0 : i32
      %dma_start3A_260 = tpu.memref_slice %arg7[%dma_start3A_229, %dma_start3A_257, %dma_start3A_258, %dma_start3A_259] : memref<2x8x8x128xf32, #tpu.memory_space<vmem>> -> memref<1x8x8x128xf32, #tpu.memory_space<vmem>>
      %dma_start3A_261 = tpu.memref_squeeze %dma_start3A_260 : memref<1x8x8x128xf32, #tpu.memory_space<vmem>> -> memref<8x8x128xf32, #tpu.memory_space<vmem>>
      tpu.enqueue_dma source(%dma_start3A_261 : memref<8x8x128xf32, #tpu.memory_space<vmem>>) target(%dma_start3A_256 : memref<8x8x128xf32, #tpu.memory_space<hbm>>) target_semaphore(%arg8 : memref<!tpu.dma_semaphore, #tpu.memory_space<semaphore_mem>>)
      %gt3A_262 = arith.constant 0 : i32
      %gt3A_263 = arith.cmpi sgt, %scan3A_147, %gt3A_262 : i32
      %convert_element_type3A_264 = arith.extui %gt3A_263 : i1 to i32
      %cond3A_265 = arith.constant 0 : i32
      %cond3A_266 = arith.cmpi ne, %convert_element_type3A_264, %cond3A_265 : i32
      scf.if %cond3A_266 {
        %dma_wait3A_381 = arith.constant 1 : i32
        %dma_wait3A_382 = arith.constant 0 : i32
        %dma_wait3A_383 = arith.constant 0 : i32
        %dma_wait3A_384 = arith.constant 0 : i32
        %dma_wait3A_385 = arith.constant 0 : i32
        %dma_wait3A_386 = tpu.memref_slice %arg7[%dma_wait3A_381, %dma_wait3A_383, %dma_wait3A_384, %dma_wait3A_385] : memref<2x8x8x128xf32, #tpu.memory_space<vmem>> -> memref<1x8x8x128xf32, #tpu.memory_space<vmem>>
        %dma_wait3A_387 = tpu.memref_squeeze %dma_wait3A_386 : memref<1x8x8x128xf32, #tpu.memory_space<vmem>> -> memref<8x8x128xf32, #tpu.memory_space<vmem>>
        %dma_wait3A_388 = arith.constant 0 : i32
        %dma_wait3A_389 = arith.constant 0 : i32
        %dma_wait3A_390 = arith.constant 0 : i32
        %dma_wait3A_391 = arith.constant 0 : i32
        %dma_wait3A_392 = tpu.memref_slice %arg4[%dma_wait3A_382, %dma_wait3A_388, %dma_wait3A_389, %dma_wait3A_390, %dma_wait3A_391] : memref<256x4x8x8x128xf32, #tpu.memory_space<hbm>> -> memref<1x4x8x8x128xf32, #tpu.memory_space<hbm>>
        %dma_wait3A_393 = tpu.memref_squeeze %dma_wait3A_392 : memref<1x4x8x8x128xf32, #tpu.memory_space<hbm>> -> memref<4x8x8x128xf32, #tpu.memory_space<hbm>>
        %dma_wait3A_394 = arith.constant 0 : i32
        %dma_wait3A_395 = arith.constant 0 : i32
        %dma_wait3A_396 = arith.constant 0 : i32
        %dma_wait3A_397 = tpu.memref_slice %dma_wait3A_393[%select_n3A_30, %dma_wait3A_394, %dma_wait3A_395, %dma_wait3A_396] : memref<4x8x8x128xf32, #tpu.memory_space<hbm>> -> memref<1x8x8x128xf32, #tpu.memory_space<hbm>>
        %dma_wait3A_398 = tpu.memref_squeeze %dma_wait3A_397 : memref<1x8x8x128xf32, #tpu.memory_space<hbm>> -> memref<8x8x128xf32, #tpu.memory_space<hbm>>
        %dma_wait3A_399 = arith.constant 0 : i32
        %dma_wait3A_400 = arith.constant 0 : i32
        %dma_wait3A_401 = arith.constant 0 : i32
        %dma_wait3A_402 = arith.constant 0 : i32
        %dma_wait3A_403 = tpu.memref_slice %arg4[%dma_wait3A_382, %dma_wait3A_399, %dma_wait3A_400, %dma_wait3A_401, %dma_wait3A_402] : memref<256x4x8x8x128xf32, #tpu.memory_space<hbm>> -> memref<1x4x8x8x128xf32, #tpu.memory_space<hbm>>
        %dma_wait3A_404 = tpu.memref_squeeze %dma_wait3A_403 : memref<1x4x8x8x128xf32, #tpu.memory_space<hbm>> -> memref<4x8x8x128xf32, #tpu.memory_space<hbm>>
        %dma_wait3A_405 = arith.constant 0 : i32
        %dma_wait3A_406 = arith.constant 0 : i32
        %dma_wait3A_407 = arith.constant 0 : i32
        %dma_wait3A_408 = tpu.memref_slice %dma_wait3A_404[%select_n3A_30, %dma_wait3A_405, %dma_wait3A_406, %dma_wait3A_407] : memref<4x8x8x128xf32, #tpu.memory_space<hbm>> -> memref<1x8x8x128xf32, #tpu.memory_space<hbm>>
        %dma_wait3A_409 = tpu.memref_squeeze %dma_wait3A_408 : memref<1x8x8x128xf32, #tpu.memory_space<hbm>> -> memref<8x8x128xf32, #tpu.memory_space<hbm>>
        %dma_wait3A_410 = arith.constant 0 : i32
        %dma_wait3A_411 = arith.constant 0 : i32
        %dma_wait3A_412 = arith.constant 0 : i32
        %dma_wait3A_413 = tpu.memref_slice %arg7[%dma_wait3A_381, %dma_wait3A_410, %dma_wait3A_411, %dma_wait3A_412] : memref<2x8x8x128xf32, #tpu.memory_space<vmem>> -> memref<1x8x8x128xf32, #tpu.memory_space<vmem>>
        %dma_wait3A_414 = tpu.memref_squeeze %dma_wait3A_413 : memref<1x8x8x128xf32, #tpu.memory_space<vmem>> -> memref<8x8x128xf32, #tpu.memory_space<vmem>>
        tpu.wait_dma2 semaphore(%arg9 : memref<!tpu.dma_semaphore, #tpu.memory_space<semaphore_mem>>) src(%dma_wait3A_414 : memref<8x8x128xf32, #tpu.memory_space<vmem>>) dst(%dma_wait3A_409 : memref<8x8x128xf32, #tpu.memory_space<hbm>>)
      } else {
      }
      %mul3A_267 = arith.constant 2 : i32
      %mul3A_268 = arith.muli %mul3A_267, %scan3A_147 : i32
      %add3A_269 = arith.constant 1 : i32
      %add3A_270 = arith.addi %mul3A_268, %add3A_269 : i32
      %shift_right_logical3A_271 = arith.constant 3 : i32
      %shift_right_logical3A_272 = arith.shrui %add3A_270, %shift_right_logical3A_271 : i32
      %and3A_273 = arith.constant 7 : i32
      %and3A_274 = arith.andi %add3A_270, %and3A_273 : i32
      %scan3A_275 = arith.constant 0 : i32
      %scan3A_276 = arith.constant 8 : i32
      %scan3A_277 = arith.addi %scan3A_275, %scan3A_276 : i32
      %scan3A_278 = arith.constant 1 : i32
      %scan3A_279:8 = scf.for %scan3A_381 = %scan3A_275 to %scan3A_277 step %scan3A_278 iter_args(%scan3A_382 = %broadcast_in_dim3A_59, %scan3A_383 = %broadcast_in_dim3A_61, %scan3A_384 = %broadcast_in_dim3A_63, %scan3A_385 = %broadcast_in_dim3A_65, %scan3A_386 = %broadcast_in_dim3A_67, %scan3A_387 = %broadcast_in_dim3A_69, %scan3A_388 = %broadcast_in_dim3A_71, %scan3A_389 = %broadcast_in_dim3A_73) -> (vector<16xf32>, vector<16xf32>, vector<16xf32>, vector<16xf32>, vector<16xf32>, vector<16xf32>, vector<16xf32>, vector<16xf32>)  : i32 {
        %sub3A_390 = arith.constant 1 : i32
        %sub3A_391 = arith.subi %scan3A_381, %sub3A_390 : i32
        %max3A = arith.constant 0 : i32
        %max3A_392 = arith.maxsi %sub3A_391, %max3A : i32
        %get3A = arith.index_cast %shift_right_logical3A_272 : i32 to index
        %get3A_393 = arith.index_cast %scan3A_381 : i32 to index
        %get3A_394 = arith.index_cast %and3A_274 : i32 to index
        %get3A_395 = arith.constant 0 : index
        %get3A_396 = tpu.vector_load %arg6[%get3A, %get3A_393, %get3A_394, %get3A_395] {strides = array<i32>} : memref<4x8x8x128xi32, #tpu.memory_space<vmem>>, vector<16xi32>,
        %swap3A_397 = arith.constant 1 : i32
        %swap3A_398 = arith.constant 0 : i32
        %swap3A_399 = arith.index_cast %swap3A_397 : i32 to index
        %swap3A_400 = arith.index_cast %max3A_392 : i32 to index
        %swap3A_401 = arith.index_cast %swap3A_398 : i32 to index
        %swap3A_402 = arith.constant 112 : index
        %swap3A_403 = tpu.vector_load %arg7[%swap3A_399, %swap3A_400, %swap3A_401, %swap3A_402] {strides = array<i32>} : memref<2x8x8x128xf32, #tpu.memory_space<vmem>>, vector<16xf32>,
        tpu.vector_store %arg7[%swap3A_399, %swap3A_400, %swap3A_401, %swap3A_402], %scan3A_382 {strides = array<i32>} : memref<2x8x8x128xf32, #tpu.memory_space<vmem>>, vector<16xf32>,
        %get3A_404 = arith.index_cast %shift_right_logical3A_272 : i32 to index
        %get3A_405 = arith.index_cast %scan3A_381 : i32 to index
        %get3A_406 = arith.index_cast %and3A_274 : i32 to index
        %get3A_407 = arith.constant 16 : index
        %get3A_408 = tpu.vector_load %arg6[%get3A_404, %get3A_405, %get3A_406, %get3A_407] {strides = array<i32>} : memref<4x8x8x128xi32, #tpu.memory_space<vmem>>, vector<16xi32>,
        %swap3A_409 = arith.constant 1 : i32
        %swap3A_410 = arith.constant 1 : i32
        %swap3A_411 = arith.index_cast %swap3A_409 : i32 to index
        %swap3A_412 = arith.index_cast %max3A_392 : i32 to index
        %swap3A_413 = arith.index_cast %swap3A_410 : i32 to index
        %swap3A_414 = arith.constant 112 : index
        %swap3A_415 = tpu.vector_load %arg7[%swap3A_411, %swap3A_412, %swap3A_413, %swap3A_414] {strides = array<i32>} : memref<2x8x8x128xf32, #tpu.memory_space<vmem>>, vector<16xf32>,
        tpu.vector_store %arg7[%swap3A_411, %swap3A_412, %swap3A_413, %swap3A_414], %scan3A_383 {strides = array<i32>} : memref<2x8x8x128xf32, #tpu.memory_space<vmem>>, vector<16xf32>,
        %get3A_416 = arith.index_cast %shift_right_logical3A_272 : i32 to index
        %get3A_417 = arith.index_cast %scan3A_381 : i32 to index
        %get3A_418 = arith.index_cast %and3A_274 : i32 to index
        %get3A_419 = arith.constant 32 : index
        %get3A_420 = tpu.vector_load %arg6[%get3A_416, %get3A_417, %get3A_418, %get3A_419] {strides = array<i32>} : memref<4x8x8x128xi32, #tpu.memory_space<vmem>>, vector<16xi32>,
        %swap3A_421 = arith.constant 1 : i32
        %swap3A_422 = arith.constant 2 : i32
        %swap3A_423 = arith.index_cast %swap3A_421 : i32 to index
        %swap3A_424 = arith.index_cast %max3A_392 : i32 to index
        %swap3A_425 = arith.index_cast %swap3A_422 : i32 to index
        %swap3A_426 = arith.constant 112 : index
        %swap3A_427 = tpu.vector_load %arg7[%swap3A_423, %swap3A_424, %swap3A_425, %swap3A_426] {strides = array<i32>} : memref<2x8x8x128xf32, #tpu.memory_space<vmem>>, vector<16xf32>,
        tpu.vector_store %arg7[%swap3A_423, %swap3A_424, %swap3A_425, %swap3A_426], %scan3A_384 {strides = array<i32>} : memref<2x8x8x128xf32, #tpu.memory_space<vmem>>, vector<16xf32>,
        %get3A_428 = arith.index_cast %shift_right_logical3A_272 : i32 to index
        %get3A_429 = arith.index_cast %scan3A_381 : i32 to index
        %get3A_430 = arith.index_cast %and3A_274 : i32 to index
        %get3A_431 = arith.constant 48 : index
        %get3A_432 = tpu.vector_load %arg6[%get3A_428, %get3A_429, %get3A_430, %get3A_431] {strides = array<i32>} : memref<4x8x8x128xi32, #tpu.memory_space<vmem>>, vector<16xi32>,
        %swap3A_433 = arith.constant 1 : i32
        %swap3A_434 = arith.constant 3 : i32
        %swap3A_435 = arith.index_cast %swap3A_433 : i32 to index
        %swap3A_436 = arith.index_cast %max3A_392 : i32 to index
        %swap3A_437 = arith.index_cast %swap3A_434 : i32 to index
        %swap3A_438 = arith.constant 112 : index
        %swap3A_439 = tpu.vector_load %arg7[%swap3A_435, %swap3A_436, %swap3A_437, %swap3A_438] {strides = array<i32>} : memref<2x8x8x128xf32, #tpu.memory_space<vmem>>, vector<16xf32>,
        tpu.vector_store %arg7[%swap3A_435, %swap3A_436, %swap3A_437, %swap3A_438], %scan3A_385 {strides = array<i32>} : memref<2x8x8x128xf32, #tpu.memory_space<vmem>>, vector<16xf32>,
        %get3A_440 = arith.index_cast %shift_right_logical3A_272 : i32 to index
        %get3A_441 = arith.index_cast %scan3A_381 : i32 to index
        %get3A_442 = arith.index_cast %and3A_274 : i32 to index
        %get3A_443 = arith.constant 64 : index
        %get3A_444 = tpu.vector_load %arg6[%get3A_440, %get3A_441, %get3A_442, %get3A_443] {strides = array<i32>} : memref<4x8x8x128xi32, #tpu.memory_space<vmem>>, vector<16xi32>,
        %swap3A_445 = arith.constant 1 : i32
        %swap3A_446 = arith.constant 4 : i32
        %swap3A_447 = arith.index_cast %swap3A_445 : i32 to index
        %swap3A_448 = arith.index_cast %max3A_392 : i32 to index
        %swap3A_449 = arith.index_cast %swap3A_446 : i32 to index
        %swap3A_450 = arith.constant 112 : index
        %swap3A_451 = tpu.vector_load %arg7[%swap3A_447, %swap3A_448, %swap3A_449, %swap3A_450] {strides = array<i32>} : memref<2x8x8x128xf32, #tpu.memory_space<vmem>>, vector<16xf32>,
        tpu.vector_store %arg7[%swap3A_447, %swap3A_448, %swap3A_449, %swap3A_450], %scan3A_386 {strides = array<i32>} : memref<2x8x8x128xf32, #tpu.memory_space<vmem>>, vector<16xf32>,
        %get3A_452 = arith.index_cast %shift_right_logical3A_272 : i32 to index
        %get3A_453 = arith.index_cast %scan3A_381 : i32 to index
        %get3A_454 = arith.index_cast %and3A_274 : i32 to index
        %get3A_455 = arith.constant 80 : index
        %get3A_456 = tpu.vector_load %arg6[%get3A_452, %get3A_453, %get3A_454, %get3A_455] {strides = array<i32>} : memref<4x8x8x128xi32, #tpu.memory_space<vmem>>, vector<16xi32>,
        %swap3A_457 = arith.constant 1 : i32
        %swap3A_458 = arith.constant 5 : i32
        %swap3A_459 = arith.index_cast %swap3A_457 : i32 to index
        %swap3A_460 = arith.index_cast %max3A_392 : i32 to index
        %swap3A_461 = arith.index_cast %swap3A_458 : i32 to index
        %swap3A_462 = arith.constant 112 : index
        %swap3A_463 = tpu.vector_load %arg7[%swap3A_459, %swap3A_460, %swap3A_461, %swap3A_462] {strides = array<i32>} : memref<2x8x8x128xf32, #tpu.memory_space<vmem>>, vector<16xf32>,
        tpu.vector_store %arg7[%swap3A_459, %swap3A_460, %swap3A_461, %swap3A_462], %scan3A_387 {strides = array<i32>} : memref<2x8x8x128xf32, #tpu.memory_space<vmem>>, vector<16xf32>,
        %get3A_464 = arith.index_cast %shift_right_logical3A_272 : i32 to index
        %get3A_465 = arith.index_cast %scan3A_381 : i32 to index
        %get3A_466 = arith.index_cast %and3A_274 : i32 to index
        %get3A_467 = arith.constant 96 : index
        %get3A_468 = tpu.vector_load %arg6[%get3A_464, %get3A_465, %get3A_466, %get3A_467] {strides = array<i32>} : memref<4x8x8x128xi32, #tpu.memory_space<vmem>>, vector<16xi32>,
        %swap3A_469 = arith.constant 1 : i32
        %swap3A_470 = arith.constant 6 : i32
        %swap3A_471 = arith.index_cast %swap3A_469 : i32 to index
        %swap3A_472 = arith.index_cast %max3A_392 : i32 to index
        %swap3A_473 = arith.index_cast %swap3A_470 : i32 to index
        %swap3A_474 = arith.constant 112 : index
        %swap3A_475 = tpu.vector_load %arg7[%swap3A_471, %swap3A_472, %swap3A_473, %swap3A_474] {strides = array<i32>} : memref<2x8x8x128xf32, #tpu.memory_space<vmem>>, vector<16xf32>,
        tpu.vector_store %arg7[%swap3A_471, %swap3A_472, %swap3A_473, %swap3A_474], %scan3A_388 {strides = array<i32>} : memref<2x8x8x128xf32, #tpu.memory_space<vmem>>, vector<16xf32>,
        %get3A_476 = arith.index_cast %shift_right_logical3A_272 : i32 to index
        %get3A_477 = arith.index_cast %scan3A_381 : i32 to index
        %get3A_478 = arith.index_cast %and3A_274 : i32 to index
        %get3A_479 = arith.constant 112 : index
        %get3A_480 = tpu.vector_load %arg6[%get3A_476, %get3A_477, %get3A_478, %get3A_479] {strides = array<i32>} : memref<4x8x8x128xi32, #tpu.memory_space<vmem>>, vector<16xi32>,
        %swap3A_481 = arith.constant 1 : i32
        %swap3A_482 = arith.constant 7 : i32
        %swap3A_483 = arith.index_cast %swap3A_481 : i32 to index
        %swap3A_484 = arith.index_cast %max3A_392 : i32 to index
        %swap3A_485 = arith.index_cast %swap3A_482 : i32 to index
        %swap3A_486 = arith.constant 112 : index
        %swap3A_487 = tpu.vector_load %arg7[%swap3A_483, %swap3A_484, %swap3A_485, %swap3A_486] {strides = array<i32>} : memref<2x8x8x128xf32, #tpu.memory_space<vmem>>, vector<16xf32>,
        tpu.vector_store %arg7[%swap3A_483, %swap3A_484, %swap3A_485, %swap3A_486], %scan3A_389 {strides = array<i32>} : memref<2x8x8x128xf32, #tpu.memory_space<vmem>>, vector<16xf32>,
        %shift_right_logical3A_488 = arith.constant 7 : i32
        %shift_right_logical3A_489 = vector.broadcast %shift_right_logical3A_488 : i32 to vector<16xi32>
        %shift_right_logical3A_490 = arith.shrui %get3A_396, %shift_right_logical3A_489 : vector<16xi32>
        %shift_left3A = arith.constant 10 : i32
        %shift_left3A_491 = vector.broadcast %shift_left3A : i32 to vector<16xi32>
        %shift_left3A_492 = arith.shli %shift_right_logical3A_490, %shift_left3A_491 : vector<16xi32>
        %and3A_493 = arith.constant 127 : i32
        %and3A_494 = vector.broadcast %and3A_493 : i32 to vector<16xi32>
        %and3A_495 = arith.andi %get3A_396, %and3A_494 : vector<16xi32>
        %add3A_496 = arith.addi %shift_left3A_492, %and3A_495 : vector<16xi32>
        %shift_right_logical3A_497 = arith.constant 7 : i32
        %shift_right_logical3A_498 = vector.broadcast %shift_right_logical3A_497 : i32 to vector<16xi32>
        %shift_right_logical3A_499 = arith.shrui %get3A_408, %shift_right_logical3A_498 : vector<16xi32>
        %shift_left3A_500 = arith.constant 10 : i32
        %shift_left3A_501 = vector.broadcast %shift_left3A_500 : i32 to vector<16xi32>
        %shift_left3A_502 = arith.shli %shift_right_logical3A_499, %shift_left3A_501 : vector<16xi32>
        %and3A_503 = arith.constant 127 : i32
        %and3A_504 = vector.broadcast %and3A_503 : i32 to vector<16xi32>
        %and3A_505 = arith.andi %get3A_408, %and3A_504 : vector<16xi32>
        %add3A_506 = arith.addi %shift_left3A_502, %and3A_505 : vector<16xi32>
        %shift_right_logical3A_507 = arith.constant 7 : i32
        %shift_right_logical3A_508 = vector.broadcast %shift_right_logical3A_507 : i32 to vector<16xi32>
        %shift_right_logical3A_509 = arith.shrui %get3A_420, %shift_right_logical3A_508 : vector<16xi32>
        %shift_left3A_510 = arith.constant 10 : i32
        %shift_left3A_511 = vector.broadcast %shift_left3A_510 : i32 to vector<16xi32>
        %shift_left3A_512 = arith.shli %shift_right_logical3A_509, %shift_left3A_511 : vector<16xi32>
        %and3A_513 = arith.constant 127 : i32
        %and3A_514 = vector.broadcast %and3A_513 : i32 to vector<16xi32>
        %and3A_515 = arith.andi %get3A_420, %and3A_514 : vector<16xi32>
        %add3A_516 = arith.addi %shift_left3A_512, %and3A_515 : vector<16xi32>
        %shift_right_logical3A_517 = arith.constant 7 : i32
        %shift_right_logical3A_518 = vector.broadcast %shift_right_logical3A_517 : i32 to vector<16xi32>
        %shift_right_logical3A_519 = arith.shrui %get3A_432, %shift_right_logical3A_518 : vector<16xi32>
        %shift_left3A_520 = arith.constant 10 : i32
        %shift_left3A_521 = vector.broadcast %shift_left3A_520 : i32 to vector<16xi32>
        %shift_left3A_522 = arith.shli %shift_right_logical3A_519, %shift_left3A_521 : vector<16xi32>
        %and3A_523 = arith.constant 127 : i32
        %and3A_524 = vector.broadcast %and3A_523 : i32 to vector<16xi32>
        %and3A_525 = arith.andi %get3A_432, %and3A_524 : vector<16xi32>
        %add3A_526 = arith.addi %shift_left3A_522, %and3A_525 : vector<16xi32>
        %shift_right_logical3A_527 = arith.constant 7 : i32
        %shift_right_logical3A_528 = vector.broadcast %shift_right_logical3A_527 : i32 to vector<16xi32>
        %shift_right_logical3A_529 = arith.shrui %get3A_444, %shift_right_logical3A_528 : vector<16xi32>
        %shift_left3A_530 = arith.constant 10 : i32
        %shift_left3A_531 = vector.broadcast %shift_left3A_530 : i32 to vector<16xi32>
        %shift_left3A_532 = arith.shli %shift_right_logical3A_529, %shift_left3A_531 : vector<16xi32>
        %and3A_533 = arith.constant 127 : i32
        %and3A_534 = vector.broadcast %and3A_533 : i32 to vector<16xi32>
        %and3A_535 = arith.andi %get3A_444, %and3A_534 : vector<16xi32>
        %add3A_536 = arith.addi %shift_left3A_532, %and3A_535 : vector<16xi32>
        %shift_right_logical3A_537 = arith.constant 7 : i32
        %shift_right_logical3A_538 = vector.broadcast %shift_right_logical3A_537 : i32 to vector<16xi32>
        %shift_right_logical3A_539 = arith.shrui %get3A_456, %shift_right_logical3A_538 : vector<16xi32>
        %shift_left3A_540 = arith.constant 10 : i32
        %shift_left3A_541 = vector.broadcast %shift_left3A_540 : i32 to vector<16xi32>
        %shift_left3A_542 = arith.shli %shift_right_logical3A_539, %shift_left3A_541 : vector<16xi32>
        %and3A_543 = arith.constant 127 : i32
        %and3A_544 = vector.broadcast %and3A_543 : i32 to vector<16xi32>
        %and3A_545 = arith.andi %get3A_456, %and3A_544 : vector<16xi32>
        %add3A_546 = arith.addi %shift_left3A_542, %and3A_545 : vector<16xi32>
        %shift_right_logical3A_547 = arith.constant 7 : i32
        %shift_right_logical3A_548 = vector.broadcast %shift_right_logical3A_547 : i32 to vector<16xi32>
        %shift_right_logical3A_549 = arith.shrui %get3A_468, %shift_right_logical3A_548 : vector<16xi32>
        %shift_left3A_550 = arith.constant 10 : i32
        %shift_left3A_551 = vector.broadcast %shift_left3A_550 : i32 to vector<16xi32>
        %shift_left3A_552 = arith.shli %shift_right_logical3A_549, %shift_left3A_551 : vector<16xi32>
        %and3A_553 = arith.constant 127 : i32
        %and3A_554 = vector.broadcast %and3A_553 : i32 to vector<16xi32>
        %and3A_555 = arith.andi %get3A_468, %and3A_554 : vector<16xi32>
        %add3A_556 = arith.addi %shift_left3A_552, %and3A_555 : vector<16xi32>
        %shift_right_logical3A_557 = arith.constant 7 : i32
        %shift_right_logical3A_558 = vector.broadcast %shift_right_logical3A_557 : i32 to vector<16xi32>
        %shift_right_logical3A_559 = arith.shrui %get3A_480, %shift_right_logical3A_558 : vector<16xi32>
        %shift_left3A_560 = arith.constant 10 : i32
        %shift_left3A_561 = vector.broadcast %shift_left3A_560 : i32 to vector<16xi32>
        %shift_left3A_562 = arith.shli %shift_right_logical3A_559, %shift_left3A_561 : vector<16xi32>
        %and3A_563 = arith.constant 127 : i32
        %and3A_564 = vector.broadcast %and3A_563 : i32 to vector<16xi32>
        %and3A_565 = arith.andi %get3A_480, %and3A_564 : vector<16xi32>
        %add3A_566 = arith.addi %shift_left3A_562, %and3A_565 : vector<16xi32>
        %gather3A = arith.constant 0 : i32
        %gather3A_567 = tpu.memref_slice %arg5[%gather3A] : memref<65536xf32, #tpu.memory_space<vmem>> -> memref<64640xf32, #tpu.memory_space<vmem>>
        %gather3A_568 = tpu.vector_load_idx %gather3A_567[%add3A_496] : memref<64640xf32, #tpu.memory_space<vmem>>[vector<16xi32>], vector<16xf32>,
        %gather3A_569 = arith.constant 128 : i32
        %gather3A_570 = tpu.memref_slice %arg5[%gather3A_569] : memref<65536xf32, #tpu.memory_space<vmem>> -> memref<64640xf32, #tpu.memory_space<vmem>>
        %gather3A_571 = tpu.vector_load_idx %gather3A_570[%add3A_496] : memref<64640xf32, #tpu.memory_space<vmem>>[vector<16xi32>], vector<16xf32>,
        %gather3A_572 = arith.constant 256 : i32
        %gather3A_573 = tpu.memref_slice %arg5[%gather3A_572] : memref<65536xf32, #tpu.memory_space<vmem>> -> memref<64640xf32, #tpu.memory_space<vmem>>
        %gather3A_574 = tpu.vector_load_idx %gather3A_573[%add3A_496] : memref<64640xf32, #tpu.memory_space<vmem>>[vector<16xi32>], vector<16xf32>,
        %gather3A_575 = arith.constant 384 : i32
        %gather3A_576 = tpu.memref_slice %arg5[%gather3A_575] : memref<65536xf32, #tpu.memory_space<vmem>> -> memref<64640xf32, #tpu.memory_space<vmem>>
        %gather3A_577 = tpu.vector_load_idx %gather3A_576[%add3A_496] : memref<64640xf32, #tpu.memory_space<vmem>>[vector<16xi32>], vector<16xf32>,
        %gather3A_578 = arith.constant 512 : i32
        %gather3A_579 = tpu.memref_slice %arg5[%gather3A_578] : memref<65536xf32, #tpu.memory_space<vmem>> -> memref<64640xf32, #tpu.memory_space<vmem>>
        %gather3A_580 = tpu.vector_load_idx %gather3A_579[%add3A_496] : memref<64640xf32, #tpu.memory_space<vmem>>[vector<16xi32>], vector<16xf32>,
        %gather3A_581 = arith.constant 640 : i32
        %gather3A_582 = tpu.memref_slice %arg5[%gather3A_581] : memref<65536xf32, #tpu.memory_space<vmem>> -> memref<64640xf32, #tpu.memory_space<vmem>>
        %gather3A_583 = tpu.vector_load_idx %gather3A_582[%add3A_496] : memref<64640xf32, #tpu.memory_space<vmem>>[vector<16xi32>], vector<16xf32>,
        %gather3A_584 = arith.constant 768 : i32
        %gather3A_585 = tpu.memref_slice %arg5[%gather3A_584] : memref<65536xf32, #tpu.memory_space<vmem>> -> memref<64640xf32, #tpu.memory_space<vmem>>
        %gather3A_586 = tpu.vector_load_idx %gather3A_585[%add3A_496] : memref<64640xf32, #tpu.memory_space<vmem>>[vector<16xi32>], vector<16xf32>,
        %gather3A_587 = arith.constant 896 : i32
        %gather3A_588 = tpu.memref_slice %arg5[%gather3A_587] : memref<65536xf32, #tpu.memory_space<vmem>> -> memref<64640xf32, #tpu.memory_space<vmem>>
        %gather3A_589 = tpu.vector_load_idx %gather3A_588[%add3A_496] : memref<64640xf32, #tpu.memory_space<vmem>>[vector<16xi32>], vector<16xf32>,
        %gather3A_590 = arith.constant 0 : i32
        %gather3A_591 = tpu.memref_slice %arg5[%gather3A_590] : memref<65536xf32, #tpu.memory_space<vmem>> -> memref<64640xf32, #tpu.memory_space<vmem>>
        %gather3A_592 = tpu.vector_load_idx %gather3A_591[%add3A_506] : memref<64640xf32, #tpu.memory_space<vmem>>[vector<16xi32>], vector<16xf32>,
        %swap3A_593 = arith.constant 1 : i32
        %swap3A_594 = arith.constant 0 : i32
        %swap3A_595 = arith.index_cast %swap3A_593 : i32 to index
        %swap3A_596 = arith.index_cast %scan3A_381 : i32 to index
        %swap3A_597 = arith.index_cast %swap3A_594 : i32 to index
        %swap3A_598 = arith.constant 0 : index
        %swap3A_599 = tpu.vector_load %arg7[%swap3A_595, %swap3A_596, %swap3A_597, %swap3A_598] {strides = array<i32>} : memref<2x8x8x128xf32, #tpu.memory_space<vmem>>, vector<16xf32>,
        tpu.vector_store %arg7[%swap3A_595, %swap3A_596, %swap3A_597, %swap3A_598], %gather3A_568 {strides = array<i32>} : memref<2x8x8x128xf32, #tpu.memory_space<vmem>>, vector<16xf32>,
        %gather3A_600 = arith.constant 128 : i32
        %gather3A_601 = tpu.memref_slice %arg5[%gather3A_600] : memref<65536xf32, #tpu.memory_space<vmem>> -> memref<64640xf32, #tpu.memory_space<vmem>>
        %gather3A_602 = tpu.vector_load_idx %gather3A_601[%add3A_506] : memref<64640xf32, #tpu.memory_space<vmem>>[vector<16xi32>], vector<16xf32>,
        %swap3A_603 = arith.constant 1 : i32
        %swap3A_604 = arith.constant 1 : i32
        %swap3A_605 = arith.index_cast %swap3A_603 : i32 to index
        %swap3A_606 = arith.index_cast %scan3A_381 : i32 to index
        %swap3A_607 = arith.index_cast %swap3A_604 : i32 to index
        %swap3A_608 = arith.constant 0 : index
        %swap3A_609 = tpu.vector_load %arg7[%swap3A_605, %swap3A_606, %swap3A_607, %swap3A_608] {strides = array<i32>} : memref<2x8x8x128xf32, #tpu.memory_space<vmem>>, vector<16xf32>,
        tpu.vector_store %arg7[%swap3A_605, %swap3A_606, %swap3A_607, %swap3A_608], %gather3A_571 {strides = array<i32>} : memref<2x8x8x128xf32, #tpu.memory_space<vmem>>, vector<16xf32>,
        %gather3A_610 = arith.constant 256 : i32
        %gather3A_611 = tpu.memref_slice %arg5[%gather3A_610] : memref<65536xf32, #tpu.memory_space<vmem>> -> memref<64640xf32, #tpu.memory_space<vmem>>
        %gather3A_612 = tpu.vector_load_idx %gather3A_611[%add3A_506] : memref<64640xf32, #tpu.memory_space<vmem>>[vector<16xi32>], vector<16xf32>,
        %swap3A_613 = arith.constant 1 : i32
        %swap3A_614 = arith.constant 2 : i32
        %swap3A_615 = arith.index_cast %swap3A_613 : i32 to index
        %swap3A_616 = arith.index_cast %scan3A_381 : i32 to index
        %swap3A_617 = arith.index_cast %swap3A_614 : i32 to index
        %swap3A_618 = arith.constant 0 : index
        %swap3A_619 = tpu.vector_load %arg7[%swap3A_615, %swap3A_616, %swap3A_617, %swap3A_618] {strides = array<i32>} : memref<2x8x8x128xf32, #tpu.memory_space<vmem>>, vector<16xf32>,
        tpu.vector_store %arg7[%swap3A_615, %swap3A_616, %swap3A_617, %swap3A_618], %gather3A_574 {strides = array<i32>} : memref<2x8x8x128xf32, #tpu.memory_space<vmem>>, vector<16xf32>,
        %gather3A_620 = arith.constant 384 : i32
        %gather3A_621 = tpu.memref_slice %arg5[%gather3A_620] : memref<65536xf32, #tpu.memory_space<vmem>> -> memref<64640xf32, #tpu.memory_space<vmem>>
        %gather3A_622 = tpu.vector_load_idx %gather3A_621[%add3A_506] : memref<64640xf32, #tpu.memory_space<vmem>>[vector<16xi32>], vector<16xf32>,
        %swap3A_623 = arith.constant 1 : i32
        %swap3A_624 = arith.constant 3 : i32
        %swap3A_625 = arith.index_cast %swap3A_623 : i32 to index
        %swap3A_626 = arith.index_cast %scan3A_381 : i32 to index
        %swap3A_627 = arith.index_cast %swap3A_624 : i32 to index
        %swap3A_628 = arith.constant 0 : index
        %swap3A_629 = tpu.vector_load %arg7[%swap3A_625, %swap3A_626, %swap3A_627, %swap3A_628] {strides = array<i32>} : memref<2x8x8x128xf32, #tpu.memory_space<vmem>>, vector<16xf32>,
        tpu.vector_store %arg7[%swap3A_625, %swap3A_626, %swap3A_627, %swap3A_628], %gather3A_577 {strides = array<i32>} : memref<2x8x8x128xf32, #tpu.memory_space<vmem>>, vector<16xf32>,
        %gather3A_630 = arith.constant 512 : i32
        %gather3A_631 = tpu.memref_slice %arg5[%gather3A_630] : memref<65536xf32, #tpu.memory_space<vmem>> -> memref<64640xf32, #tpu.memory_space<vmem>>
        %gather3A_632 = tpu.vector_load_idx %gather3A_631[%add3A_506] : memref<64640xf32, #tpu.memory_space<vmem>>[vector<16xi32>], vector<16xf32>,
        %swap3A_633 = arith.constant 1 : i32
        %swap3A_634 = arith.constant 4 : i32
        %swap3A_635 = arith.index_cast %swap3A_633 : i32 to index
        %swap3A_636 = arith.index_cast %scan3A_381 : i32 to index
        %swap3A_637 = arith.index_cast %swap3A_634 : i32 to index
        %swap3A_638 = arith.constant 0 : index
        %swap3A_639 = tpu.vector_load %arg7[%swap3A_635, %swap3A_636, %swap3A_637, %swap3A_638] {strides = array<i32>} : memref<2x8x8x128xf32, #tpu.memory_space<vmem>>, vector<16xf32>,
        tpu.vector_store %arg7[%swap3A_635, %swap3A_636, %swap3A_637, %swap3A_638], %gather3A_580 {strides = array<i32>} : memref<2x8x8x128xf32, #tpu.memory_space<vmem>>, vector<16xf32>,
        %gather3A_640 = arith.constant 640 : i32
        %gather3A_641 = tpu.memref_slice %arg5[%gather3A_640] : memref<65536xf32, #tpu.memory_space<vmem>> -> memref<64640xf32, #tpu.memory_space<vmem>>
        %gather3A_642 = tpu.vector_load_idx %gather3A_641[%add3A_506] : memref<64640xf32, #tpu.memory_space<vmem>>[vector<16xi32>], vector<16xf32>,
        %swap3A_643 = arith.constant 1 : i32
        %swap3A_644 = arith.constant 5 : i32
        %swap3A_645 = arith.index_cast %swap3A_643 : i32 to index
        %swap3A_646 = arith.index_cast %scan3A_381 : i32 to index
        %swap3A_647 = arith.index_cast %swap3A_644 : i32 to index
        %swap3A_648 = arith.constant 0 : index
        %swap3A_649 = tpu.vector_load %arg7[%swap3A_645, %swap3A_646, %swap3A_647, %swap3A_648] {strides = array<i32>} : memref<2x8x8x128xf32, #tpu.memory_space<vmem>>, vector<16xf32>,
        tpu.vector_store %arg7[%swap3A_645, %swap3A_646, %swap3A_647, %swap3A_648], %gather3A_583 {strides = array<i32>} : memref<2x8x8x128xf32, #tpu.memory_space<vmem>>, vector<16xf32>,
        %gather3A_650 = arith.constant 768 : i32
        %gather3A_651 = tpu.memref_slice %arg5[%gather3A_650] : memref<65536xf32, #tpu.memory_space<vmem>> -> memref<64640xf32, #tpu.memory_space<vmem>>
        %gather3A_652 = tpu.vector_load_idx %gather3A_651[%add3A_506] : memref<64640xf32, #tpu.memory_space<vmem>>[vector<16xi32>], vector<16xf32>,
        %swap3A_653 = arith.constant 1 : i32
        %swap3A_654 = arith.constant 6 : i32
        %swap3A_655 = arith.index_cast %swap3A_653 : i32 to index
        %swap3A_656 = arith.index_cast %scan3A_381 : i32 to index
        %swap3A_657 = arith.index_cast %swap3A_654 : i32 to index
        %swap3A_658 = arith.constant 0 : index
        %swap3A_659 = tpu.vector_load %arg7[%swap3A_655, %swap3A_656, %swap3A_657, %swap3A_658] {strides = array<i32>} : memref<2x8x8x128xf32, #tpu.memory_space<vmem>>, vector<16xf32>,
        tpu.vector_store %arg7[%swap3A_655, %swap3A_656, %swap3A_657, %swap3A_658], %gather3A_586 {strides = array<i32>} : memref<2x8x8x128xf32, #tpu.memory_space<vmem>>, vector<16xf32>,
        %gather3A_660 = arith.constant 896 : i32
        %gather3A_661 = tpu.memref_slice %arg5[%gather3A_660] : memref<65536xf32, #tpu.memory_space<vmem>> -> memref<64640xf32, #tpu.memory_space<vmem>>
        %gather3A_662 = tpu.vector_load_idx %gather3A_661[%add3A_506] : memref<64640xf32, #tpu.memory_space<vmem>>[vector<16xi32>], vector<16xf32>,
        %swap3A_663 = arith.constant 1 : i32
        %swap3A_664 = arith.constant 7 : i32
        %swap3A_665 = arith.index_cast %swap3A_663 : i32 to index
        %swap3A_666 = arith.index_cast %scan3A_381 : i32 to index
        %swap3A_667 = arith.index_cast %swap3A_664 : i32 to index
        %swap3A_668 = arith.constant 0 : index
        %swap3A_669 = tpu.vector_load %arg7[%swap3A_665, %swap3A_666, %swap3A_667, %swap3A_668] {strides = array<i32>} : memref<2x8x8x128xf32, #tpu.memory_space<vmem>>, vector<16xf32>,
        tpu.vector_store %arg7[%swap3A_665, %swap3A_666, %swap3A_667, %swap3A_668], %gather3A_589 {strides = array<i32>} : memref<2x8x8x128xf32, #tpu.memory_space<vmem>>, vector<16xf32>,
        %gather3A_670 = arith.constant 0 : i32
        %gather3A_671 = tpu.memref_slice %arg5[%gather3A_670] : memref<65536xf32, #tpu.memory_space<vmem>> -> memref<64640xf32, #tpu.memory_space<vmem>>
        %gather3A_672 = tpu.vector_load_idx %gather3A_671[%add3A_516] : memref<64640xf32, #tpu.memory_space<vmem>>[vector<16xi32>], vector<16xf32>,
        %swap3A_673 = arith.constant 1 : i32
        %swap3A_674 = arith.constant 0 : i32
        %swap3A_675 = arith.index_cast %swap3A_673 : i32 to index
        %swap3A_676 = arith.index_cast %scan3A_381 : i32 to index
        %swap3A_677 = arith.index_cast %swap3A_674 : i32 to index
        %swap3A_678 = arith.constant 16 : index
        %swap3A_679 = tpu.vector_load %arg7[%swap3A_675, %swap3A_676, %swap3A_677, %swap3A_678] {strides = array<i32>} : memref<2x8x8x128xf32, #tpu.memory_space<vmem>>, vector<16xf32>,
        tpu.vector_store %arg7[%swap3A_675, %swap3A_676, %swap3A_677, %swap3A_678], %gather3A_592 {strides = array<i32>} : memref<2x8x8x128xf32, #tpu.memory_space<vmem>>, vector<16xf32>,
        %gather3A_680 = arith.constant 128 : i32
        %gather3A_681 = tpu.memref_slice %arg5[%gather3A_680] : memref<65536xf32, #tpu.memory_space<vmem>> -> memref<64640xf32, #tpu.memory_space<vmem>>
        %gather3A_682 = tpu.vector_load_idx %gather3A_681[%add3A_516] : memref<64640xf32, #tpu.memory_space<vmem>>[vector<16xi32>], vector<16xf32>,
        %swap3A_683 = arith.constant 1 : i32
        %swap3A_684 = arith.constant 1 : i32
        %swap3A_685 = arith.index_cast %swap3A_683 : i32 to index
        %swap3A_686 = arith.index_cast %scan3A_381 : i32 to index
        %swap3A_687 = arith.index_cast %swap3A_684 : i32 to index
        %swap3A_688 = arith.constant 16 : index
        %swap3A_689 = tpu.vector_load %arg7[%swap3A_685, %swap3A_686, %swap3A_687, %swap3A_688] {strides = array<i32>} : memref<2x8x8x128xf32, #tpu.memory_space<vmem>>, vector<16xf32>,
        tpu.vector_store %arg7[%swap3A_685, %swap3A_686, %swap3A_687, %swap3A_688], %gather3A_602 {strides = array<i32>} : memref<2x8x8x128xf32, #tpu.memory_space<vmem>>, vector<16xf32>,
        %gather3A_690 = arith.constant 256 : i32
        %gather3A_691 = tpu.memref_slice %arg5[%gather3A_690] : memref<65536xf32, #tpu.memory_space<vmem>> -> memref<64640xf32, #tpu.memory_space<vmem>>
        %gather3A_692 = tpu.vector_load_idx %gather3A_691[%add3A_516] : memref<64640xf32, #tpu.memory_space<vmem>>[vector<16xi32>], vector<16xf32>,
        %swap3A_693 = arith.constant 1 : i32
        %swap3A_694 = arith.constant 2 : i32
        %swap3A_695 = arith.index_cast %swap3A_693 : i32 to index
        %swap3A_696 = arith.index_cast %scan3A_381 : i32 to index
        %swap3A_697 = arith.index_cast %swap3A_694 : i32 to index
        %swap3A_698 = arith.constant 16 : index
        %swap3A_699 = tpu.vector_load %arg7[%swap3A_695, %swap3A_696, %swap3A_697, %swap3A_698] {strides = array<i32>} : memref<2x8x8x128xf32, #tpu.memory_space<vmem>>, vector<16xf32>,
        tpu.vector_store %arg7[%swap3A_695, %swap3A_696, %swap3A_697, %swap3A_698], %gather3A_612 {strides = array<i32>} : memref<2x8x8x128xf32, #tpu.memory_space<vmem>>, vector<16xf32>,
        %gather3A_700 = arith.constant 384 : i32
        %gather3A_701 = tpu.memref_slice %arg5[%gather3A_700] : memref<65536xf32, #tpu.memory_space<vmem>> -> memref<64640xf32, #tpu.memory_space<vmem>>
        %gather3A_702 = tpu.vector_load_idx %gather3A_701[%add3A_516] : memref<64640xf32, #tpu.memory_space<vmem>>[vector<16xi32>], vector<16xf32>,
        %swap3A_703 = arith.constant 1 : i32
        %swap3A_704 = arith.constant 3 : i32
        %swap3A_705 = arith.index_cast %swap3A_703 : i32 to index
        %swap3A_706 = arith.index_cast %scan3A_381 : i32 to index
        %swap3A_707 = arith.index_cast %swap3A_704 : i32 to index
        %swap3A_708 = arith.constant 16 : index
        %swap3A_709 = tpu.vector_load %arg7[%swap3A_705, %swap3A_706, %swap3A_707, %swap3A_708] {strides = array<i32>} : memref<2x8x8x128xf32, #tpu.memory_space<vmem>>, vector<16xf32>,
        tpu.vector_store %arg7[%swap3A_705, %swap3A_706, %swap3A_707, %swap3A_708], %gather3A_622 {strides = array<i32>} : memref<2x8x8x128xf32, #tpu.memory_space<vmem>>, vector<16xf32>,
        %gather3A_710 = arith.constant 512 : i32
        %gather3A_711 = tpu.memref_slice %arg5[%gather3A_710] : memref<65536xf32, #tpu.memory_space<vmem>> -> memref<64640xf32, #tpu.memory_space<vmem>>
        %gather3A_712 = tpu.vector_load_idx %gather3A_711[%add3A_516] : memref<64640xf32, #tpu.memory_space<vmem>>[vector<16xi32>], vector<16xf32>,
        %swap3A_713 = arith.constant 1 : i32
        %swap3A_714 = arith.constant 4 : i32
        %swap3A_715 = arith.index_cast %swap3A_713 : i32 to index
        %swap3A_716 = arith.index_cast %scan3A_381 : i32 to index
        %swap3A_717 = arith.index_cast %swap3A_714 : i32 to index
        %swap3A_718 = arith.constant 16 : index
        %swap3A_719 = tpu.vector_load %arg7[%swap3A_715, %swap3A_716, %swap3A_717, %swap3A_718] {strides = array<i32>} : memref<2x8x8x128xf32, #tpu.memory_space<vmem>>, vector<16xf32>,
        tpu.vector_store %arg7[%swap3A_715, %swap3A_716, %swap3A_717, %swap3A_718], %gather3A_632 {strides = array<i32>} : memref<2x8x8x128xf32, #tpu.memory_space<vmem>>, vector<16xf32>,
        %gather3A_720 = arith.constant 640 : i32
        %gather3A_721 = tpu.memref_slice %arg5[%gather3A_720] : memref<65536xf32, #tpu.memory_space<vmem>> -> memref<64640xf32, #tpu.memory_space<vmem>>
        %gather3A_722 = tpu.vector_load_idx %gather3A_721[%add3A_516] : memref<64640xf32, #tpu.memory_space<vmem>>[vector<16xi32>], vector<16xf32>,
        %swap3A_723 = arith.constant 1 : i32
        %swap3A_724 = arith.constant 5 : i32
        %swap3A_725 = arith.index_cast %swap3A_723 : i32 to index
        %swap3A_726 = arith.index_cast %scan3A_381 : i32 to index
        %swap3A_727 = arith.index_cast %swap3A_724 : i32 to index
        %swap3A_728 = arith.constant 16 : index
        %swap3A_729 = tpu.vector_load %arg7[%swap3A_725, %swap3A_726, %swap3A_727, %swap3A_728] {strides = array<i32>} : memref<2x8x8x128xf32, #tpu.memory_space<vmem>>, vector<16xf32>,
        tpu.vector_store %arg7[%swap3A_725, %swap3A_726, %swap3A_727, %swap3A_728], %gather3A_642 {strides = array<i32>} : memref<2x8x8x128xf32, #tpu.memory_space<vmem>>, vector<16xf32>,
        %gather3A_730 = arith.constant 768 : i32
        %gather3A_731 = tpu.memref_slice %arg5[%gather3A_730] : memref<65536xf32, #tpu.memory_space<vmem>> -> memref<64640xf32, #tpu.memory_space<vmem>>
        %gather3A_732 = tpu.vector_load_idx %gather3A_731[%add3A_516] : memref<64640xf32, #tpu.memory_space<vmem>>[vector<16xi32>], vector<16xf32>,
        %swap3A_733 = arith.constant 1 : i32
        %swap3A_734 = arith.constant 6 : i32
        %swap3A_735 = arith.index_cast %swap3A_733 : i32 to index
        %swap3A_736 = arith.index_cast %scan3A_381 : i32 to index
        %swap3A_737 = arith.index_cast %swap3A_734 : i32 to index
        %swap3A_738 = arith.constant 16 : index
        %swap3A_739 = tpu.vector_load %arg7[%swap3A_735, %swap3A_736, %swap3A_737, %swap3A_738] {strides = array<i32>} : memref<2x8x8x128xf32, #tpu.memory_space<vmem>>, vector<16xf32>,
        tpu.vector_store %arg7[%swap3A_735, %swap3A_736, %swap3A_737, %swap3A_738], %gather3A_652 {strides = array<i32>} : memref<2x8x8x128xf32, #tpu.memory_space<vmem>>, vector<16xf32>,
        %gather3A_740 = arith.constant 896 : i32
        %gather3A_741 = tpu.memref_slice %arg5[%gather3A_740] : memref<65536xf32, #tpu.memory_space<vmem>> -> memref<64640xf32, #tpu.memory_space<vmem>>
        %gather3A_742 = tpu.vector_load_idx %gather3A_741[%add3A_516] : memref<64640xf32, #tpu.memory_space<vmem>>[vector<16xi32>], vector<16xf32>,
        %swap3A_743 = arith.constant 1 : i32
        %swap3A_744 = arith.constant 7 : i32
        %swap3A_745 = arith.index_cast %swap3A_743 : i32 to index
        %swap3A_746 = arith.index_cast %scan3A_381 : i32 to index
        %swap3A_747 = arith.index_cast %swap3A_744 : i32 to index
        %swap3A_748 = arith.constant 16 : index
        %swap3A_749 = tpu.vector_load %arg7[%swap3A_745, %swap3A_746, %swap3A_747, %swap3A_748] {strides = array<i32>} : memref<2x8x8x128xf32, #tpu.memory_space<vmem>>, vector<16xf32>,
        tpu.vector_store %arg7[%swap3A_745, %swap3A_746, %swap3A_747, %swap3A_748], %gather3A_662 {strides = array<i32>} : memref<2x8x8x128xf32, #tpu.memory_space<vmem>>, vector<16xf32>,
        %gather3A_750 = arith.constant 0 : i32
        %gather3A_751 = tpu.memref_slice %arg5[%gather3A_750] : memref<65536xf32, #tpu.memory_space<vmem>> -> memref<64640xf32, #tpu.memory_space<vmem>>
        %gather3A_752 = tpu.vector_load_idx %gather3A_751[%add3A_526] : memref<64640xf32, #tpu.memory_space<vmem>>[vector<16xi32>], vector<16xf32>,
        %swap3A_753 = arith.constant 1 : i32
        %swap3A_754 = arith.constant 0 : i32
        %swap3A_755 = arith.index_cast %swap3A_753 : i32 to index
        %swap3A_756 = arith.index_cast %scan3A_381 : i32 to index
        %swap3A_757 = arith.index_cast %swap3A_754 : i32 to index
        %swap3A_758 = arith.constant 32 : index
        %swap3A_759 = tpu.vector_load %arg7[%swap3A_755, %swap3A_756, %swap3A_757, %swap3A_758] {strides = array<i32>} : memref<2x8x8x128xf32, #tpu.memory_space<vmem>>, vector<16xf32>,
        tpu.vector_store %arg7[%swap3A_755, %swap3A_756, %swap3A_757, %swap3A_758], %gather3A_672 {strides = array<i32>} : memref<2x8x8x128xf32, #tpu.memory_space<vmem>>, vector<16xf32>,
        %gather3A_760 = arith.constant 128 : i32
        %gather3A_761 = tpu.memref_slice %arg5[%gather3A_760] : memref<65536xf32, #tpu.memory_space<vmem>> -> memref<64640xf32, #tpu.memory_space<vmem>>
        %gather3A_762 = tpu.vector_load_idx %gather3A_761[%add3A_526] : memref<64640xf32, #tpu.memory_space<vmem>>[vector<16xi32>], vector<16xf32>,
        %swap3A_763 = arith.constant 1 : i32
        %swap3A_764 = arith.constant 1 : i32
        %swap3A_765 = arith.index_cast %swap3A_763 : i32 to index
        %swap3A_766 = arith.index_cast %scan3A_381 : i32 to index
        %swap3A_767 = arith.index_cast %swap3A_764 : i32 to index
        %swap3A_768 = arith.constant 32 : index
        %swap3A_769 = tpu.vector_load %arg7[%swap3A_765, %swap3A_766, %swap3A_767, %swap3A_768] {strides = array<i32>} : memref<2x8x8x128xf32, #tpu.memory_space<vmem>>, vector<16xf32>,
        tpu.vector_store %arg7[%swap3A_765, %swap3A_766, %swap3A_767, %swap3A_768], %gather3A_682 {strides = array<i32>} : memref<2x8x8x128xf32, #tpu.memory_space<vmem>>, vector<16xf32>,
        %gather3A_770 = arith.constant 256 : i32
        %gather3A_771 = tpu.memref_slice %arg5[%gather3A_770] : memref<65536xf32, #tpu.memory_space<vmem>> -> memref<64640xf32, #tpu.memory_space<vmem>>
        %gather3A_772 = tpu.vector_load_idx %gather3A_771[%add3A_526] : memref<64640xf32, #tpu.memory_space<vmem>>[vector<16xi32>], vector<16xf32>,
        %swap3A_773 = arith.constant 1 : i32
        %swap3A_774 = arith.constant 2 : i32
        %swap3A_775 = arith.index_cast %swap3A_773 : i32 to index
        %swap3A_776 = arith.index_cast %scan3A_381 : i32 to index
        %swap3A_777 = arith.index_cast %swap3A_774 : i32 to index
        %swap3A_778 = arith.constant 32 : index
        %swap3A_779 = tpu.vector_load %arg7[%swap3A_775, %swap3A_776, %swap3A_777, %swap3A_778] {strides = array<i32>} : memref<2x8x8x128xf32, #tpu.memory_space<vmem>>, vector<16xf32>,
        tpu.vector_store %arg7[%swap3A_775, %swap3A_776, %swap3A_777, %swap3A_778], %gather3A_692 {strides = array<i32>} : memref<2x8x8x128xf32, #tpu.memory_space<vmem>>, vector<16xf32>,
        %gather3A_780 = arith.constant 384 : i32
        %gather3A_781 = tpu.memref_slice %arg5[%gather3A_780] : memref<65536xf32, #tpu.memory_space<vmem>> -> memref<64640xf32, #tpu.memory_space<vmem>>
        %gather3A_782 = tpu.vector_load_idx %gather3A_781[%add3A_526] : memref<64640xf32, #tpu.memory_space<vmem>>[vector<16xi32>], vector<16xf32>,
        %swap3A_783 = arith.constant 1 : i32
        %swap3A_784 = arith.constant 3 : i32
        %swap3A_785 = arith.index_cast %swap3A_783 : i32 to index
        %swap3A_786 = arith.index_cast %scan3A_381 : i32 to index
        %swap3A_787 = arith.index_cast %swap3A_784 : i32 to index
        %swap3A_788 = arith.constant 32 : index
        %swap3A_789 = tpu.vector_load %arg7[%swap3A_785, %swap3A_786, %swap3A_787, %swap3A_788] {strides = array<i32>} : memref<2x8x8x128xf32, #tpu.memory_space<vmem>>, vector<16xf32>,
        tpu.vector_store %arg7[%swap3A_785, %swap3A_786, %swap3A_787, %swap3A_788], %gather3A_702 {strides = array<i32>} : memref<2x8x8x128xf32, #tpu.memory_space<vmem>>, vector<16xf32>,
        %gather3A_790 = arith.constant 512 : i32
        %gather3A_791 = tpu.memref_slice %arg5[%gather3A_790] : memref<65536xf32, #tpu.memory_space<vmem>> -> memref<64640xf32, #tpu.memory_space<vmem>>
        %gather3A_792 = tpu.vector_load_idx %gather3A_791[%add3A_526] : memref<64640xf32, #tpu.memory_space<vmem>>[vector<16xi32>], vector<16xf32>,
        %swap3A_793 = arith.constant 1 : i32
        %swap3A_794 = arith.constant 4 : i32
        %swap3A_795 = arith.index_cast %swap3A_793 : i32 to index
        %swap3A_796 = arith.index_cast %scan3A_381 : i32 to index
        %swap3A_797 = arith.index_cast %swap3A_794 : i32 to index
        %swap3A_798 = arith.constant 32 : index
        %swap3A_799 = tpu.vector_load %arg7[%swap3A_795, %swap3A_796, %swap3A_797, %swap3A_798] {strides = array<i32>} : memref<2x8x8x128xf32, #tpu.memory_space<vmem>>, vector<16xf32>,
        tpu.vector_store %arg7[%swap3A_795, %swap3A_796, %swap3A_797, %swap3A_798], %gather3A_712 {strides = array<i32>} : memref<2x8x8x128xf32, #tpu.memory_space<vmem>>, vector<16xf32>,
        %gather3A_800 = arith.constant 640 : i32
        %gather3A_801 = tpu.memref_slice %arg5[%gather3A_800] : memref<65536xf32, #tpu.memory_space<vmem>> -> memref<64640xf32, #tpu.memory_space<vmem>>
        %gather3A_802 = tpu.vector_load_idx %gather3A_801[%add3A_526] : memref<64640xf32, #tpu.memory_space<vmem>>[vector<16xi32>], vector<16xf32>,
        %swap3A_803 = arith.constant 1 : i32
        %swap3A_804 = arith.constant 5 : i32
        %swap3A_805 = arith.index_cast %swap3A_803 : i32 to index
        %swap3A_806 = arith.index_cast %scan3A_381 : i32 to index
        %swap3A_807 = arith.index_cast %swap3A_804 : i32 to index
        %swap3A_808 = arith.constant 32 : index
        %swap3A_809 = tpu.vector_load %arg7[%swap3A_805, %swap3A_806, %swap3A_807, %swap3A_808] {strides = array<i32>} : memref<2x8x8x128xf32, #tpu.memory_space<vmem>>, vector<16xf32>,
        tpu.vector_store %arg7[%swap3A_805, %swap3A_806, %swap3A_807, %swap3A_808], %gather3A_722 {strides = array<i32>} : memref<2x8x8x128xf32, #tpu.memory_space<vmem>>, vector<16xf32>,
        %gather3A_810 = arith.constant 768 : i32
        %gather3A_811 = tpu.memref_slice %arg5[%gather3A_810] : memref<65536xf32, #tpu.memory_space<vmem>> -> memref<64640xf32, #tpu.memory_space<vmem>>
        %gather3A_812 = tpu.vector_load_idx %gather3A_811[%add3A_526] : memref<64640xf32, #tpu.memory_space<vmem>>[vector<16xi32>], vector<16xf32>,
        %swap3A_813 = arith.constant 1 : i32
        %swap3A_814 = arith.constant 6 : i32
        %swap3A_815 = arith.index_cast %swap3A_813 : i32 to index
        %swap3A_816 = arith.index_cast %scan3A_381 : i32 to index
        %swap3A_817 = arith.index_cast %swap3A_814 : i32 to index
        %swap3A_818 = arith.constant 32 : index
        %swap3A_819 = tpu.vector_load %arg7[%swap3A_815, %swap3A_816, %swap3A_817, %swap3A_818] {strides = array<i32>} : memref<2x8x8x128xf32, #tpu.memory_space<vmem>>, vector<16xf32>,
        tpu.vector_store %arg7[%swap3A_815, %swap3A_816, %swap3A_817, %swap3A_818], %gather3A_732 {strides = array<i32>} : memref<2x8x8x128xf32, #tpu.memory_space<vmem>>, vector<16xf32>,
        %gather3A_820 = arith.constant 896 : i32
        %gather3A_821 = tpu.memref_slice %arg5[%gather3A_820] : memref<65536xf32, #tpu.memory_space<vmem>> -> memref<64640xf32, #tpu.memory_space<vmem>>
        %gather3A_822 = tpu.vector_load_idx %gather3A_821[%add3A_526] : memref<64640xf32, #tpu.memory_space<vmem>>[vector<16xi32>], vector<16xf32>,
        %swap3A_823 = arith.constant 1 : i32
        %swap3A_824 = arith.constant 7 : i32
        %swap3A_825 = arith.index_cast %swap3A_823 : i32 to index
        %swap3A_826 = arith.index_cast %scan3A_381 : i32 to index
        %swap3A_827 = arith.index_cast %swap3A_824 : i32 to index
        %swap3A_828 = arith.constant 32 : index
        %swap3A_829 = tpu.vector_load %arg7[%swap3A_825, %swap3A_826, %swap3A_827, %swap3A_828] {strides = array<i32>} : memref<2x8x8x128xf32, #tpu.memory_space<vmem>>, vector<16xf32>,
        tpu.vector_store %arg7[%swap3A_825, %swap3A_826, %swap3A_827, %swap3A_828], %gather3A_742 {strides = array<i32>} : memref<2x8x8x128xf32, #tpu.memory_space<vmem>>, vector<16xf32>,
        %gather3A_830 = arith.constant 0 : i32
        %gather3A_831 = tpu.memref_slice %arg5[%gather3A_830] : memref<65536xf32, #tpu.memory_space<vmem>> -> memref<64640xf32, #tpu.memory_space<vmem>>
        %gather3A_832 = tpu.vector_load_idx %gather3A_831[%add3A_536] : memref<64640xf32, #tpu.memory_space<vmem>>[vector<16xi32>], vector<16xf32>,
        %swap3A_833 = arith.constant 1 : i32
        %swap3A_834 = arith.constant 0 : i32
        %swap3A_835 = arith.index_cast %swap3A_833 : i32 to index
        %swap3A_836 = arith.index_cast %scan3A_381 : i32 to index
        %swap3A_837 = arith.index_cast %swap3A_834 : i32 to index
        %swap3A_838 = arith.constant 48 : index
        %swap3A_839 = tpu.vector_load %arg7[%swap3A_835, %swap3A_836, %swap3A_837, %swap3A_838] {strides = array<i32>} : memref<2x8x8x128xf32, #tpu.memory_space<vmem>>, vector<16xf32>,
        tpu.vector_store %arg7[%swap3A_835, %swap3A_836, %swap3A_837, %swap3A_838], %gather3A_752 {strides = array<i32>} : memref<2x8x8x128xf32, #tpu.memory_space<vmem>>, vector<16xf32>,
        %gather3A_840 = arith.constant 128 : i32
        %gather3A_841 = tpu.memref_slice %arg5[%gather3A_840] : memref<65536xf32, #tpu.memory_space<vmem>> -> memref<64640xf32, #tpu.memory_space<vmem>>
        %gather3A_842 = tpu.vector_load_idx %gather3A_841[%add3A_536] : memref<64640xf32, #tpu.memory_space<vmem>>[vector<16xi32>], vector<16xf32>,
        %swap3A_843 = arith.constant 1 : i32
        %swap3A_844 = arith.constant 1 : i32
        %swap3A_845 = arith.index_cast %swap3A_843 : i32 to index
        %swap3A_846 = arith.index_cast %scan3A_381 : i32 to index
        %swap3A_847 = arith.index_cast %swap3A_844 : i32 to index
        %swap3A_848 = arith.constant 48 : index
        %swap3A_849 = tpu.vector_load %arg7[%swap3A_845, %swap3A_846, %swap3A_847, %swap3A_848] {strides = array<i32>} : memref<2x8x8x128xf32, #tpu.memory_space<vmem>>, vector<16xf32>,
        tpu.vector_store %arg7[%swap3A_845, %swap3A_846, %swap3A_847, %swap3A_848], %gather3A_762 {strides = array<i32>} : memref<2x8x8x128xf32, #tpu.memory_space<vmem>>, vector<16xf32>,
        %gather3A_850 = arith.constant 256 : i32
        %gather3A_851 = tpu.memref_slice %arg5[%gather3A_850] : memref<65536xf32, #tpu.memory_space<vmem>> -> memref<64640xf32, #tpu.memory_space<vmem>>
        %gather3A_852 = tpu.vector_load_idx %gather3A_851[%add3A_536] : memref<64640xf32, #tpu.memory_space<vmem>>[vector<16xi32>], vector<16xf32>,
        %swap3A_853 = arith.constant 1 : i32
        %swap3A_854 = arith.constant 2 : i32
        %swap3A_855 = arith.index_cast %swap3A_853 : i32 to index
        %swap3A_856 = arith.index_cast %scan3A_381 : i32 to index
        %swap3A_857 = arith.index_cast %swap3A_854 : i32 to index
        %swap3A_858 = arith.constant 48 : index
        %swap3A_859 = tpu.vector_load %arg7[%swap3A_855, %swap3A_856, %swap3A_857, %swap3A_858] {strides = array<i32>} : memref<2x8x8x128xf32, #tpu.memory_space<vmem>>, vector<16xf32>,
        tpu.vector_store %arg7[%swap3A_855, %swap3A_856, %swap3A_857, %swap3A_858], %gather3A_772 {strides = array<i32>} : memref<2x8x8x128xf32, #tpu.memory_space<vmem>>, vector<16xf32>,
        %gather3A_860 = arith.constant 384 : i32
        %gather3A_861 = tpu.memref_slice %arg5[%gather3A_860] : memref<65536xf32, #tpu.memory_space<vmem>> -> memref<64640xf32, #tpu.memory_space<vmem>>
        %gather3A_862 = tpu.vector_load_idx %gather3A_861[%add3A_536] : memref<64640xf32, #tpu.memory_space<vmem>>[vector<16xi32>], vector<16xf32>,
        %swap3A_863 = arith.constant 1 : i32
        %swap3A_864 = arith.constant 3 : i32
        %swap3A_865 = arith.index_cast %swap3A_863 : i32 to index
        %swap3A_866 = arith.index_cast %scan3A_381 : i32 to index
        %swap3A_867 = arith.index_cast %swap3A_864 : i32 to index
        %swap3A_868 = arith.constant 48 : index
        %swap3A_869 = tpu.vector_load %arg7[%swap3A_865, %swap3A_866, %swap3A_867, %swap3A_868] {strides = array<i32>} : memref<2x8x8x128xf32, #tpu.memory_space<vmem>>, vector<16xf32>,
        tpu.vector_store %arg7[%swap3A_865, %swap3A_866, %swap3A_867, %swap3A_868], %gather3A_782 {strides = array<i32>} : memref<2x8x8x128xf32, #tpu.memory_space<vmem>>, vector<16xf32>,
        %gather3A_870 = arith.constant 512 : i32
        %gather3A_871 = tpu.memref_slice %arg5[%gather3A_870] : memref<65536xf32, #tpu.memory_space<vmem>> -> memref<64640xf32, #tpu.memory_space<vmem>>
        %gather3A_872 = tpu.vector_load_idx %gather3A_871[%add3A_536] : memref<64640xf32, #tpu.memory_space<vmem>>[vector<16xi32>], vector<16xf32>,
        %swap3A_873 = arith.constant 1 : i32
        %swap3A_874 = arith.constant 4 : i32
        %swap3A_875 = arith.index_cast %swap3A_873 : i32 to index
        %swap3A_876 = arith.index_cast %scan3A_381 : i32 to index
        %swap3A_877 = arith.index_cast %swap3A_874 : i32 to index
        %swap3A_878 = arith.constant 48 : index
        %swap3A_879 = tpu.vector_load %arg7[%swap3A_875, %swap3A_876, %swap3A_877, %swap3A_878] {strides = array<i32>} : memref<2x8x8x128xf32, #tpu.memory_space<vmem>>, vector<16xf32>,
        tpu.vector_store %arg7[%swap3A_875, %swap3A_876, %swap3A_877, %swap3A_878], %gather3A_792 {strides = array<i32>} : memref<2x8x8x128xf32, #tpu.memory_space<vmem>>, vector<16xf32>,
        %gather3A_880 = arith.constant 640 : i32
        %gather3A_881 = tpu.memref_slice %arg5[%gather3A_880] : memref<65536xf32, #tpu.memory_space<vmem>> -> memref<64640xf32, #tpu.memory_space<vmem>>
        %gather3A_882 = tpu.vector_load_idx %gather3A_881[%add3A_536] : memref<64640xf32, #tpu.memory_space<vmem>>[vector<16xi32>], vector<16xf32>,
        %swap3A_883 = arith.constant 1 : i32
        %swap3A_884 = arith.constant 5 : i32
        %swap3A_885 = arith.index_cast %swap3A_883 : i32 to index
        %swap3A_886 = arith.index_cast %scan3A_381 : i32 to index
        %swap3A_887 = arith.index_cast %swap3A_884 : i32 to index
        %swap3A_888 = arith.constant 48 : index
        %swap3A_889 = tpu.vector_load %arg7[%swap3A_885, %swap3A_886, %swap3A_887, %swap3A_888] {strides = array<i32>} : memref<2x8x8x128xf32, #tpu.memory_space<vmem>>, vector<16xf32>,
        tpu.vector_store %arg7[%swap3A_885, %swap3A_886, %swap3A_887, %swap3A_888], %gather3A_802 {strides = array<i32>} : memref<2x8x8x128xf32, #tpu.memory_space<vmem>>, vector<16xf32>,
        %gather3A_890 = arith.constant 768 : i32
        %gather3A_891 = tpu.memref_slice %arg5[%gather3A_890] : memref<65536xf32, #tpu.memory_space<vmem>> -> memref<64640xf32, #tpu.memory_space<vmem>>
        %gather3A_892 = tpu.vector_load_idx %gather3A_891[%add3A_536] : memref<64640xf32, #tpu.memory_space<vmem>>[vector<16xi32>], vector<16xf32>,
        %swap3A_893 = arith.constant 1 : i32
        %swap3A_894 = arith.constant 6 : i32
        %swap3A_895 = arith.index_cast %swap3A_893 : i32 to index
        %swap3A_896 = arith.index_cast %scan3A_381 : i32 to index
        %swap3A_897 = arith.index_cast %swap3A_894 : i32 to index
        %swap3A_898 = arith.constant 48 : index
        %swap3A_899 = tpu.vector_load %arg7[%swap3A_895, %swap3A_896, %swap3A_897, %swap3A_898] {strides = array<i32>} : memref<2x8x8x128xf32, #tpu.memory_space<vmem>>, vector<16xf32>,
        tpu.vector_store %arg7[%swap3A_895, %swap3A_896, %swap3A_897, %swap3A_898], %gather3A_812 {strides = array<i32>} : memref<2x8x8x128xf32, #tpu.memory_space<vmem>>, vector<16xf32>,
        %gather3A_900 = arith.constant 896 : i32
        %gather3A_901 = tpu.memref_slice %arg5[%gather3A_900] : memref<65536xf32, #tpu.memory_space<vmem>> -> memref<64640xf32, #tpu.memory_space<vmem>>
        %gather3A_902 = tpu.vector_load_idx %gather3A_901[%add3A_536] : memref<64640xf32, #tpu.memory_space<vmem>>[vector<16xi32>], vector<16xf32>,
        %swap3A_903 = arith.constant 1 : i32
        %swap3A_904 = arith.constant 7 : i32
        %swap3A_905 = arith.index_cast %swap3A_903 : i32 to index
        %swap3A_906 = arith.index_cast %scan3A_381 : i32 to index
        %swap3A_907 = arith.index_cast %swap3A_904 : i32 to index
        %swap3A_908 = arith.constant 48 : index
        %swap3A_909 = tpu.vector_load %arg7[%swap3A_905, %swap3A_906, %swap3A_907, %swap3A_908] {strides = array<i32>} : memref<2x8x8x128xf32, #tpu.memory_space<vmem>>, vector<16xf32>,
        tpu.vector_store %arg7[%swap3A_905, %swap3A_906, %swap3A_907, %swap3A_908], %gather3A_822 {strides = array<i32>} : memref<2x8x8x128xf32, #tpu.memory_space<vmem>>, vector<16xf32>,
        %gather3A_910 = arith.constant 0 : i32
        %gather3A_911 = tpu.memref_slice %arg5[%gather3A_910] : memref<65536xf32, #tpu.memory_space<vmem>> -> memref<64640xf32, #tpu.memory_space<vmem>>
        %gather3A_912 = tpu.vector_load_idx %gather3A_911[%add3A_546] : memref<64640xf32, #tpu.memory_space<vmem>>[vector<16xi32>], vector<16xf32>,
        %swap3A_913 = arith.constant 1 : i32
        %swap3A_914 = arith.constant 0 : i32
        %swap3A_915 = arith.index_cast %swap3A_913 : i32 to index
        %swap3A_916 = arith.index_cast %scan3A_381 : i32 to index
        %swap3A_917 = arith.index_cast %swap3A_914 : i32 to index
        %swap3A_918 = arith.constant 64 : index
        %swap3A_919 = tpu.vector_load %arg7[%swap3A_915, %swap3A_916, %swap3A_917, %swap3A_918] {strides = array<i32>} : memref<2x8x8x128xf32, #tpu.memory_space<vmem>>, vector<16xf32>,
        tpu.vector_store %arg7[%swap3A_915, %swap3A_916, %swap3A_917, %swap3A_918], %gather3A_832 {strides = array<i32>} : memref<2x8x8x128xf32, #tpu.memory_space<vmem>>, vector<16xf32>,
        %gather3A_920 = arith.constant 128 : i32
        %gather3A_921 = tpu.memref_slice %arg5[%gather3A_920] : memref<65536xf32, #tpu.memory_space<vmem>> -> memref<64640xf32, #tpu.memory_space<vmem>>
        %gather3A_922 = tpu.vector_load_idx %gather3A_921[%add3A_546] : memref<64640xf32, #tpu.memory_space<vmem>>[vector<16xi32>], vector<16xf32>,
        %swap3A_923 = arith.constant 1 : i32
        %swap3A_924 = arith.constant 1 : i32
        %swap3A_925 = arith.index_cast %swap3A_923 : i32 to index
        %swap3A_926 = arith.index_cast %scan3A_381 : i32 to index
        %swap3A_927 = arith.index_cast %swap3A_924 : i32 to index
        %swap3A_928 = arith.constant 64 : index
        %swap3A_929 = tpu.vector_load %arg7[%swap3A_925, %swap3A_926, %swap3A_927, %swap3A_928] {strides = array<i32>} : memref<2x8x8x128xf32, #tpu.memory_space<vmem>>, vector<16xf32>,
        tpu.vector_store %arg7[%swap3A_925, %swap3A_926, %swap3A_927, %swap3A_928], %gather3A_842 {strides = array<i32>} : memref<2x8x8x128xf32, #tpu.memory_space<vmem>>, vector<16xf32>,
        %gather3A_930 = arith.constant 256 : i32
        %gather3A_931 = tpu.memref_slice %arg5[%gather3A_930] : memref<65536xf32, #tpu.memory_space<vmem>> -> memref<64640xf32, #tpu.memory_space<vmem>>
        %gather3A_932 = tpu.vector_load_idx %gather3A_931[%add3A_546] : memref<64640xf32, #tpu.memory_space<vmem>>[vector<16xi32>], vector<16xf32>,
        %swap3A_933 = arith.constant 1 : i32
        %swap3A_934 = arith.constant 2 : i32
        %swap3A_935 = arith.index_cast %swap3A_933 : i32 to index
        %swap3A_936 = arith.index_cast %scan3A_381 : i32 to index
        %swap3A_937 = arith.index_cast %swap3A_934 : i32 to index
        %swap3A_938 = arith.constant 64 : index
        %swap3A_939 = tpu.vector_load %arg7[%swap3A_935, %swap3A_936, %swap3A_937, %swap3A_938] {strides = array<i32>} : memref<2x8x8x128xf32, #tpu.memory_space<vmem>>, vector<16xf32>,
        tpu.vector_store %arg7[%swap3A_935, %swap3A_936, %swap3A_937, %swap3A_938], %gather3A_852 {strides = array<i32>} : memref<2x8x8x128xf32, #tpu.memory_space<vmem>>, vector<16xf32>,
        %gather3A_940 = arith.constant 384 : i32
        %gather3A_941 = tpu.memref_slice %arg5[%gather3A_940] : memref<65536xf32, #tpu.memory_space<vmem>> -> memref<64640xf32, #tpu.memory_space<vmem>>
        %gather3A_942 = tpu.vector_load_idx %gather3A_941[%add3A_546] : memref<64640xf32, #tpu.memory_space<vmem>>[vector<16xi32>], vector<16xf32>,
        %swap3A_943 = arith.constant 1 : i32
        %swap3A_944 = arith.constant 3 : i32
        %swap3A_945 = arith.index_cast %swap3A_943 : i32 to index
        %swap3A_946 = arith.index_cast %scan3A_381 : i32 to index
        %swap3A_947 = arith.index_cast %swap3A_944 : i32 to index
        %swap3A_948 = arith.constant 64 : index
        %swap3A_949 = tpu.vector_load %arg7[%swap3A_945, %swap3A_946, %swap3A_947, %swap3A_948] {strides = array<i32>} : memref<2x8x8x128xf32, #tpu.memory_space<vmem>>, vector<16xf32>,
        tpu.vector_store %arg7[%swap3A_945, %swap3A_946, %swap3A_947, %swap3A_948], %gather3A_862 {strides = array<i32>} : memref<2x8x8x128xf32, #tpu.memory_space<vmem>>, vector<16xf32>,
        %gather3A_950 = arith.constant 512 : i32
        %gather3A_951 = tpu.memref_slice %arg5[%gather3A_950] : memref<65536xf32, #tpu.memory_space<vmem>> -> memref<64640xf32, #tpu.memory_space<vmem>>
        %gather3A_952 = tpu.vector_load_idx %gather3A_951[%add3A_546] : memref<64640xf32, #tpu.memory_space<vmem>>[vector<16xi32>], vector<16xf32>,
        %swap3A_953 = arith.constant 1 : i32
        %swap3A_954 = arith.constant 4 : i32
        %swap3A_955 = arith.index_cast %swap3A_953 : i32 to index
        %swap3A_956 = arith.index_cast %scan3A_381 : i32 to index
        %swap3A_957 = arith.index_cast %swap3A_954 : i32 to index
        %swap3A_958 = arith.constant 64 : index
        %swap3A_959 = tpu.vector_load %arg7[%swap3A_955, %swap3A_956, %swap3A_957, %swap3A_958] {strides = array<i32>} : memref<2x8x8x128xf32, #tpu.memory_space<vmem>>, vector<16xf32>,
        tpu.vector_store %arg7[%swap3A_955, %swap3A_956, %swap3A_957, %swap3A_958], %gather3A_872 {strides = array<i32>} : memref<2x8x8x128xf32, #tpu.memory_space<vmem>>, vector<16xf32>,
        %gather3A_960 = arith.constant 640 : i32
        %gather3A_961 = tpu.memref_slice %arg5[%gather3A_960] : memref<65536xf32, #tpu.memory_space<vmem>> -> memref<64640xf32, #tpu.memory_space<vmem>>
        %gather3A_962 = tpu.vector_load_idx %gather3A_961[%add3A_546] : memref<64640xf32, #tpu.memory_space<vmem>>[vector<16xi32>], vector<16xf32>,
        %swap3A_963 = arith.constant 1 : i32
        %swap3A_964 = arith.constant 5 : i32
        %swap3A_965 = arith.index_cast %swap3A_963 : i32 to index
        %swap3A_966 = arith.index_cast %scan3A_381 : i32 to index
        %swap3A_967 = arith.index_cast %swap3A_964 : i32 to index
        %swap3A_968 = arith.constant 64 : index
        %swap3A_969 = tpu.vector_load %arg7[%swap3A_965, %swap3A_966, %swap3A_967, %swap3A_968] {strides = array<i32>} : memref<2x8x8x128xf32, #tpu.memory_space<vmem>>, vector<16xf32>,
        tpu.vector_store %arg7[%swap3A_965, %swap3A_966, %swap3A_967, %swap3A_968], %gather3A_882 {strides = array<i32>} : memref<2x8x8x128xf32, #tpu.memory_space<vmem>>, vector<16xf32>,
        %gather3A_970 = arith.constant 768 : i32
        %gather3A_971 = tpu.memref_slice %arg5[%gather3A_970] : memref<65536xf32, #tpu.memory_space<vmem>> -> memref<64640xf32, #tpu.memory_space<vmem>>
        %gather3A_972 = tpu.vector_load_idx %gather3A_971[%add3A_546] : memref<64640xf32, #tpu.memory_space<vmem>>[vector<16xi32>], vector<16xf32>,
        %swap3A_973 = arith.constant 1 : i32
        %swap3A_974 = arith.constant 6 : i32
        %swap3A_975 = arith.index_cast %swap3A_973 : i32 to index
        %swap3A_976 = arith.index_cast %scan3A_381 : i32 to index
        %swap3A_977 = arith.index_cast %swap3A_974 : i32 to index
        %swap3A_978 = arith.constant 64 : index
        %swap3A_979 = tpu.vector_load %arg7[%swap3A_975, %swap3A_976, %swap3A_977, %swap3A_978] {strides = array<i32>} : memref<2x8x8x128xf32, #tpu.memory_space<vmem>>, vector<16xf32>,
        tpu.vector_store %arg7[%swap3A_975, %swap3A_976, %swap3A_977, %swap3A_978], %gather3A_892 {strides = array<i32>} : memref<2x8x8x128xf32, #tpu.memory_space<vmem>>, vector<16xf32>,
        %gather3A_980 = arith.constant 896 : i32
        %gather3A_981 = tpu.memref_slice %arg5[%gather3A_980] : memref<65536xf32, #tpu.memory_space<vmem>> -> memref<64640xf32, #tpu.memory_space<vmem>>
        %gather3A_982 = tpu.vector_load_idx %gather3A_981[%add3A_546] : memref<64640xf32, #tpu.memory_space<vmem>>[vector<16xi32>], vector<16xf32>,
        %swap3A_983 = arith.constant 1 : i32
        %swap3A_984 = arith.constant 7 : i32
        %swap3A_985 = arith.index_cast %swap3A_983 : i32 to index
        %swap3A_986 = arith.index_cast %scan3A_381 : i32 to index
        %swap3A_987 = arith.index_cast %swap3A_984 : i32 to index
        %swap3A_988 = arith.constant 64 : index
        %swap3A_989 = tpu.vector_load %arg7[%swap3A_985, %swap3A_986, %swap3A_987, %swap3A_988] {strides = array<i32>} : memref<2x8x8x128xf32, #tpu.memory_space<vmem>>, vector<16xf32>,
        tpu.vector_store %arg7[%swap3A_985, %swap3A_986, %swap3A_987, %swap3A_988], %gather3A_902 {strides = array<i32>} : memref<2x8x8x128xf32, #tpu.memory_space<vmem>>, vector<16xf32>,
        %gather3A_990 = arith.constant 0 : i32
        %gather3A_991 = tpu.memref_slice %arg5[%gather3A_990] : memref<65536xf32, #tpu.memory_space<vmem>> -> memref<64640xf32, #tpu.memory_space<vmem>>
        %gather3A_992 = tpu.vector_load_idx %gather3A_991[%add3A_556] : memref<64640xf32, #tpu.memory_space<vmem>>[vector<16xi32>], vector<16xf32>,
        %swap3A_993 = arith.constant 1 : i32
        %swap3A_994 = arith.constant 0 : i32
        %swap3A_995 = arith.index_cast %swap3A_993 : i32 to index
        %swap3A_996 = arith.index_cast %scan3A_381 : i32 to index
        %swap3A_997 = arith.index_cast %swap3A_994 : i32 to index
        %swap3A_998 = arith.constant 80 : index
        %swap3A_999 = tpu.vector_load %arg7[%swap3A_995, %swap3A_996, %swap3A_997, %swap3A_998] {strides = array<i32>} : memref<2x8x8x128xf32, #tpu.memory_space<vmem>>, vector<16xf32>,
        tpu.vector_store %arg7[%swap3A_995, %swap3A_996, %swap3A_997, %swap3A_998], %gather3A_912 {strides = array<i32>} : memref<2x8x8x128xf32, #tpu.memory_space<vmem>>, vector<16xf32>,
        %gather3A_1000 = arith.constant 128 : i32
        %gather3A_1001 = tpu.memref_slice %arg5[%gather3A_1000] : memref<65536xf32, #tpu.memory_space<vmem>> -> memref<64640xf32, #tpu.memory_space<vmem>>
        %gather3A_1002 = tpu.vector_load_idx %gather3A_1001[%add3A_556] : memref<64640xf32, #tpu.memory_space<vmem>>[vector<16xi32>], vector<16xf32>,
        %swap3A_1003 = arith.constant 1 : i32
        %swap3A_1004 = arith.constant 1 : i32
        %swap3A_1005 = arith.index_cast %swap3A_1003 : i32 to index
        %swap3A_1006 = arith.index_cast %scan3A_381 : i32 to index
        %swap3A_1007 = arith.index_cast %swap3A_1004 : i32 to index
        %swap3A_1008 = arith.constant 80 : index
        %swap3A_1009 = tpu.vector_load %arg7[%swap3A_1005, %swap3A_1006, %swap3A_1007, %swap3A_1008] {strides = array<i32>} : memref<2x8x8x128xf32, #tpu.memory_space<vmem>>, vector<16xf32>,
        tpu.vector_store %arg7[%swap3A_1005, %swap3A_1006, %swap3A_1007, %swap3A_1008], %gather3A_922 {strides = array<i32>} : memref<2x8x8x128xf32, #tpu.memory_space<vmem>>, vector<16xf32>,
        %gather3A_1010 = arith.constant 256 : i32
        %gather3A_1011 = tpu.memref_slice %arg5[%gather3A_1010] : memref<65536xf32, #tpu.memory_space<vmem>> -> memref<64640xf32, #tpu.memory_space<vmem>>
        %gather3A_1012 = tpu.vector_load_idx %gather3A_1011[%add3A_556] : memref<64640xf32, #tpu.memory_space<vmem>>[vector<16xi32>], vector<16xf32>,
        %swap3A_1013 = arith.constant 1 : i32
        %swap3A_1014 = arith.constant 2 : i32
        %swap3A_1015 = arith.index_cast %swap3A_1013 : i32 to index
        %swap3A_1016 = arith.index_cast %scan3A_381 : i32 to index
        %swap3A_1017 = arith.index_cast %swap3A_1014 : i32 to index
        %swap3A_1018 = arith.constant 80 : index
        %swap3A_1019 = tpu.vector_load %arg7[%swap3A_1015, %swap3A_1016, %swap3A_1017, %swap3A_1018] {strides = array<i32>} : memref<2x8x8x128xf32, #tpu.memory_space<vmem>>, vector<16xf32>,
        tpu.vector_store %arg7[%swap3A_1015, %swap3A_1016, %swap3A_1017, %swap3A_1018], %gather3A_932 {strides = array<i32>} : memref<2x8x8x128xf32, #tpu.memory_space<vmem>>, vector<16xf32>,
        %gather3A_1020 = arith.constant 384 : i32
        %gather3A_1021 = tpu.memref_slice %arg5[%gather3A_1020] : memref<65536xf32, #tpu.memory_space<vmem>> -> memref<64640xf32, #tpu.memory_space<vmem>>
        %gather3A_1022 = tpu.vector_load_idx %gather3A_1021[%add3A_556] : memref<64640xf32, #tpu.memory_space<vmem>>[vector<16xi32>], vector<16xf32>,
        %swap3A_1023 = arith.constant 1 : i32
        %swap3A_1024 = arith.constant 3 : i32
        %swap3A_1025 = arith.index_cast %swap3A_1023 : i32 to index
        %swap3A_1026 = arith.index_cast %scan3A_381 : i32 to index
        %swap3A_1027 = arith.index_cast %swap3A_1024 : i32 to index
        %swap3A_1028 = arith.constant 80 : index
        %swap3A_1029 = tpu.vector_load %arg7[%swap3A_1025, %swap3A_1026, %swap3A_1027, %swap3A_1028] {strides = array<i32>} : memref<2x8x8x128xf32, #tpu.memory_space<vmem>>, vector<16xf32>,
        tpu.vector_store %arg7[%swap3A_1025, %swap3A_1026, %swap3A_1027, %swap3A_1028], %gather3A_942 {strides = array<i32>} : memref<2x8x8x128xf32, #tpu.memory_space<vmem>>, vector<16xf32>,
        %gather3A_1030 = arith.constant 512 : i32
        %gather3A_1031 = tpu.memref_slice %arg5[%gather3A_1030] : memref<65536xf32, #tpu.memory_space<vmem>> -> memref<64640xf32, #tpu.memory_space<vmem>>
        %gather3A_1032 = tpu.vector_load_idx %gather3A_1031[%add3A_556] : memref<64640xf32, #tpu.memory_space<vmem>>[vector<16xi32>], vector<16xf32>,
        %swap3A_1033 = arith.constant 1 : i32
        %swap3A_1034 = arith.constant 4 : i32
        %swap3A_1035 = arith.index_cast %swap3A_1033 : i32 to index
        %swap3A_1036 = arith.index_cast %scan3A_381 : i32 to index
        %swap3A_1037 = arith.index_cast %swap3A_1034 : i32 to index
        %swap3A_1038 = arith.constant 80 : index
        %swap3A_1039 = tpu.vector_load %arg7[%swap3A_1035, %swap3A_1036, %swap3A_1037, %swap3A_1038] {strides = array<i32>} : memref<2x8x8x128xf32, #tpu.memory_space<vmem>>, vector<16xf32>,
        tpu.vector_store %arg7[%swap3A_1035, %swap3A_1036, %swap3A_1037, %swap3A_1038], %gather3A_952 {strides = array<i32>} : memref<2x8x8x128xf32, #tpu.memory_space<vmem>>, vector<16xf32>,
        %gather3A_1040 = arith.constant 640 : i32
        %gather3A_1041 = tpu.memref_slice %arg5[%gather3A_1040] : memref<65536xf32, #tpu.memory_space<vmem>> -> memref<64640xf32, #tpu.memory_space<vmem>>
        %gather3A_1042 = tpu.vector_load_idx %gather3A_1041[%add3A_556] : memref<64640xf32, #tpu.memory_space<vmem>>[vector<16xi32>], vector<16xf32>,
        %swap3A_1043 = arith.constant 1 : i32
        %swap3A_1044 = arith.constant 5 : i32
        %swap3A_1045 = arith.index_cast %swap3A_1043 : i32 to index
        %swap3A_1046 = arith.index_cast %scan3A_381 : i32 to index
        %swap3A_1047 = arith.index_cast %swap3A_1044 : i32 to index
        %swap3A_1048 = arith.constant 80 : index
        %swap3A_1049 = tpu.vector_load %arg7[%swap3A_1045, %swap3A_1046, %swap3A_1047, %swap3A_1048] {strides = array<i32>} : memref<2x8x8x128xf32, #tpu.memory_space<vmem>>, vector<16xf32>,
        tpu.vector_store %arg7[%swap3A_1045, %swap3A_1046, %swap3A_1047, %swap3A_1048], %gather3A_962 {strides = array<i32>} : memref<2x8x8x128xf32, #tpu.memory_space<vmem>>, vector<16xf32>,
        %gather3A_1050 = arith.constant 768 : i32
        %gather3A_1051 = tpu.memref_slice %arg5[%gather3A_1050] : memref<65536xf32, #tpu.memory_space<vmem>> -> memref<64640xf32, #tpu.memory_space<vmem>>
        %gather3A_1052 = tpu.vector_load_idx %gather3A_1051[%add3A_556] : memref<64640xf32, #tpu.memory_space<vmem>>[vector<16xi32>], vector<16xf32>,
        %swap3A_1053 = arith.constant 1 : i32
        %swap3A_1054 = arith.constant 6 : i32
        %swap3A_1055 = arith.index_cast %swap3A_1053 : i32 to index
        %swap3A_1056 = arith.index_cast %scan3A_381 : i32 to index
        %swap3A_1057 = arith.index_cast %swap3A_1054 : i32 to index
        %swap3A_1058 = arith.constant 80 : index
        %swap3A_1059 = tpu.vector_load %arg7[%swap3A_1055, %swap3A_1056, %swap3A_1057, %swap3A_1058] {strides = array<i32>} : memref<2x8x8x128xf32, #tpu.memory_space<vmem>>, vector<16xf32>,
        tpu.vector_store %arg7[%swap3A_1055, %swap3A_1056, %swap3A_1057, %swap3A_1058], %gather3A_972 {strides = array<i32>} : memref<2x8x8x128xf32, #tpu.memory_space<vmem>>, vector<16xf32>,
        %gather3A_1060 = arith.constant 896 : i32
        %gather3A_1061 = tpu.memref_slice %arg5[%gather3A_1060] : memref<65536xf32, #tpu.memory_space<vmem>> -> memref<64640xf32, #tpu.memory_space<vmem>>
        %gather3A_1062 = tpu.vector_load_idx %gather3A_1061[%add3A_556] : memref<64640xf32, #tpu.memory_space<vmem>>[vector<16xi32>], vector<16xf32>,
        %swap3A_1063 = arith.constant 1 : i32
        %swap3A_1064 = arith.constant 7 : i32
        %swap3A_1065 = arith.index_cast %swap3A_1063 : i32 to index
        %swap3A_1066 = arith.index_cast %scan3A_381 : i32 to index
        %swap3A_1067 = arith.index_cast %swap3A_1064 : i32 to index
        %swap3A_1068 = arith.constant 80 : index
        %swap3A_1069 = tpu.vector_load %arg7[%swap3A_1065, %swap3A_1066, %swap3A_1067, %swap3A_1068] {strides = array<i32>} : memref<2x8x8x128xf32, #tpu.memory_space<vmem>>, vector<16xf32>,
        tpu.vector_store %arg7[%swap3A_1065, %swap3A_1066, %swap3A_1067, %swap3A_1068], %gather3A_982 {strides = array<i32>} : memref<2x8x8x128xf32, #tpu.memory_space<vmem>>, vector<16xf32>,
        %gather3A_1070 = arith.constant 0 : i32
        %gather3A_1071 = tpu.memref_slice %arg5[%gather3A_1070] : memref<65536xf32, #tpu.memory_space<vmem>> -> memref<64640xf32, #tpu.memory_space<vmem>>
        %gather3A_1072 = tpu.vector_load_idx %gather3A_1071[%add3A_566] : memref<64640xf32, #tpu.memory_space<vmem>>[vector<16xi32>], vector<16xf32>,
        %swap3A_1073 = arith.constant 1 : i32
        %swap3A_1074 = arith.constant 0 : i32
        %swap3A_1075 = arith.index_cast %swap3A_1073 : i32 to index
        %swap3A_1076 = arith.index_cast %scan3A_381 : i32 to index
        %swap3A_1077 = arith.index_cast %swap3A_1074 : i32 to index
        %swap3A_1078 = arith.constant 96 : index
        %swap3A_1079 = tpu.vector_load %arg7[%swap3A_1075, %swap3A_1076, %swap3A_1077, %swap3A_1078] {strides = array<i32>} : memref<2x8x8x128xf32, #tpu.memory_space<vmem>>, vector<16xf32>,
        tpu.vector_store %arg7[%swap3A_1075, %swap3A_1076, %swap3A_1077, %swap3A_1078], %gather3A_992 {strides = array<i32>} : memref<2x8x8x128xf32, #tpu.memory_space<vmem>>, vector<16xf32>,
        %gather3A_1080 = arith.constant 128 : i32
        %gather3A_1081 = tpu.memref_slice %arg5[%gather3A_1080] : memref<65536xf32, #tpu.memory_space<vmem>> -> memref<64640xf32, #tpu.memory_space<vmem>>
        %gather3A_1082 = tpu.vector_load_idx %gather3A_1081[%add3A_566] : memref<64640xf32, #tpu.memory_space<vmem>>[vector<16xi32>], vector<16xf32>,
        %swap3A_1083 = arith.constant 1 : i32
        %swap3A_1084 = arith.constant 1 : i32
        %swap3A_1085 = arith.index_cast %swap3A_1083 : i32 to index
        %swap3A_1086 = arith.index_cast %scan3A_381 : i32 to index
        %swap3A_1087 = arith.index_cast %swap3A_1084 : i32 to index
        %swap3A_1088 = arith.constant 96 : index
        %swap3A_1089 = tpu.vector_load %arg7[%swap3A_1085, %swap3A_1086, %swap3A_1087, %swap3A_1088] {strides = array<i32>} : memref<2x8x8x128xf32, #tpu.memory_space<vmem>>, vector<16xf32>,
        tpu.vector_store %arg7[%swap3A_1085, %swap3A_1086, %swap3A_1087, %swap3A_1088], %gather3A_1002 {strides = array<i32>} : memref<2x8x8x128xf32, #tpu.memory_space<vmem>>, vector<16xf32>,
        %gather3A_1090 = arith.constant 256 : i32
        %gather3A_1091 = tpu.memref_slice %arg5[%gather3A_1090] : memref<65536xf32, #tpu.memory_space<vmem>> -> memref<64640xf32, #tpu.memory_space<vmem>>
        %gather3A_1092 = tpu.vector_load_idx %gather3A_1091[%add3A_566] : memref<64640xf32, #tpu.memory_space<vmem>>[vector<16xi32>], vector<16xf32>,
        %swap3A_1093 = arith.constant 1 : i32
        %swap3A_1094 = arith.constant 2 : i32
        %swap3A_1095 = arith.index_cast %swap3A_1093 : i32 to index
        %swap3A_1096 = arith.index_cast %scan3A_381 : i32 to index
        %swap3A_1097 = arith.index_cast %swap3A_1094 : i32 to index
        %swap3A_1098 = arith.constant 96 : index
        %swap3A_1099 = tpu.vector_load %arg7[%swap3A_1095, %swap3A_1096, %swap3A_1097, %swap3A_1098] {strides = array<i32>} : memref<2x8x8x128xf32, #tpu.memory_space<vmem>>, vector<16xf32>,
        tpu.vector_store %arg7[%swap3A_1095, %swap3A_1096, %swap3A_1097, %swap3A_1098], %gather3A_1012 {strides = array<i32>} : memref<2x8x8x128xf32, #tpu.memory_space<vmem>>, vector<16xf32>,
        %gather3A_1100 = arith.constant 384 : i32
        %gather3A_1101 = tpu.memref_slice %arg5[%gather3A_1100] : memref<65536xf32, #tpu.memory_space<vmem>> -> memref<64640xf32, #tpu.memory_space<vmem>>
        %gather3A_1102 = tpu.vector_load_idx %gather3A_1101[%add3A_566] : memref<64640xf32, #tpu.memory_space<vmem>>[vector<16xi32>], vector<16xf32>,
        %swap3A_1103 = arith.constant 1 : i32
        %swap3A_1104 = arith.constant 3 : i32
        %swap3A_1105 = arith.index_cast %swap3A_1103 : i32 to index
        %swap3A_1106 = arith.index_cast %scan3A_381 : i32 to index
        %swap3A_1107 = arith.index_cast %swap3A_1104 : i32 to index
        %swap3A_1108 = arith.constant 96 : index
        %swap3A_1109 = tpu.vector_load %arg7[%swap3A_1105, %swap3A_1106, %swap3A_1107, %swap3A_1108] {strides = array<i32>} : memref<2x8x8x128xf32, #tpu.memory_space<vmem>>, vector<16xf32>,
        tpu.vector_store %arg7[%swap3A_1105, %swap3A_1106, %swap3A_1107, %swap3A_1108], %gather3A_1022 {strides = array<i32>} : memref<2x8x8x128xf32, #tpu.memory_space<vmem>>, vector<16xf32>,
        %gather3A_1110 = arith.constant 512 : i32
        %gather3A_1111 = tpu.memref_slice %arg5[%gather3A_1110] : memref<65536xf32, #tpu.memory_space<vmem>> -> memref<64640xf32, #tpu.memory_space<vmem>>
        %gather3A_1112 = tpu.vector_load_idx %gather3A_1111[%add3A_566] : memref<64640xf32, #tpu.memory_space<vmem>>[vector<16xi32>], vector<16xf32>,
        %swap3A_1113 = arith.constant 1 : i32
        %swap3A_1114 = arith.constant 4 : i32
        %swap3A_1115 = arith.index_cast %swap3A_1113 : i32 to index
        %swap3A_1116 = arith.index_cast %scan3A_381 : i32 to index
        %swap3A_1117 = arith.index_cast %swap3A_1114 : i32 to index
        %swap3A_1118 = arith.constant 96 : index
        %swap3A_1119 = tpu.vector_load %arg7[%swap3A_1115, %swap3A_1116, %swap3A_1117, %swap3A_1118] {strides = array<i32>} : memref<2x8x8x128xf32, #tpu.memory_space<vmem>>, vector<16xf32>,
        tpu.vector_store %arg7[%swap3A_1115, %swap3A_1116, %swap3A_1117, %swap3A_1118], %gather3A_1032 {strides = array<i32>} : memref<2x8x8x128xf32, #tpu.memory_space<vmem>>, vector<16xf32>,
        %gather3A_1120 = arith.constant 640 : i32
        %gather3A_1121 = tpu.memref_slice %arg5[%gather3A_1120] : memref<65536xf32, #tpu.memory_space<vmem>> -> memref<64640xf32, #tpu.memory_space<vmem>>
        %gather3A_1122 = tpu.vector_load_idx %gather3A_1121[%add3A_566] : memref<64640xf32, #tpu.memory_space<vmem>>[vector<16xi32>], vector<16xf32>,
        %swap3A_1123 = arith.constant 1 : i32
        %swap3A_1124 = arith.constant 5 : i32
        %swap3A_1125 = arith.index_cast %swap3A_1123 : i32 to index
        %swap3A_1126 = arith.index_cast %scan3A_381 : i32 to index
        %swap3A_1127 = arith.index_cast %swap3A_1124 : i32 to index
        %swap3A_1128 = arith.constant 96 : index
        %swap3A_1129 = tpu.vector_load %arg7[%swap3A_1125, %swap3A_1126, %swap3A_1127, %swap3A_1128] {strides = array<i32>} : memref<2x8x8x128xf32, #tpu.memory_space<vmem>>, vector<16xf32>,
        tpu.vector_store %arg7[%swap3A_1125, %swap3A_1126, %swap3A_1127, %swap3A_1128], %gather3A_1042 {strides = array<i32>} : memref<2x8x8x128xf32, #tpu.memory_space<vmem>>, vector<16xf32>,
        %gather3A_1130 = arith.constant 768 : i32
        %gather3A_1131 = tpu.memref_slice %arg5[%gather3A_1130] : memref<65536xf32, #tpu.memory_space<vmem>> -> memref<64640xf32, #tpu.memory_space<vmem>>
        %gather3A_1132 = tpu.vector_load_idx %gather3A_1131[%add3A_566] : memref<64640xf32, #tpu.memory_space<vmem>>[vector<16xi32>], vector<16xf32>,
        %swap3A_1133 = arith.constant 1 : i32
        %swap3A_1134 = arith.constant 6 : i32
        %swap3A_1135 = arith.index_cast %swap3A_1133 : i32 to index
        %swap3A_1136 = arith.index_cast %scan3A_381 : i32 to index
        %swap3A_1137 = arith.index_cast %swap3A_1134 : i32 to index
        %swap3A_1138 = arith.constant 96 : index
        %swap3A_1139 = tpu.vector_load %arg7[%swap3A_1135, %swap3A_1136, %swap3A_1137, %swap3A_1138] {strides = array<i32>} : memref<2x8x8x128xf32, #tpu.memory_space<vmem>>, vector<16xf32>,
        tpu.vector_store %arg7[%swap3A_1135, %swap3A_1136, %swap3A_1137, %swap3A_1138], %gather3A_1052 {strides = array<i32>} : memref<2x8x8x128xf32, #tpu.memory_space<vmem>>, vector<16xf32>,
        %gather3A_1140 = arith.constant 896 : i32
        %gather3A_1141 = tpu.memref_slice %arg5[%gather3A_1140] : memref<65536xf32, #tpu.memory_space<vmem>> -> memref<64640xf32, #tpu.memory_space<vmem>>
        %gather3A_1142 = tpu.vector_load_idx %gather3A_1141[%add3A_566] : memref<64640xf32, #tpu.memory_space<vmem>>[vector<16xi32>], vector<16xf32>,
        %swap3A_1143 = arith.constant 1 : i32
        %swap3A_1144 = arith.constant 7 : i32
        %swap3A_1145 = arith.index_cast %swap3A_1143 : i32 to index
        %swap3A_1146 = arith.index_cast %scan3A_381 : i32 to index
        %swap3A_1147 = arith.index_cast %swap3A_1144 : i32 to index
        %swap3A_1148 = arith.constant 96 : index
        %swap3A_1149 = tpu.vector_load %arg7[%swap3A_1145, %swap3A_1146, %swap3A_1147, %swap3A_1148] {strides = array<i32>} : memref<2x8x8x128xf32, #tpu.memory_space<vmem>>, vector<16xf32>,
        tpu.vector_store %arg7[%swap3A_1145, %swap3A_1146, %swap3A_1147, %swap3A_1148], %gather3A_1062 {strides = array<i32>} : memref<2x8x8x128xf32, #tpu.memory_space<vmem>>, vector<16xf32>,
        scf.yield %gather3A_1072, %gather3A_1082, %gather3A_1092, %gather3A_1102, %gather3A_1112, %gather3A_1122, %gather3A_1132, %gather3A_1142 : vector<16xf32>, vector<16xf32>, vector<16xf32>, vector<16xf32>, vector<16xf32>, vector<16xf32>, vector<16xf32>, vector<16xf32>
      }
      %scan3A_280 = arith.constant 8 : i32
      %swap3A_281 = arith.constant 1 : i32
      %swap3A_282 = arith.constant 7 : i32
      %swap3A_283 = arith.constant 0 : i32
      %swap3A_284 = arith.index_cast %swap3A_281 : i32 to index
      %swap3A_285 = arith.index_cast %swap3A_282 : i32 to index
      %swap3A_286 = arith.index_cast %swap3A_283 : i32 to index
      %swap3A_287 = arith.constant 112 : index
      %swap3A_288 = tpu.vector_load %arg7[%swap3A_284, %swap3A_285, %swap3A_286, %swap3A_287] {strides = array<i32>} : memref<2x8x8x128xf32, #tpu.memory_space<vmem>>, vector<16xf32>,
      tpu.vector_store %arg7[%swap3A_284, %swap3A_285, %swap3A_286, %swap3A_287], %scan3A_279#0 {strides = array<i32>} : memref<2x8x8x128xf32, #tpu.memory_space<vmem>>, vector<16xf32>,
      %swap3A_289 = arith.constant 1 : i32
      %swap3A_290 = arith.constant 7 : i32
      %swap3A_291 = arith.constant 1 : i32
      %swap3A_292 = arith.index_cast %swap3A_289 : i32 to index
      %swap3A_293 = arith.index_cast %swap3A_290 : i32 to index
      %swap3A_294 = arith.index_cast %swap3A_291 : i32 to index
      %swap3A_295 = arith.constant 112 : index
      %swap3A_296 = tpu.vector_load %arg7[%swap3A_292, %swap3A_293, %swap3A_294, %swap3A_295] {strides = array<i32>} : memref<2x8x8x128xf32, #tpu.memory_space<vmem>>, vector<16xf32>,
      tpu.vector_store %arg7[%swap3A_292, %swap3A_293, %swap3A_294, %swap3A_295], %scan3A_279#1 {strides = array<i32>} : memref<2x8x8x128xf32, #tpu.memory_space<vmem>>, vector<16xf32>,
      %swap3A_297 = arith.constant 1 : i32
      %swap3A_298 = arith.constant 7 : i32
      %swap3A_299 = arith.constant 2 : i32
      %swap3A_300 = arith.index_cast %swap3A_297 : i32 to index
      %swap3A_301 = arith.index_cast %swap3A_298 : i32 to index
      %swap3A_302 = arith.index_cast %swap3A_299 : i32 to index
      %swap3A_303 = arith.constant 112 : index
      %swap3A_304 = tpu.vector_load %arg7[%swap3A_300, %swap3A_301, %swap3A_302, %swap3A_303] {strides = array<i32>} : memref<2x8x8x128xf32, #tpu.memory_space<vmem>>, vector<16xf32>,
      tpu.vector_store %arg7[%swap3A_300, %swap3A_301, %swap3A_302, %swap3A_303], %scan3A_279#2 {strides = array<i32>} : memref<2x8x8x128xf32, #tpu.memory_space<vmem>>, vector<16xf32>,
      %swap3A_305 = arith.constant 1 : i32
      %swap3A_306 = arith.constant 7 : i32
      %swap3A_307 = arith.constant 3 : i32
      %swap3A_308 = arith.index_cast %swap3A_305 : i32 to index
      %swap3A_309 = arith.index_cast %swap3A_306 : i32 to index
      %swap3A_310 = arith.index_cast %swap3A_307 : i32 to index
      %swap3A_311 = arith.constant 112 : index
      %swap3A_312 = tpu.vector_load %arg7[%swap3A_308, %swap3A_309, %swap3A_310, %swap3A_311] {strides = array<i32>} : memref<2x8x8x128xf32, #tpu.memory_space<vmem>>, vector<16xf32>,
      tpu.vector_store %arg7[%swap3A_308, %swap3A_309, %swap3A_310, %swap3A_311], %scan3A_279#3 {strides = array<i32>} : memref<2x8x8x128xf32, #tpu.memory_space<vmem>>, vector<16xf32>,
      %swap3A_313 = arith.constant 1 : i32
      %swap3A_314 = arith.constant 7 : i32
      %swap3A_315 = arith.constant 4 : i32
      %swap3A_316 = arith.index_cast %swap3A_313 : i32 to index
      %swap3A_317 = arith.index_cast %swap3A_314 : i32 to index
      %swap3A_318 = arith.index_cast %swap3A_315 : i32 to index
      %swap3A_319 = arith.constant 112 : index
      %swap3A_320 = tpu.vector_load %arg7[%swap3A_316, %swap3A_317, %swap3A_318, %swap3A_319] {strides = array<i32>} : memref<2x8x8x128xf32, #tpu.memory_space<vmem>>, vector<16xf32>,
      tpu.vector_store %arg7[%swap3A_316, %swap3A_317, %swap3A_318, %swap3A_319], %scan3A_279#4 {strides = array<i32>} : memref<2x8x8x128xf32, #tpu.memory_space<vmem>>, vector<16xf32>,
      %swap3A_321 = arith.constant 1 : i32
      %swap3A_322 = arith.constant 7 : i32
      %swap3A_323 = arith.constant 5 : i32
      %swap3A_324 = arith.index_cast %swap3A_321 : i32 to index
      %swap3A_325 = arith.index_cast %swap3A_322 : i32 to index
      %swap3A_326 = arith.index_cast %swap3A_323 : i32 to index
      %swap3A_327 = arith.constant 112 : index
      %swap3A_328 = tpu.vector_load %arg7[%swap3A_324, %swap3A_325, %swap3A_326, %swap3A_327] {strides = array<i32>} : memref<2x8x8x128xf32, #tpu.memory_space<vmem>>, vector<16xf32>,
      tpu.vector_store %arg7[%swap3A_324, %swap3A_325, %swap3A_326, %swap3A_327], %scan3A_279#5 {strides = array<i32>} : memref<2x8x8x128xf32, #tpu.memory_space<vmem>>, vector<16xf32>,
      %swap3A_329 = arith.constant 1 : i32
      %swap3A_330 = arith.constant 7 : i32
      %swap3A_331 = arith.constant 6 : i32
      %swap3A_332 = arith.index_cast %swap3A_329 : i32 to index
      %swap3A_333 = arith.index_cast %swap3A_330 : i32 to index
      %swap3A_334 = arith.index_cast %swap3A_331 : i32 to index
      %swap3A_335 = arith.constant 112 : index
      %swap3A_336 = tpu.vector_load %arg7[%swap3A_332, %swap3A_333, %swap3A_334, %swap3A_335] {strides = array<i32>} : memref<2x8x8x128xf32, #tpu.memory_space<vmem>>, vector<16xf32>,
      tpu.vector_store %arg7[%swap3A_332, %swap3A_333, %swap3A_334, %swap3A_335], %scan3A_279#6 {strides = array<i32>} : memref<2x8x8x128xf32, #tpu.memory_space<vmem>>, vector<16xf32>,
      %swap3A_337 = arith.constant 1 : i32
      %swap3A_338 = arith.constant 7 : i32
      %swap3A_339 = arith.constant 7 : i32
      %swap3A_340 = arith.index_cast %swap3A_337 : i32 to index
      %swap3A_341 = arith.index_cast %swap3A_338 : i32 to index
      %swap3A_342 = arith.index_cast %swap3A_339 : i32 to index
      %swap3A_343 = arith.constant 112 : index
      %swap3A_344 = tpu.vector_load %arg7[%swap3A_340, %swap3A_341, %swap3A_342, %swap3A_343] {strides = array<i32>} : memref<2x8x8x128xf32, #tpu.memory_space<vmem>>, vector<16xf32>,
      tpu.vector_store %arg7[%swap3A_340, %swap3A_341, %swap3A_342, %swap3A_343], %scan3A_279#7 {strides = array<i32>} : memref<2x8x8x128xf32, #tpu.memory_space<vmem>>, vector<16xf32>,
      %mul3A_345 = arith.constant 32 : i32
      %mul3A_346 = arith.muli %mul3A_345, %select_n3A : i32
      %add3A_347 = arith.addi %mul3A_346, %add3A_270 : i32
      %dma_start3A_348 = arith.constant 1 : i32
      %dma_start3A_349 = arith.constant 0 : i32
      %dma_start3A_350 = arith.constant 0 : i32
      %dma_start3A_351 = arith.constant 0 : i32
      %dma_start3A_352 = tpu.memref_slice %arg7[%dma_start3A_348, %dma_start3A_349, %dma_start3A_350, %dma_start3A_351] : memref<2x8x8x128xf32, #tpu.memory_space<vmem>> -> memref<1x8x8x128xf32, #tpu.memory_space<vmem>>
      %dma_start3A_353 = tpu.memref_squeeze %dma_start3A_352 : memref<1x8x8x128xf32, #tpu.memory_space<vmem>> -> memref<8x8x128xf32, #tpu.memory_space<vmem>>
      %dma_start3A_354 = arith.constant 0 : i32
      %dma_start3A_355 = arith.constant 0 : i32
      %dma_start3A_356 = arith.constant 0 : i32
      %dma_start3A_357 = arith.constant 0 : i32
      %dma_start3A_358 = tpu.memref_slice %arg4[%add3A_347, %dma_start3A_354, %dma_start3A_355, %dma_start3A_356, %dma_start3A_357] : memref<256x4x8x8x128xf32, #tpu.memory_space<hbm>> -> memref<1x4x8x8x128xf32, #tpu.memory_space<hbm>>
      %dma_start3A_359 = tpu.memref_squeeze %dma_start3A_358 : memref<1x4x8x8x128xf32, #tpu.memory_space<hbm>> -> memref<4x8x8x128xf32, #tpu.memory_space<hbm>>
      %dma_start3A_360 = arith.constant 0 : i32
      %dma_start3A_361 = arith.constant 0 : i32
      %dma_start3A_362 = arith.constant 0 : i32
      %dma_start3A_363 = tpu.memref_slice %dma_start3A_359[%select_n3A_30, %dma_start3A_360, %dma_start3A_361, %dma_start3A_362] : memref<4x8x8x128xf32, #tpu.memory_space<hbm>> -> memref<1x8x8x128xf32, #tpu.memory_space<hbm>>
      %dma_start3A_364 = tpu.memref_squeeze %dma_start3A_363 : memref<1x8x8x128xf32, #tpu.memory_space<hbm>> -> memref<8x8x128xf32, #tpu.memory_space<hbm>>
      %dma_start3A_365 = arith.constant 0 : i32
      %dma_start3A_366 = arith.constant 0 : i32
      %dma_start3A_367 = arith.constant 0 : i32
      %dma_start3A_368 = arith.constant 0 : i32
      %dma_start3A_369 = tpu.memref_slice %arg4[%add3A_347, %dma_start3A_365, %dma_start3A_366, %dma_start3A_367, %dma_start3A_368] : memref<256x4x8x8x128xf32, #tpu.memory_space<hbm>> -> memref<1x4x8x8x128xf32, #tpu.memory_space<hbm>>
      %dma_start3A_370 = tpu.memref_squeeze %dma_start3A_369 : memref<1x4x8x8x128xf32, #tpu.memory_space<hbm>> -> memref<4x8x8x128xf32, #tpu.memory_space<hbm>>
      %dma_start3A_371 = arith.constant 0 : i32
      %dma_start3A_372 = arith.constant 0 : i32
      %dma_start3A_373 = arith.constant 0 : i32
      %dma_start3A_374 = tpu.memref_slice %dma_start3A_370[%select_n3A_30, %dma_start3A_371, %dma_start3A_372, %dma_start3A_373] : memref<4x8x8x128xf32, #tpu.memory_space<hbm>> -> memref<1x8x8x128xf32, #tpu.memory_space<hbm>>
      %dma_start3A_375 = tpu.memref_squeeze %dma_start3A_374 : memref<1x8x8x128xf32, #tpu.memory_space<hbm>> -> memref<8x8x128xf32, #tpu.memory_space<hbm>>
      %dma_start3A_376 = arith.constant 0 : i32
      %dma_start3A_377 = arith.constant 0 : i32
      %dma_start3A_378 = arith.constant 0 : i32
      %dma_start3A_379 = tpu.memref_slice %arg7[%dma_start3A_348, %dma_start3A_376, %dma_start3A_377, %dma_start3A_378] : memref<2x8x8x128xf32, #tpu.memory_space<vmem>> -> memref<1x8x8x128xf32, #tpu.memory_space<vmem>>
      %dma_start3A_380 = tpu.memref_squeeze %dma_start3A_379 : memref<1x8x8x128xf32, #tpu.memory_space<vmem>> -> memref<8x8x128xf32, #tpu.memory_space<vmem>>
      tpu.enqueue_dma source(%dma_start3A_380 : memref<8x8x128xf32, #tpu.memory_space<vmem>>) target(%dma_start3A_375 : memref<8x8x128xf32, #tpu.memory_space<hbm>>) target_semaphore(%arg9 : memref<!tpu.dma_semaphore, #tpu.memory_space<semaphore_mem>>)
    }
    %scan3A_78 = arith.constant 16 : i32
    %dma_wait3A_79 = arith.constant 0 : i32
    %dma_wait3A_80 = arith.constant 0 : i32
    %dma_wait3A_81 = arith.constant 0 : i32
    %dma_wait3A_82 = arith.constant 0 : i32
    %dma_wait3A_83 = arith.constant 0 : i32
    %dma_wait3A_84 = tpu.memref_slice %arg7[%dma_wait3A_79, %dma_wait3A_81, %dma_wait3A_82, %dma_wait3A_83] : memref<2x8x8x128xf32, #tpu.memory_space<vmem>> -> memref<1x8x8x128xf32, #tpu.memory_space<vmem>>
    %dma_wait3A_85 = tpu.memref_squeeze %dma_wait3A_84 : memref<1x8x8x128xf32, #tpu.memory_space<vmem>> -> memref<8x8x128xf32, #tpu.memory_space<vmem>>
    %dma_wait3A_86 = arith.constant 0 : i32
    %dma_wait3A_87 = arith.constant 0 : i32
    %dma_wait3A_88 = arith.constant 0 : i32
    %dma_wait3A_89 = arith.constant 0 : i32
    %dma_wait3A_90 = tpu.memref_slice %arg4[%dma_wait3A_80, %dma_wait3A_86, %dma_wait3A_87, %dma_wait3A_88, %dma_wait3A_89] : memref<256x4x8x8x128xf32, #tpu.memory_space<hbm>> -> memref<1x4x8x8x128xf32, #tpu.memory_space<hbm>>
    %dma_wait3A_91 = tpu.memref_squeeze %dma_wait3A_90 : memref<1x4x8x8x128xf32, #tpu.memory_space<hbm>> -> memref<4x8x8x128xf32, #tpu.memory_space<hbm>>
    %dma_wait3A_92 = arith.constant 0 : i32
    %dma_wait3A_93 = arith.constant 0 : i32
    %dma_wait3A_94 = arith.constant 0 : i32
    %dma_wait3A_95 = tpu.memref_slice %dma_wait3A_91[%select_n3A_30, %dma_wait3A_92, %dma_wait3A_93, %dma_wait3A_94] : memref<4x8x8x128xf32, #tpu.memory_space<hbm>> -> memref<1x8x8x128xf32, #tpu.memory_space<hbm>>
    %dma_wait3A_96 = tpu.memref_squeeze %dma_wait3A_95 : memref<1x8x8x128xf32, #tpu.memory_space<hbm>> -> memref<8x8x128xf32, #tpu.memory_space<hbm>>
    %dma_wait3A_97 = arith.constant 0 : i32
    %dma_wait3A_98 = arith.constant 0 : i32
    %dma_wait3A_99 = arith.constant 0 : i32
    %dma_wait3A_100 = arith.constant 0 : i32
    %dma_wait3A_101 = tpu.memref_slice %arg4[%dma_wait3A_80, %dma_wait3A_97, %dma_wait3A_98, %dma_wait3A_99, %dma_wait3A_100] : memref<256x4x8x8x128xf32, #tpu.memory_space<hbm>> -> memref<1x4x8x8x128xf32, #tpu.memory_space<hbm>>
    %dma_wait3A_102 = tpu.memref_squeeze %dma_wait3A_101 : memref<1x4x8x8x128xf32, #tpu.memory_space<hbm>> -> memref<4x8x8x128xf32, #tpu.memory_space<hbm>>
    %dma_wait3A_103 = arith.constant 0 : i32
    %dma_wait3A_104 = arith.constant 0 : i32
    %dma_wait3A_105 = arith.constant 0 : i32
    %dma_wait3A_106 = tpu.memref_slice %dma_wait3A_102[%select_n3A_30, %dma_wait3A_103, %dma_wait3A_104, %dma_wait3A_105] : memref<4x8x8x128xf32, #tpu.memory_space<hbm>> -> memref<1x8x8x128xf32, #tpu.memory_space<hbm>>
    %dma_wait3A_107 = tpu.memref_squeeze %dma_wait3A_106 : memref<1x8x8x128xf32, #tpu.memory_space<hbm>> -> memref<8x8x128xf32, #tpu.memory_space<hbm>>
    %dma_wait3A_108 = arith.constant 0 : i32
    %dma_wait3A_109 = arith.constant 0 : i32
    %dma_wait3A_110 = arith.constant 0 : i32
    %dma_wait3A_111 = tpu.memref_slice %arg7[%dma_wait3A_79, %dma_wait3A_108, %dma_wait3A_109, %dma_wait3A_110] : memref<2x8x8x128xf32, #tpu.memory_space<vmem>> -> memref<1x8x8x128xf32, #tpu.memory_space<vmem>>
    %dma_wait3A_112 = tpu.memref_squeeze %dma_wait3A_111 : memref<1x8x8x128xf32, #tpu.memory_space<vmem>> -> memref<8x8x128xf32, #tpu.memory_space<vmem>>
    tpu.wait_dma2 semaphore(%arg8 : memref<!tpu.dma_semaphore, #tpu.memory_space<semaphore_mem>>) src(%dma_wait3A_112 : memref<8x8x128xf32, #tpu.memory_space<vmem>>) dst(%dma_wait3A_107 : memref<8x8x128xf32, #tpu.memory_space<hbm>>)
    %dma_wait3A_113 = arith.constant 1 : i32
    %dma_wait3A_114 = arith.constant 0 : i32
    %dma_wait3A_115 = arith.constant 0 : i32
    %dma_wait3A_116 = arith.constant 0 : i32
    %dma_wait3A_117 = arith.constant 0 : i32
    %dma_wait3A_118 = tpu.memref_slice %arg7[%dma_wait3A_113, %dma_wait3A_115, %dma_wait3A_116, %dma_wait3A_117] : memref<2x8x8x128xf32, #tpu.memory_space<vmem>> -> memref<1x8x8x128xf32, #tpu.memory_space<vmem>>
    %dma_wait3A_119 = tpu.memref_squeeze %dma_wait3A_118 : memref<1x8x8x128xf32, #tpu.memory_space<vmem>> -> memref<8x8x128xf32, #tpu.memory_space<vmem>>
    %dma_wait3A_120 = arith.constant 0 : i32
    %dma_wait3A_121 = arith.constant 0 : i32
    %dma_wait3A_122 = arith.constant 0 : i32
    %dma_wait3A_123 = arith.constant 0 : i32
    %dma_wait3A_124 = tpu.memref_slice %arg4[%dma_wait3A_114, %dma_wait3A_120, %dma_wait3A_121, %dma_wait3A_122, %dma_wait3A_123] : memref<256x4x8x8x128xf32, #tpu.memory_space<hbm>> -> memref<1x4x8x8x128xf32, #tpu.memory_space<hbm>>
    %dma_wait3A_125 = tpu.memref_squeeze %dma_wait3A_124 : memref<1x4x8x8x128xf32, #tpu.memory_space<hbm>> -> memref<4x8x8x128xf32, #tpu.memory_space<hbm>>
    %dma_wait3A_126 = arith.constant 0 : i32
    %dma_wait3A_127 = arith.constant 0 : i32
    %dma_wait3A_128 = arith.constant 0 : i32
    %dma_wait3A_129 = tpu.memref_slice %dma_wait3A_125[%select_n3A_30, %dma_wait3A_126, %dma_wait3A_127, %dma_wait3A_128] : memref<4x8x8x128xf32, #tpu.memory_space<hbm>> -> memref<1x8x8x128xf32, #tpu.memory_space<hbm>>
    %dma_wait3A_130 = tpu.memref_squeeze %dma_wait3A_129 : memref<1x8x8x128xf32, #tpu.memory_space<hbm>> -> memref<8x8x128xf32, #tpu.memory_space<hbm>>
    %dma_wait3A_131 = arith.constant 0 : i32
    %dma_wait3A_132 = arith.constant 0 : i32
    %dma_wait3A_133 = arith.constant 0 : i32
    %dma_wait3A_134 = arith.constant 0 : i32
    %dma_wait3A_135 = tpu.memref_slice %arg4[%dma_wait3A_114, %dma_wait3A_131, %dma_wait3A_132, %dma_wait3A_133, %dma_wait3A_134] : memref<256x4x8x8x128xf32, #tpu.memory_space<hbm>> -> memref<1x4x8x8x128xf32, #tpu.memory_space<hbm>>
    %dma_wait3A_136 = tpu.memref_squeeze %dma_wait3A_135 : memref<1x4x8x8x128xf32, #tpu.memory_space<hbm>> -> memref<4x8x8x128xf32, #tpu.memory_space<hbm>>
    %dma_wait3A_137 = arith.constant 0 : i32
    %dma_wait3A_138 = arith.constant 0 : i32
    %dma_wait3A_139 = arith.constant 0 : i32
    %dma_wait3A_140 = tpu.memref_slice %dma_wait3A_136[%select_n3A_30, %dma_wait3A_137, %dma_wait3A_138, %dma_wait3A_139] : memref<4x8x8x128xf32, #tpu.memory_space<hbm>> -> memref<1x8x8x128xf32, #tpu.memory_space<hbm>>
    %dma_wait3A_141 = tpu.memref_squeeze %dma_wait3A_140 : memref<1x8x8x128xf32, #tpu.memory_space<hbm>> -> memref<8x8x128xf32, #tpu.memory_space<hbm>>
    %dma_wait3A_142 = arith.constant 0 : i32
    %dma_wait3A_143 = arith.constant 0 : i32
    %dma_wait3A_144 = arith.constant 0 : i32
    %dma_wait3A_145 = tpu.memref_slice %arg7[%dma_wait3A_113, %dma_wait3A_142, %dma_wait3A_143, %dma_wait3A_144] : memref<2x8x8x128xf32, #tpu.memory_space<vmem>> -> memref<1x8x8x128xf32, #tpu.memory_space<vmem>>
    %dma_wait3A_146 = tpu.memref_squeeze %dma_wait3A_145 : memref<1x8x8x128xf32, #tpu.memory_space<vmem>> -> memref<8x8x128xf32, #tpu.memory_space<vmem>>
    tpu.wait_dma2 semaphore(%arg9 : memref<!tpu.dma_semaphore, #tpu.memory_space<semaphore_mem>>) src(%dma_wait3A_146 : memref<8x8x128xf32, #tpu.memory_space<vmem>>) dst(%dma_wait3A_141 : memref<8x8x128xf32, #tpu.memory_space<hbm>>)
    return
  }
}

</mosaic_0001>

<sc_bundles>
// kernel: kernel.3.cloned.1.call-start
scs
__scs_entry_jumppad:
0x0: {  	(pc) =	sbr.rel $0x88, $3  }
0x1: {  	(tag) =	ssettag $0x0;
	lr =	simm.s32 $0x1  }
0x2: {  	[smem:$0x3F9F] =	sst lr;
	_ =	strace $0xD0000000  }
0x3: {  	_ = 	snop  }
0x4: {  	_ = 	snop  }
0x5: {  	_ = 	snop  }
0x6: {  	_ = 	snop  }
0x7: {  	_ = 	snop  }
__scs_overlays_trampoline_lowered:
0x8: {  	[smem:$0x3FAE] =	sst s0  }
0x9: {  	[smem:$0x3FAF] =	sst s1  }
0xa: {  	[smem:$0x3FB0] =	sst s2  }
0xb: {  	[smem:$0x3FB1] =	sst s3  }
0xc: {  	[smem:$0x3FB2] =	sst s4  }
0xd: {  	[smem:$0x3FB3] =	sst s5  }
0xe: {  	[smem:$0x3FB4] =	sst s6  }
0xf: {  	[smem:$0x3FB5] =	sst s7  }
0x10: {  	[smem:$0x3FB6] =	sst s8  }
0x11: {  	[smem:$0x3FB7] =	sst s9;
	s0 =	simm.s32 @!p0 $0x0  }
0x12: {  	s1 =	sld [smem:$0x3F9D];
	s0 =	simm.s32 @p0 $0x1  }
0x13: {  	[smem:$0x3FB8] =	sst s0;
	s0 =	simm.s32 @!p1 $0x0  }
0x14: {  	s2 =	sld [smem:$0x3F9C];
	s0 =	simm.s32 @p1 $0x1  }
0x15: {  	[smem:$0x3FB9] =	sst s0;
	s0 =	simm.s32 @!p2 $0x0  }
0x16: {  	s3 =	sld [smem:$0x3FDB];
	s0 =	simm.s32 @p2 $0x1  }
0x17: {  	s4 =	simm.s32 $0x1BF5;
	[smem:$0x3FBB] =	sst s0  }
0x18: {  	s0 =	sld [smem:$0x3F9E];
	_ =	swait.ge [sflag:s4], $0x0  }
0x19: {  	s7 =	sld [smem:$0x3F9F]  }
0x1a: {  	s8 =	sadd.s32 $0xFFFFE003, lr  }
0x1b: {  	s9 =	sadd.s32 $0xFFFFFEF7, lr;
	s5 =	simm.s32 $0xFFFFFFFF;
	p2 =	slt.u32 s8, $0xFFFFF086  }
0x1c: {  	p1 =	slt.u32 s9, $0xF7A;
	s5 =	simm.s32 @!p2 $0x0  }
0x1d: {  	s5 =	simm.s32 @p1 $0x1;
	p0 =	seq.s32 s7, s2  }
0x1e: {  	s7 =	smul.u32 @!p0 $0xF7A, s2;
	p2 =	seq.s32 @!p0 s5, $0x0  }
0x1f: {  	s9 =	smul.u32 $0xF7A, s1;
	s8 =	simm.s32 @!p0 $0x1BF5;
	p2 =	por !p2, p0  }
0x20: {  	[sflag:s8] =	ssyncset.s32 @!p0 $0xFFFFF086;
	s6 =	sadd.s32 @!p0 s3, s7;
	s7 =	simm.s32 @!p0 $0x108  }
0x21: {  	s3 =	sadd.s32 s3, s9;
	s6 =	sadd.s32 @!p0 $0x88, s6;
	s7 =	simm.s32 @p2 $0x1082  }
0x22: {  	[simem:s7], [sflag:s8] =	dma.local @!p0 [hbm:s6], $0xF7A  }
0x23: {  	s9 =	sor.u32 $0xD0000000, s2;
	s6 =	simm.s32 $0x108;
	_ =	swait.ge @!p0 [sflag:s8], $0x0  }
0x24: {  	s3 =	sadd.s32 $0x88, s3;
	s6 =	simm.s32 @!p1 $0x1082;
	[sflag:s4] =	ssyncset.s32 $0xFFFFF086  }
0x25: {  	[simem:s6], [sflag:s4] =	dma.local [hbm:s3], $0xF7A  }
0x26: {  	[smem:$0x3F9F] =	sst s1;
	(tag) =	ssettag s2;
	_ =	strace s9  }
0x27: {  	s1 =	sld [smem:$0x3FAF]  }
0x28: {  	s2 =	sld [smem:$0x3FB0]  }
0x29: {  	s4 =	sld [smem:$0x3FB2]  }
0x2a: {  	p0 =	seq.s32 s5, $0x0;
	s5 =	sld [smem:$0x3FB3]  }
0x2b: {  	s6 =	sld [smem:$0x3FB4]  }
0x2c: {  	s7 =	sld [smem:$0x3FB5]  }
0x2d: {  	s3 =	simm.s32 $0x108;
	s8 =	sld [smem:$0x3FB6]  }
0x2e: {  	s3 =	simm.s32 @!p0 $0x1082;
	s9 =	sld [smem:$0x3FB7]  }
0x2f: {  	lr =	sadd.s32 s0, s3;
	s0 =	sld [smem:$0x3FAE]  }
0x30: {  	s3 =	sld [smem:$0x3FB1]  }
0x31: {  	[smem:$0x3FBA] =	sst s10  }
0x32: {  	s10 =	sld [smem:$0x3FB8];
	_ =	sdelay $0x3  }
0x33: {  	p0 =	seq.s32 s10, $0x1;
	s10 =	sld [smem:$0x3FBA];
	_ =	sdelay $0x3  }
0x34: {  	[smem:$0x3FBA] =	sst s10  }
0x35: {  	s10 =	sld [smem:$0x3FB9];
	_ =	sdelay $0x3  }
0x36: {  	p1 =	seq.s32 s10, $0x1;
	s10 =	sld [smem:$0x3FBA];
	_ =	sdelay $0x3  }
0x37: {  	[smem:$0x3FBA] =	sst s10  }
0x38: {  	s10 =	sld [smem:$0x3FBB]  }
0x39: {  	_ = 	snop;
	(pc) =	sbr.ind lr, $3  }
0x3a: {  	_ = 	snop  }
0x3b: {  	_ = 	snop  }
0x3c: {  	p2 =	seq.s32 s10, $0x1;
	s10 =	sld [smem:$0x3FBA]  }
0x3d: {  	_ =	shalt  }
0x3e: {  	_ =	shalt  }
0x3f: {  	_ =	shalt  }
0x40: {  	_ =	shalt  }
0x41: {  	_ =	shalt  }
0x42: {  	_ =	shalt  }
0x43: {  	_ =	shalt  }
0x44: {  	_ =	shalt  }
0x45: {  	_ =	shalt  }
0x46: {  	_ =	shalt  }
0x47: {  	_ =	shalt  }
0x48: {  	_ =	shalt  }
0x49: {  	_ =	shalt  }
0x4a: {  	_ =	shalt  }
0x4b: {  	_ =	shalt  }
0x4c: {  	_ =	shalt  }
0x4d: {  	_ =	shalt  }
0x4e: {  	_ =	shalt  }
0x4f: {  	_ =	shalt  }
0x50: {  	_ =	shalt  }
0x51: {  	_ =	shalt  }
0x52: {  	_ =	shalt  }
0x53: {  	_ =	shalt  }
0x54: {  	_ =	shalt  }
0x55: {  	_ =	shalt  }
0x56: {  	_ =	shalt  }
0x57: {  	_ =	shalt  }
0x58: {  	_ =	shalt  }
0x59: {  	_ =	shalt  }
0x5a: {  	_ =	shalt  }
0x5b: {  	_ =	shalt  }
0x5c: {  	_ =	shalt  }
0x5d: {  	_ =	shalt  }
0x5e: {  	_ =	shalt  }
0x5f: {  	_ =	shalt  }
0x60: {  	_ =	shalt  }
0x61: {  	_ =	shalt  }
0x62: {  	_ =	shalt  }
0x63: {  	_ =	shalt  }
0x64: {  	_ =	shalt  }
0x65: {  	_ =	shalt  }
0x66: {  	_ =	shalt  }
0x67: {  	_ =	shalt  }
0x68: {  	_ =	shalt  }
0x69: {  	_ =	shalt  }
0x6a: {  	_ =	shalt  }
0x6b: {  	_ =	shalt  }
0x6c: {  	_ =	shalt  }
0x6d: {  	_ =	shalt  }
0x6e: {  	_ =	shalt  }
0x6f: {  	_ =	shalt  }
0x70: {  	_ =	shalt  }
0x71: {  	_ =	shalt  }
0x72: {  	_ =	shalt  }
0x73: {  	_ =	shalt  }
0x74: {  	_ =	shalt  }
0x75: {  	_ =	shalt  }
0x76: {  	_ =	shalt  }
0x77: {  	_ =	shalt  }
0x78: {  	_ =	shalt  }
0x79: {  	_ =	shalt  }
0x7a: {  	_ =	shalt  }
0x7b: {  	_ =	shalt  }
0x7c: {  	_ =	shalt  }
0x7d: {  	_ =	shalt  }
0x7e: {  	_ =	shalt  }
0x7f: {  	_ =	shalt  }
0x80: {  	_ =	shalt  }
0x81: {  	_ =	shalt  }
0x82: {  	_ =	shalt  }
0x83: {  	_ =	shalt  }
0x84: {  	_ =	shalt  }
0x85: {  	_ =	shalt  }
0x86: {  	_ =	shalt  }
0x87: {  	_ =	shalt  }
.Lfunc_end0:
.L_simem_size_0:
called_computation_lowered:
.L_overlay_start_0:
0x88: {  	s2 =	sld [smem:$0x3FD9]  }
0x89: {  	s3 =	sld [smem:$0x3FFE];
	_ =	sdelay $0x1  }
0x8a: {  	s1 =	srdreg.scid  }
0x8b: {  	s0 =	sand.u32 $0x1, s1  }
0x8c: {  	s18 =	sshll.u32 s0, $0xA;
	s2 =	sadd.s32 s3, s2  }
0x8d: {  	s2 =	sadd.s32 s2, s18  }
0x8e: {  	[smem:$0x3FC6] =	sst s2  }
0x8f: {  	_ = 	snop  }
0x90: {  	s2 =	sld [smem:$0x3FC9]  }
0x91: {  	s19 =	sld [smem:$0x3FC8]  }
0x92: {  	s4 =	sld [smem:$0x3FD0];
	(tm) =	ssettm $0x1  }
0x93: {  	s5 =	sld [smem:$0x3FFB];
	_ =	sdelay $0x3  }
0x94: {  	_ =	strace s5  }
0x95: {  	s5 =	sld [smem:$0x3FFC];
	_ =	sdelay $0x3  }
0x96: {  	_ =	strace s5  }
0x97: {  	s5 =	sld [smem:$0x3FFD];
	_ =	sdelay $0x3  }
0x98: {  	_ =	strace s5  }
0x99: {  	_ =	strace $0x8FFFFFFF  }
0x9a: {  	s20 =	sld [smem:$0x3FDB];
	_ =	sdelay $0x1  }
0x9b: {  	s6 =	simm.s32 $_scs_section_size  }
0x9c: {  	s7 =	simm.s32 $_size__tile_overlayer_lowered;
	s8 =	simm.s32 $_tile_overlayer_lowered  }
0x9d: {  	s23 =	simm.s32 $0x1BFF;
	s22 =	sshll.u32 s8, $0x1;
	s5 =	sadd.s32 s6, s20  }
0x9e: {  	s9 =	simm.s32 $0x0;
	s21 =	sshll.u32 s7, $0x1;
	s7 =	sadd.s32 s22, s5  }
0x9f: {  	[timem:s9], [sflag:s23] =	dma.local [hbm:s7], s21  }
0xa0: {  	_ =	swait.ge [sflag:s23], s21  }
0xa1: {  	s6 =	ssub.s32 $0x0, s21;
	[sflag:s23] =	ssyncset.done $0x0  }
0xa2: {  	[sflag:s23] =	ssyncadd.s32 s6;
	_ =	sdelay $0x1  }
0xa3: {  	s24 =	simm.s32 $0x1B8B  }
0xa4: {  	_ =	swait.ge [sflag:s24], $0x1  }
0xa5: {  	[sflag:s24] =	ssyncset.done $0x0  }
0xa6: {  	s25 =	simm.s32 $0x1B8E;
	[sflag:s24] =	ssyncadd.s32 $0xFFFFFFFF  }
0xa7: {  	s26 =	simm.s32 $execute0_lowered;
	[smem:$0x3FD2] =	sst s25  }
0xa8: {  	s6 =	sshll.u32 s26, $0x1;
	_ =	strace $0x80000046;
	[dreg:$0x1] =	wrdreg $0xFFFFFFFF  }
0xa9: {  	s28 =	simm.s32 $_size_execute0_lowered;
	s5 =	sadd.s32 s5, s6;
	[dreg:$0x0] =	wrdreg $0x0  }
0xaa: {  	s6 =	sshll.u32 s28, $0x1;
	[dreg:$0x2] =	wrdreg s5  }
0xab: {  	[dreg:$0x3] =	wrdreg s6  }
0xac: {  	[dreg:$0x4] =	wrdreg $0xC0  }
0xad: {  	_ =	task [dreg:s9], $0x5FFFF  }
0xae: {  	[dreg:$0x1] =	wrdreg $0xFFFFFFFF  }
0xaf: {  	[dreg:$0x0] =	wrdreg $0x60  }
0xb0: {  	[dreg:$0x2] =	wrdreg s2  }
0xb1: {  	[dreg:$0x3] =	wrdreg s19  }
0xb2: {  	[dreg:$0x4] =	wrdreg s4  }
0xb3: {  	[dreg:$0x5] =	wrdreg $0x9  }
0xb4: {  	_ =	task.clear_ibuf [dreg:s9], $0x6FFFF;
	_ =	strace $0x90000046  }
0xb5: {  	s29 =	simm.s32 $0x9;
	_ =	strace $0x80000048  }
0xb6: {  	_ =	swait.ge [sflag:s29], $0x1  }
0xb7: {  	[sflag:s29] =	ssyncadd.s32 $0xFFFFFFFF  }
0xb8: {  	_ =	strace $0x90000048  }
0xb9: {  	_ =	sfence  }
0xba: {  	s30 =	sld [smem:$0x0];
	_ =	sdelay $0x2  }
0xbb: {  	s31 =	sshll.u32 s1, $0xD;
	s1 =	sshrl.u32 s1, $0x2  }
0xbc: {  	s3 =	sand.u32 $0x4000, s31;
	s1 =	sadd.s32 s1, s30  }
0xbd: {  	s0 =	sor.u32 s3, s0;
	s1 =	sshll.u32 s1, $0x11  }
0xbe: {  	s0 =	sor.u32 s1, s0  }
0xbf: {  	s0 =	sadd.s32 $0x8F2B, s0  }
0xc0: {  	[sflag:s0] =	ssyncadd.remote.s32 $0x1  }
0xc1: {  	_ =	sfence.sel $0xFFFF  }
0xc2: {  	[dreg:$0x0] =	wrdreg $0xFFFFFFFF;
	(pc) =	sbr.abs _section_cstart, $3  }
0xc3: {  	[dreg:$0x1] =	wrdreg $0xFFFFFFFF  }
0xc4: {  	_ =	task.clear_ibuf [dreg:s9], $0x2FFFF;
	_ =	strace $0x9FFFFFFF  }
0xc5: {  	(tm) =	ssettm $0x7FFFFFFF  }
tec
execute0_lowered:
.L_overlay_start_1:
0x0: {  	(tag) =	ssettag $0x1  }
0x1: {  	s5 =	rddreg [dreg:$0x0]  }
0x2: {  	s4 =	rddreg [dreg:$0x1]  }
0x3: {  	s2 =	rddreg [dreg:$0x2]  }
0x4: {  	s0 =	rddreg [dreg:$0x3]  }
0x5: {  	s3 =	simm.s32 $0x0;
	s6 =	srdreg.scid;
	s1 =	stileid.u32  }
0x6: {  	s11 =	simm.s32 $0x2;
	s12 =	simm.s32 $0x80;
	s13 =	simm.s32 $0x100  }
0x7: {  	s14 =	simm.s32 $0x180;
	s15 =	simm.s32 $0x200;
	s16 =	simm.s32 $0x280  }
0x8: {  	s17 =	simm.s32 $0x300;
	s18 =	simm.s32 $0x380;
	s19 =	simm.s32 $0x18000  }
0x9: {  	s20 =	simm.s32 $0x1A000;
	s21 =	simm.s32 $0x0;
	[smem:$0x7FF] =	sst s3  }
0xa: {  	s6 =	sand.u32 $0x1, s6;
	s7 =	sshll.u32 s1, $0x1;
	s10 =	sshrl.u32 s1, $0x1  }
0xb: {  	_ =	strace $0x80000047;
	s8 =	ssub.s32 $0x2, s6;
	s7 =	sand.u32 $0x2, s7  }
0xc: {  	s31 =	sshll.u32 s10, $0xC;
	s9 =	sshrl.u32 s8, $0x1;
	s7 =	sor.u32 s6, s7  }
0xd: {  	s5 =	sadd.s32 s5, s31;
	s8 =	ssub.s32 s8, s9;
	s6 =	sshll.u32 s7, $0xD  }
0xe: {  	s7 =	sshll.u32 s7, $0xA;
	s9 =	simm.s32 $0x10000;
	s4 =	sadd.s32 s4, s6  }
0xf: {  	s6 =	sshll.u32 s10, $0x5;
	s8 =	smax.u32 s8, $0x1;
	s10 =	simm.s32 $0x1  }
.LBB2_1:
0x10: {  	[tilespmem:s3], [sflag:$0x1] =	stream.linear.gather [hbm4b:s4+s3], $0x10000, $0x38;
	[tilespmem:$0x1C000] =	vst v63  }
0x11: {  	_ = 	snop  }
0x12: {  	[tilespmem:s9], [sflag:$0x2] =	stream.linear.gather [hbm4b:s5+s3], $0x8000, $0x38;
	[tilespmem:$0x1C000] =	vst v63  }
0x13: {  	_ =	swait.ge [sflag:s10], $0x10000  }
0x14: {  	[sflag:s10] =	ssyncset.done $0x0  }
0x15: {  	[sflag:s10] =	ssyncadd.s32 $0xFFFF0000  }
0x16: {  	_ =	swait.ge [sflag:s11], $0x8000  }
0x17: {  	s22 =	simm.s32 $0x0;
	s23 =	simm.s32 $0x0;
	[sflag:s11] =	ssyncset.done $0x0  }
0x18: {  	s24 =	simm.s32 $0x0;
	s25 =	simm.s32 $0x0;
	[sflag:s11] =	ssyncadd.s32 $0xFFFF8000  }
.LBB2_2:
0x19: {  	s26 =	sshll.u32 s24, $0x2;
	s28 =	sand.u32 $0x3, s23;
	p0 =	seq.s32 s25, $0x0  }
0x1a: {  	s26 =	sand.u32 $0xFFFF8000, s26;
	s28 =	sshll.u32 s28, $0xA;
	s30 =	simm.s32 @!p0 $0x1  }
0x1b: {  	s28 =	sor.u32 s28, s26;
	_ =	swait.ge @!p0 [sflag:s30], $0x2000  }
0x1c: {  	s29 =	simm.s32 $0x0;
	s28 =	sshrl.u32 s28, $0x2;
	[sflag:s30] =	ssyncset.done @!p0 $0x0  }
0x1d: {  	s31 =	smax.u32 s29, $0x1;
	s29 =	sadd.s32 $0x10040, s28;
	[sflag:s30] =	ssyncadd.s32 @!p0 $0xFFFFE000  }
0x1e: {  	v1 =	vld [tilespmem:s29+$0xFFFFFFC0];
	_ =	sdelay $0x1  }
0x1f: {  	s28 =	sshll.u32 s31, $0xA  }
0x20: {  	v0 =	vimm.f32 $0.0e+00;
	s28 =	sand.u32 $0x3FFFFC00, s28  }
0x21: {  	[tilespmem:s28+$0x17C70] =	vst v0  }
0x22: {  	v2 =	vld [tilespmem:s29+$0xFFFFFFD0];
	[tilespmem:s28+$0x17CF0] =	vst v0;
	v6 =	vshll.u32 v1, $0x3  }
0x23: {  	v3 =	vld [tilespmem:s29+$0xFFFFFFE0];
	[tilespmem:s28+$0x17D70] =	vst v0;
	v1 =	vand.u32 $0x7F, v1;
	v6 =	vand.u32 $0xFFFFFC00, v6  }
0x24: {  	v4 =	vld [tilespmem:s29+$0xFFFFFFF0];
	[tilespmem:s28+$0x17DF0] =	vst v0;
	v1 =	vor.u32 v1, v6  }
0x25: {  	v5 =	vld [tilespmem:s29+$0x0];
	[tilespmem:s28+$0x17E70] =	vst v0  }
0x26: {  	v7 =	vld [tilespmem:s29+$0x10];
	[tilespmem:s28+$0x17EF0] =	vst v0  }
0x27: {  	v6 =	vld [tilespmem:s29+$0x20];
	[tilespmem:s28+$0x17F70] =	vst v0  }
0x28: {  	v8 =	vld [tilespmem:s29+$0x30];
	[tilespmem:s28+$0x17FF0] =	vst v0  }
0x29: {  	v0 =	vld.idx.msk [tilespmem:v1+s17+$0x0], $0xffff  }
0x2a: {  	v9 =	vshll.u32 v2, $0x3;
	v10 =	vld.idx.msk [tilespmem:v1+s18+$0x0], $0xffff  }
0x2b: {  	v2 =	vand.u32 $0x7F, v2;
	v9 =	vand.u32 $0xFFFFFC00, v9;
	v11 =	vld.idx.msk [tilespmem:v1+s3+$0x0], $0xffff  }
0x2c: {  	v2 =	vor.u32 v2, v9;
	v12 =	vld.idx.msk [tilespmem:v1+s12+$0x0], $0xffff  }
0x2d: {  	v9 =	vld.idx.msk [tilespmem:v1+s13+$0x0], $0xffff  }
0x2e: {  	v13 =	vld.idx.msk [tilespmem:v1+s14+$0x0], $0xffff  }
0x2f: {  	v14 =	vld.idx.msk [tilespmem:v1+s15+$0x0], $0xffff  }
0x30: {  	s28 =	simm.s32 $0x18200;
	v1 =	vld.idx.msk [tilespmem:v1+s16+$0x0], $0xffff  }
0x31: {  	v15 =	vld.idx.msk [tilespmem:v2+s3+$0x0], $0xffff;
	[tilespmem:s28+$0xFFFFFE00] =	vst v11  }
0x32: {  	v16 =	vshll.u32 v3, $0x3;
	v11 =	vld.idx.msk [tilespmem:v2+s12+$0x0], $0xffff;
	[tilespmem:s28+$0xFFFFFE80] =	vst v12  }
0x33: {  	v3 =	vand.u32 $0x7F, v3;
	v54 =	vand.u32 $0xFFFFFC00, v16;
	v12 =	vld.idx.msk [tilespmem:v2+s13+$0x0], $0xffff;
	[tilespmem:s28+$0xFFFFFF00] =	vst v9  }
0x34: {  	v3 =	vor.u32 v3, v54;
	v9 =	vld.idx.msk [tilespmem:v2+s14+$0x0], $0xffff;
	[tilespmem:s28+$0xFFFFFF80] =	vst v13  }
0x35: {  	v13 =	vld.idx.msk [tilespmem:v2+s15+$0x0], $0xffff;
	[tilespmem:s28+$0x0] =	vst v14  }
0x36: {  	v55 =	vld.idx.msk [tilespmem:v2+s16+$0x0], $0xffff;
	[tilespmem:s28+$0x80] =	vst v1  }
0x37: {  	v1 =	vld.idx.msk [tilespmem:v2+s17+$0x0], $0xffff;
	[tilespmem:s28+$0x100] =	vst v0  }
0x38: {  	v0 =	vld.idx.msk [tilespmem:v2+s18+$0x0], $0xffff;
	[tilespmem:s28+$0x180] =	vst v10  }
0x39: {  	v2 =	vld.idx.msk [tilespmem:v3+s3+$0x0], $0xffff;
	[tilespmem:s28+$0xFFFFFE10] =	vst v15  }
0x3a: {  	v56 =	vshll.u32 v4, $0x3;
	v10 =	vld.idx.msk [tilespmem:v3+s12+$0x0], $0xffff;
	[tilespmem:s28+$0xFFFFFE90] =	vst v11  }
0x3b: {  	v4 =	vand.u32 $0x7F, v4;
	v57 =	vand.u32 $0xFFFFFC00, v56;
	v11 =	vld.idx.msk [tilespmem:v3+s13+$0x0], $0xffff;
	[tilespmem:s28+$0xFFFFFF10] =	vst v12  }
0x3c: {  	v4 =	vor.u32 v4, v57;
	v12 =	vld.idx.msk [tilespmem:v3+s14+$0x0], $0xffff;
	[tilespmem:s28+$0xFFFFFF90] =	vst v9  }
0x3d: {  	v9 =	vld.idx.msk [tilespmem:v3+s15+$0x0], $0xffff;
	[tilespmem:s28+$0x10] =	vst v13  }
0x3e: {  	v58 =	vld.idx.msk [tilespmem:v3+s16+$0x0], $0xffff;
	[tilespmem:s28+$0x90] =	vst v55  }
0x3f: {  	v59 =	vld.idx.msk [tilespmem:v3+s17+$0x0], $0xffff;
	[tilespmem:s28+$0x110] =	vst v1  }
0x40: {  	v1 =	vld.idx.msk [tilespmem:v3+s18+$0x0], $0xffff;
	[tilespmem:s28+$0x190] =	vst v0  }
0x41: {  	v0 =	vld.idx.msk [tilespmem:v4+s3+$0x0], $0xffff;
	[tilespmem:s28+$0xFFFFFE20] =	vst v2  }
0x42: {  	v2 =	vld.idx.msk [tilespmem:v4+s12+$0x0], $0xffff;
	[tilespmem:s28+$0xFFFFFEA0] =	vst v10  }
0x43: {  	v3 =	vld.idx.msk [tilespmem:v4+s13+$0x0], $0xffff;
	[tilespmem:s28+$0xFFFFFF20] =	vst v11  }
0x44: {  	v60 =	vshll.u32 v5, $0x3;
	v10 =	vld.idx.msk [tilespmem:v4+s14+$0x0], $0xffff;
	[tilespmem:s28+$0xFFFFFFA0] =	vst v12  }
0x45: {  	v5 =	vand.u32 $0x7F, v5;
	v11 =	vld.idx.msk [tilespmem:v4+s15+$0x0], $0xffff;
	[tilespmem:s28+$0x20] =	vst v9;
	v9 =	vand.u32 $0xFFFFFC00, v60  }
0x46: {  	v5 =	vor.u32 v5, v9;
	_ =	sdelay $0x1  }
0x47: {  	v61 =	vld.idx.msk [tilespmem:v4+s16+$0x0], $0xffff;
	[tilespmem:s28+$0xA0] =	vst v58  }
0x48: {  	v9 =	vld.idx.msk [tilespmem:v4+s17+$0x0], $0xffff;
	[tilespmem:s28+$0x120] =	vst v59  }
0x49: {  	v4 =	vld.idx.msk [tilespmem:v4+s18+$0x0], $0xffff;
	[tilespmem:s28+$0x1A0] =	vst v1  }
0x4a: {  	v1 =	vld.idx.msk [tilespmem:v5+s3+$0x0], $0xffff;
	[tilespmem:s28+$0xFFFFFE30] =	vst v0  }
0x4b: {  	v0 =	vld.idx.msk [tilespmem:v5+s12+$0x0], $0xffff;
	[tilespmem:s28+$0xFFFFFEB0] =	vst v2  }
0x4c: {  	v2 =	vld.idx.msk [tilespmem:v5+s13+$0x0], $0xffff;
	[tilespmem:s28+$0xFFFFFF30] =	vst v3  }
0x4d: {  	v62 =	vshll.u32 v7, $0x3;
	v3 =	vld.idx.msk [tilespmem:v5+s14+$0x0], $0xffff;
	[tilespmem:s28+$0xFFFFFFB0] =	vst v10  }
0x4e: {  	v7 =	vand.u32 $0x7F, v7;
	v10 =	vld.idx.msk [tilespmem:v5+s15+$0x0], $0xffff;
	[tilespmem:s28+$0x30] =	vst v11;
	v11 =	vand.u32 $0xFFFFFC00, v62  }
0x4f: {  	v7 =	vor.u32 v7, v11;
	_ =	sdelay $0x1  }
0x50: {  	v63 =	vld.idx.msk [tilespmem:v5+s16+$0x0], $0xffff;
	[tilespmem:s28+$0xB0] =	vst v61  }
0x51: {  	v11 =	vld.idx.msk [tilespmem:v5+s17+$0x0], $0xffff;
	[tilespmem:s28+$0x130] =	vst v9  }
0x52: {  	v5 =	vld.idx.msk [tilespmem:v5+s18+$0x0], $0xffff;
	[tilespmem:s28+$0x1B0] =	vst v4  }
0x53: {  	v4 =	vld.idx.msk [tilespmem:v7+s3+$0x0], $0xffff;
	[tilespmem:s28+$0xFFFFFE40] =	vst v1  }
0x54: {  	v9 =	vshll.u32 v6, $0x3;
	v1 =	vld.idx.msk [tilespmem:v7+s12+$0x0], $0xffff;
	[tilespmem:s28+$0xFFFFFEC0] =	vst v0  }
0x55: {  	v6 =	vand.u32 $0x7F, v6;
	v9 =	vand.u32 $0xFFFFFC00, v9;
	v0 =	vld.idx.msk [tilespmem:v7+s13+$0x0], $0xffff;
	[tilespmem:s28+$0xFFFFFF40] =	vst v2  }
0x56: {  	v6 =	vor.u32 v6, v9;
	v2 =	vld.idx.msk [tilespmem:v7+s14+$0x0], $0xffff;
	[tilespmem:s28+$0xFFFFFFC0] =	vst v3  }
0x57: {  	v3 =	vld.idx.msk [tilespmem:v7+s15+$0x0], $0xffff;
	[tilespmem:s28+$0x40] =	vst v10  }
0x58: {  	v10 =	vld.idx.msk [tilespmem:v7+s16+$0x0], $0xffff;
	[tilespmem:s28+$0xC0] =	vst v63  }
0x59: {  	v9 =	vld.idx.msk [tilespmem:v7+s17+$0x0], $0xffff;
	[tilespmem:s28+$0x140] =	vst v11  }
0x5a: {  	v7 =	vld.idx.msk [tilespmem:v7+s18+$0x0], $0xffff;
	[tilespmem:s28+$0x1C0] =	vst v5  }
0x5b: {  	v5 =	vld.idx.msk [tilespmem:v6+s3+$0x0], $0xffff;
	[tilespmem:s28+$0xFFFFFE50] =	vst v4  }
0x5c: {  	v4 =	vld.idx.msk [tilespmem:v6+s12+$0x0], $0xffff;
	[tilespmem:s28+$0xFFFFFED0] =	vst v1  }
0x5d: {  	v1 =	vld.idx.msk [tilespmem:v6+s13+$0x0], $0xffff;
	[tilespmem:s28+$0xFFFFFF50] =	vst v0  }
0x5e: {  	v0 =	vld.idx.msk [tilespmem:v6+s14+$0x0], $0xffff;
	[tilespmem:s28+$0xFFFFFFD0] =	vst v2;
	v2 =	vshll.u32 v8, $0x3  }
0x5f: {  	v11 =	vld.idx.msk [tilespmem:v6+s15+$0x0], $0xffff;
	[tilespmem:s28+$0x50] =	vst v3;
	v3 =	vand.u32 $0x7F, v8;
	v2 =	vand.u32 $0xFFFFFC00, v2  }
0x60: {  	v3 =	vor.u32 v3, v2;
	_ =	sdelay $0x1  }
0x61: {  	v8 =	vld.idx.msk [tilespmem:v6+s16+$0x0], $0xffff;
	[tilespmem:s28+$0xD0] =	vst v10  }
0x62: {  	v10 =	vld.idx.msk [tilespmem:v6+s17+$0x0], $0xffff;
	[tilespmem:s28+$0x150] =	vst v9  }
0x63: {  	v9 =	vld.idx.msk [tilespmem:v6+s18+$0x0], $0xffff;
	[tilespmem:s28+$0x1D0] =	vst v7  }
0x64: {  	v6 =	vld.idx.msk [tilespmem:v3+s3+$0x0], $0xffff;
	[tilespmem:s28+$0xFFFFFE60] =	vst v5  }
0x65: {  	v7 =	vld.idx.msk [tilespmem:v3+s12+$0x0], $0xffff;
	[tilespmem:s28+$0xFFFFFEE0] =	vst v4  }
0x66: {  	v5 =	vld.idx.msk [tilespmem:v3+s13+$0x0], $0xffff;
	[tilespmem:s28+$0xFFFFFF60] =	vst v1  }
0x67: {  	v4 =	vld.idx.msk [tilespmem:v3+s14+$0x0], $0xffff;
	[tilespmem:s28+$0xFFFFFFE0] =	vst v0  }
0x68: {  	v2 =	vld.idx.msk [tilespmem:v3+s15+$0x0], $0xffff;
	[tilespmem:s28+$0x60] =	vst v11  }
0x69: {  	v0 =	vld.idx.msk [tilespmem:v3+s16+$0x0], $0xffff;
	[tilespmem:s28+$0xE0] =	vst v8  }
0x6a: {  	s30 =	sand.u32 $0x7, s22;
	v1 =	vld.idx.msk [tilespmem:v3+s17+$0x0], $0xffff;
	[tilespmem:s28+$0x160] =	vst v10  }
0x6b: {  	s30 =	sshll.u32 s30, $0x9;
	s29 =	sadd.s32 $0x400, s29;
	v3 =	vld.idx.msk [tilespmem:v3+s18+$0x0], $0xffff;
	[tilespmem:s28+$0x1E0] =	vst v9  }
0x6c: {  	s26 =	sor.u32 s30, s26;
	s30 =	simm.s32 $0x1;
	v8 =	vld [tilespmem:s29+$0xFFFFFFC0]  }
0x6d: {  	s26 =	sshrl.u32 s26, $0x2;
	s30 =	smax.u32 s30, $0x1  }
0x6e: {  	s26 =	sadd.s32 $0x100F0, s26;
	s31 =	sshll.u32 s30, $0xA;
	s30 =	simm.s32 $0x2  }
.LBB2_3:
0x6f: {  	p1 =	sne.s32 s30, $0x7;
	s31 =	sand.u32 $0x3FFFFC00, s31  }
0x70: {  	[tilespmem:s31+$0x17C70] =	vst v6  }
0x71: {  	v6 =	vld [tilespmem:s29+$0xFFFFFFD0];
	[tilespmem:s31+$0x17CF0] =	vst v7;
	v7 =	vshll.u32 v8, $0x3;
	v8 =	vand.u32 $0x7F, v8  }
0x72: {  	v9 =	vld [tilespmem:s29+$0xFFFFFFE0];
	[tilespmem:s31+$0x17D70] =	vst v5;
	v5 =	vand.u32 $0xFFFFFC00, v7  }
0x73: {  	v7 =	vld [tilespmem:s29+$0xFFFFFFF0];
	[tilespmem:s31+$0x17DF0] =	vst v4;
	v4 =	vor.u32 v8, v5  }
0x74: {  	v5 =	vld [tilespmem:s29+$0x0];
	[tilespmem:s31+$0x17E70] =	vst v2  }
0x75: {  	v8 =	vld [tilespmem:s29+$0x10];
	[tilespmem:s31+$0x17EF0] =	vst v0  }
0x76: {  	v0 =	vld [tilespmem:s29+$0x20];
	[tilespmem:s31+$0x17F70] =	vst v1  }
0x77: {  	v10 =	vld [tilespmem:s29+$0x30];
	[tilespmem:s31+$0x17FF0] =	vst v3;
	v3 =	vshll.u32 v9, $0x3;
	v9 =	vand.u32 $0x7F, v9  }
0x78: {  	v11 =	vshll.u32 v7, $0x3;
	v12 =	vld.idx.msk [tilespmem:v4+s17+$0x0], $0xffff;
	v7 =	vand.u32 $0x7F, v7  }
0x79: {  	v1 =	vshll.u32 v6, $0x3;
	v13 =	vshll.u32 v5, $0x3;
	v14 =	vld.idx.msk [tilespmem:v4+s18+$0x0], $0xffff;
	v5 =	vand.u32 $0x7F, v5  }
0x7a: {  	v2 =	vand.u32 $0x7F, v6;
	v1 =	vand.u32 $0xFFFFFC00, v1;
	v15 =	vshll.u32 v8, $0x3;
	v16 =	vld.idx.msk [tilespmem:v4+s3+$0x0], $0xffff  }
0x7b: {  	v18 =	vor.u32 v2, v1;
	v6 =	vshll.u32 v0, $0x3;
	v17 =	vld.idx.msk [tilespmem:v4+s12+$0x0], $0xffff;
	v2 =	vand.u32 $0x7F, v0  }
0x7c: {  	v8 =	vand.u32 $0x7F, v8;
	v1 =	vshll.u32 v10, $0x3;
	v19 =	vld.idx.msk [tilespmem:v4+s13+$0x0], $0xffff;
	v0 =	vand.u32 $0x7F, v10  }
0x7d: {  	v10 =	vld.idx.msk [tilespmem:v4+s14+$0x0], $0xffff  }
0x7e: {  	v20 =	vld.idx.msk [tilespmem:v4+s15+$0x0], $0xffff  }
0x7f: {  	s28 =	sadd.s32 $0x400, s28;
	v4 =	vld.idx.msk [tilespmem:v4+s16+$0x0], $0xffff  }
0x80: {  	v21 =	vld.idx.msk [tilespmem:v18+s3+$0x0], $0xffff;
	[tilespmem:s28+$0xFFFFFE00] =	vst v16  }
0x81: {  	v16 =	vld.idx.msk [tilespmem:v18+s12+$0x0], $0xffff;
	[tilespmem:s28+$0xFFFFFE80] =	vst v17  }
0x82: {  	v3 =	vand.u32 $0xFFFFFC00, v3;
	v17 =	vld.idx.msk [tilespmem:v18+s13+$0x0], $0xffff;
	[tilespmem:s28+$0xFFFFFF00] =	vst v19  }
0x83: {  	v3 =	vor.u32 v9, v3;
	v19 =	vld.idx.msk [tilespmem:v18+s14+$0x0], $0xffff;
	[tilespmem:s28+$0xFFFFFF80] =	vst v10  }
0x84: {  	v9 =	vld.idx.msk [tilespmem:v18+s15+$0x0], $0xffff;
	[tilespmem:s28+$0x0] =	vst v20  }
0x85: {  	v10 =	vld.idx.msk [tilespmem:v18+s16+$0x0], $0xffff;
	[tilespmem:s28+$0x80] =	vst v4  }
0x86: {  	v4 =	vld.idx.msk [tilespmem:v18+s17+$0x0], $0xffff;
	[tilespmem:s28+$0x100] =	vst v12  }
0x87: {  	v12 =	vld.idx.msk [tilespmem:v18+s18+$0x0], $0xffff;
	[tilespmem:s28+$0x180] =	vst v14  }
0x88: {  	v14 =	vld.idx.msk [tilespmem:v3+s3+$0x0], $0xffff;
	[tilespmem:s28+$0xFFFFFE10] =	vst v21  }
0x89: {  	v18 =	vld.idx.msk [tilespmem:v3+s12+$0x0], $0xffff;
	[tilespmem:s28+$0xFFFFFE90] =	vst v16  }
0x8a: {  	v11 =	vand.u32 $0xFFFFFC00, v11;
	v16 =	vld.idx.msk [tilespmem:v3+s13+$0x0], $0xffff;
	[tilespmem:s28+$0xFFFFFF10] =	vst v17  }
0x8b: {  	v7 =	vor.u32 v7, v11;
	v17 =	vld.idx.msk [tilespmem:v3+s14+$0x0], $0xffff;
	[tilespmem:s28+$0xFFFFFF90] =	vst v19  }
0x8c: {  	v11 =	vld.idx.msk [tilespmem:v3+s15+$0x0], $0xffff;
	[tilespmem:s28+$0x10] =	vst v9  }
0x8d: {  	v9 =	vld.idx.msk [tilespmem:v3+s16+$0x0], $0xffff;
	[tilespmem:s28+$0x90] =	vst v10  }
0x8e: {  	v10 =	vld.idx.msk [tilespmem:v3+s17+$0x0], $0xffff;
	[tilespmem:s28+$0x110] =	vst v4  }
0x8f: {  	v3 =	vld.idx.msk [tilespmem:v3+s18+$0x0], $0xffff;
	[tilespmem:s28+$0x190] =	vst v12  }
0x90: {  	v4 =	vld.idx.msk [tilespmem:v7+s3+$0x0], $0xffff;
	[tilespmem:s28+$0xFFFFFE20] =	vst v14  }
0x91: {  	v12 =	vld.idx.msk [tilespmem:v7+s12+$0x0], $0xffff;
	[tilespmem:s28+$0xFFFFFEA0] =	vst v18  }
0x92: {  	v13 =	vand.u32 $0xFFFFFC00, v13;
	v14 =	vld.idx.msk [tilespmem:v7+s13+$0x0], $0xffff;
	[tilespmem:s28+$0xFFFFFF20] =	vst v16  }
0x93: {  	v5 =	vor.u32 v5, v13;
	v16 =	vld.idx.msk [tilespmem:v7+s14+$0x0], $0xffff;
	[tilespmem:s28+$0xFFFFFFA0] =	vst v17  }
0x94: {  	v13 =	vld.idx.msk [tilespmem:v7+s15+$0x0], $0xffff;
	[tilespmem:s28+$0x20] =	vst v11  }
0x95: {  	v11 =	vld.idx.msk [tilespmem:v7+s16+$0x0], $0xffff;
	[tilespmem:s28+$0xA0] =	vst v9  }
0x96: {  	v9 =	vld.idx.msk [tilespmem:v7+s17+$0x0], $0xffff;
	[tilespmem:s28+$0x120] =	vst v10  }
0x97: {  	v7 =	vld.idx.msk [tilespmem:v7+s18+$0x0], $0xffff;
	[tilespmem:s28+$0x1A0] =	vst v3  }
0x98: {  	v3 =	vld.idx.msk [tilespmem:v5+s3+$0x0], $0xffff;
	[tilespmem:s28+$0xFFFFFE30] =	vst v4  }
0x99: {  	v4 =	vld.idx.msk [tilespmem:v5+s12+$0x0], $0xffff;
	[tilespmem:s28+$0xFFFFFEB0] =	vst v12  }
0x9a: {  	v10 =	vand.u32 $0xFFFFFC00, v15;
	v12 =	vld.idx.msk [tilespmem:v5+s13+$0x0], $0xffff;
	[tilespmem:s28+$0xFFFFFF30] =	vst v14  }
0x9b: {  	v8 =	vor.u32 v8, v10;
	v14 =	vld.idx.msk [tilespmem:v5+s14+$0x0], $0xffff;
	[tilespmem:s28+$0xFFFFFFB0] =	vst v16  }
0x9c: {  	v10 =	vld.idx.msk [tilespmem:v5+s15+$0x0], $0xffff;
	[tilespmem:s28+$0x30] =	vst v13  }
0x9d: {  	v13 =	vld.idx.msk [tilespmem:v5+s16+$0x0], $0xffff;
	[tilespmem:s28+$0xB0] =	vst v11  }
0x9e: {  	v11 =	vld.idx.msk [tilespmem:v5+s17+$0x0], $0xffff;
	[tilespmem:s28+$0x130] =	vst v9  }
0x9f: {  	v5 =	vld.idx.msk [tilespmem:v5+s18+$0x0], $0xffff;
	[tilespmem:s28+$0x1B0] =	vst v7  }
0xa0: {  	v7 =	vld.idx.msk [tilespmem:v8+s3+$0x0], $0xffff;
	[tilespmem:s28+$0xFFFFFE40] =	vst v3  }
0xa1: {  	v3 =	vld.idx.msk [tilespmem:v8+s12+$0x0], $0xffff;
	[tilespmem:s28+$0xFFFFFEC0] =	vst v4  }
0xa2: {  	v4 =	vand.u32 $0xFFFFFC00, v6;
	v6 =	vld.idx.msk [tilespmem:v8+s13+$0x0], $0xffff;
	[tilespmem:s28+$0xFFFFFF40] =	vst v12  }
0xa3: {  	v2 =	vor.u32 v2, v4;
	v9 =	vld.idx.msk [tilespmem:v8+s14+$0x0], $0xffff;
	[tilespmem:s28+$0xFFFFFFC0] =	vst v14  }
0xa4: {  	v4 =	vld.idx.msk [tilespmem:v8+s15+$0x0], $0xffff;
	[tilespmem:s28+$0x40] =	vst v10  }
0xa5: {  	v10 =	vld.idx.msk [tilespmem:v8+s16+$0x0], $0xffff;
	[tilespmem:s28+$0xC0] =	vst v13  }
0xa6: {  	v12 =	vld.idx.msk [tilespmem:v8+s17+$0x0], $0xffff;
	[tilespmem:s28+$0x140] =	vst v11  }
0xa7: {  	v8 =	vld.idx.msk [tilespmem:v8+s18+$0x0], $0xffff;
	[tilespmem:s28+$0x1C0] =	vst v5  }
0xa8: {  	v5 =	vld.idx.msk [tilespmem:v2+s3+$0x0], $0xffff;
	[tilespmem:s28+$0xFFFFFE50] =	vst v7  }
0xa9: {  	v11 =	vld.idx.msk [tilespmem:v2+s12+$0x0], $0xffff;
	[tilespmem:s28+$0xFFFFFED0] =	vst v3  }
0xaa: {  	v1 =	vand.u32 $0xFFFFFC00, v1;
	v3 =	vld.idx.msk [tilespmem:v2+s13+$0x0], $0xffff;
	[tilespmem:s28+$0xFFFFFF50] =	vst v6  }
0xab: {  	v13 =	vld.idx.msk [tilespmem:v2+s14+$0x0], $0xffff;
	[tilespmem:s28+$0xFFFFFFD0] =	vst v9;
	v9 =	vor.u32 v0, v1  }
0xac: {  	v0 =	vld.idx.msk [tilespmem:v2+s15+$0x0], $0xffff;
	[tilespmem:s28+$0x50] =	vst v4  }
0xad: {  	v1 =	vld.idx.msk [tilespmem:v2+s16+$0x0], $0xffff;
	[tilespmem:s28+$0xD0] =	vst v10  }
0xae: {  	v10 =	vld.idx.msk [tilespmem:v2+s17+$0x0], $0xffff;
	[tilespmem:s28+$0x150] =	vst v12  }
0xaf: {  	v12 =	vld.idx.msk [tilespmem:v2+s18+$0x0], $0xffff;
	[tilespmem:s28+$0x1D0] =	vst v8  }
0xb0: {  	v6 =	vld.idx.msk [tilespmem:v9+s3+$0x0], $0xffff;
	[tilespmem:s28+$0xFFFFFE60] =	vst v5  }
0xb1: {  	v7 =	vld.idx.msk [tilespmem:v9+s12+$0x0], $0xffff;
	[tilespmem:s28+$0xFFFFFEE0] =	vst v11  }
0xb2: {  	v5 =	vld.idx.msk [tilespmem:v9+s13+$0x0], $0xffff;
	[tilespmem:s28+$0xFFFFFF60] =	vst v3  }
0xb3: {  	v4 =	vld.idx.msk [tilespmem:v9+s14+$0x0], $0xffff;
	[tilespmem:s28+$0xFFFFFFE0] =	vst v13  }
0xb4: {  	v2 =	vld.idx.msk [tilespmem:v9+s15+$0x0], $0xffff;
	[tilespmem:s28+$0x60] =	vst v0  }
0xb5: {  	v0 =	vld.idx.msk [tilespmem:v9+s16+$0x0], $0xffff;
	[tilespmem:s28+$0xE0] =	vst v1  }
.Ltmp0:
0xb6: {  	v1 =	vld.idx.msk [tilespmem:v9+s17+$0x0], $0xffff;
	[tilespmem:s28+$0x160] =	vst v10;
	(pc) =	sbr.rel @p1 .LBB2_3-.Ltmp0, $4  }
0xb7: {  	s29 =	sadd.s32 $0x400, s29;
	v3 =	vld.idx.msk [tilespmem:v9+s18+$0x0], $0xffff;
	[tilespmem:s28+$0x1E0] =	vst v12  }
0xb8: {  	v8 =	vld [tilespmem:s29+$0xFFFFFFC0]  }
0xb9: {  	s31 =	smax.u32 s30, $0x1  }
0xba: {  	s30 =	sadd.s32 $0x1, s30;
	s31 =	sshll.u32 s31, $0xA  }
0xbb: {  	s30 =	sand.u32 $0x3FFFFC00, s31  }
0xbc: {  	[tilespmem:s30+$0x17C70] =	vst v6  }
0xbd: {  	v6 =	vld [tilespmem:s29+$0xFFFFFFD0];
	[tilespmem:s30+$0x17CF0] =	vst v7  }
0xbe: {  	v7 =	vld [tilespmem:s29+$0xFFFFFFE0];
	[tilespmem:s30+$0x17D70] =	vst v5  }
0xbf: {  	v9 =	vshll.u32 v8, $0x3;
	v5 =	vld [tilespmem:s29+$0xFFFFFFF0];
	[tilespmem:s30+$0x17DF0] =	vst v4  }
0xc0: {  	v4 =	vld [tilespmem:s29+$0x0];
	[tilespmem:s30+$0x17E70] =	vst v2;
	v2 =	vand.u32 $0x7F, v8;
	v8 =	vand.u32 $0xFFFFFC00, v9  }
0xc1: {  	v2 =	vor.u32 v2, v8;
	_ =	sdelay $0x1  }
0xc2: {  	v9 =	vld [tilespmem:s29+$0x10];
	[tilespmem:s30+$0x17EF0] =	vst v0  }
0xc3: {  	v0 =	vld [tilespmem:s29+$0x20];
	[tilespmem:s30+$0x17F70] =	vst v1  }
0xc4: {  	v1 =	vld [tilespmem:s29+$0x30];
	[tilespmem:s30+$0x17FF0] =	vst v3  }
0xc5: {  	v3 =	vld.idx.msk [tilespmem:v2+s17+$0x0], $0xffff  }
0xc6: {  	v8 =	vshll.u32 v6, $0x3;
	v10 =	vld.idx.msk [tilespmem:v2+s18+$0x0], $0xffff  }
0xc7: {  	v6 =	vand.u32 $0x7F, v6;
	v8 =	vand.u32 $0xFFFFFC00, v8;
	v11 =	vld.idx.msk [tilespmem:v2+s3+$0x0], $0xffff  }
0xc8: {  	v6 =	vor.u32 v6, v8;
	v12 =	vld.idx.msk [tilespmem:v2+s12+$0x0], $0xffff  }
0xc9: {  	v8 =	vld.idx.msk [tilespmem:v2+s13+$0x0], $0xffff  }
0xca: {  	v13 =	vld.idx.msk [tilespmem:v2+s14+$0x0], $0xffff  }
0xcb: {  	v14 =	vld.idx.msk [tilespmem:v2+s15+$0x0], $0xffff  }
0xcc: {  	s28 =	sadd.s32 $0x400, s28;
	v2 =	vld.idx.msk [tilespmem:v2+s16+$0x0], $0xffff  }
0xcd: {  	v15 =	vld.idx.msk [tilespmem:v6+s3+$0x0], $0xffff;
	[tilespmem:s28+$0xFFFFFE00] =	vst v11  }
0xce: {  	v16 =	vshll.u32 v7, $0x3;
	v11 =	vld.idx.msk [tilespmem:v6+s12+$0x0], $0xffff;
	[tilespmem:s28+$0xFFFFFE80] =	vst v12  }
0xcf: {  	v7 =	vand.u32 $0x7F, v7;
	v39 =	vand.u32 $0xFFFFFC00, v16;
	v12 =	vld.idx.msk [tilespmem:v6+s13+$0x0], $0xffff;
	[tilespmem:s28+$0xFFFFFF00] =	vst v8  }
0xd0: {  	v7 =	vor.u32 v7, v39;
	v8 =	vld.idx.msk [tilespmem:v6+s14+$0x0], $0xffff;
	[tilespmem:s28+$0xFFFFFF80] =	vst v13  }
0xd1: {  	v13 =	vld.idx.msk [tilespmem:v6+s15+$0x0], $0xffff;
	[tilespmem:s28+$0x0] =	vst v14  }
0xd2: {  	v40 =	vld.idx.msk [tilespmem:v6+s16+$0x0], $0xffff;
	[tilespmem:s28+$0x80] =	vst v2  }
0xd3: {  	v2 =	vld.idx.msk [tilespmem:v6+s17+$0x0], $0xffff;
	[tilespmem:s28+$0x100] =	vst v3  }
0xd4: {  	v3 =	vld.idx.msk [tilespmem:v6+s18+$0x0], $0xffff;
	[tilespmem:s28+$0x180] =	vst v10  }
0xd5: {  	v6 =	vld.idx.msk [tilespmem:v7+s3+$0x0], $0xffff;
	[tilespmem:s28+$0xFFFFFE10] =	vst v15  }
0xd6: {  	v41 =	vshll.u32 v5, $0x3;
	v10 =	vld.idx.msk [tilespmem:v7+s12+$0x0], $0xffff;
	[tilespmem:s28+$0xFFFFFE90] =	vst v11  }
0xd7: {  	v5 =	vand.u32 $0x7F, v5;
	v42 =	vand.u32 $0xFFFFFC00, v41;
	v11 =	vld.idx.msk [tilespmem:v7+s13+$0x0], $0xffff;
	[tilespmem:s28+$0xFFFFFF10] =	vst v12  }
0xd8: {  	v5 =	vor.u32 v5, v42;
	v12 =	vld.idx.msk [tilespmem:v7+s14+$0x0], $0xffff;
	[tilespmem:s28+$0xFFFFFF90] =	vst v8  }
0xd9: {  	v8 =	vld.idx.msk [tilespmem:v7+s15+$0x0], $0xffff;
	[tilespmem:s28+$0x10] =	vst v13  }
0xda: {  	v43 =	vld.idx.msk [tilespmem:v7+s16+$0x0], $0xffff;
	[tilespmem:s28+$0x90] =	vst v40  }
0xdb: {  	v44 =	vld.idx.msk [tilespmem:v7+s17+$0x0], $0xffff;
	[tilespmem:s28+$0x110] =	vst v2  }
0xdc: {  	v2 =	vld.idx.msk [tilespmem:v7+s18+$0x0], $0xffff;
	[tilespmem:s28+$0x190] =	vst v3  }
0xdd: {  	v3 =	vld.idx.msk [tilespmem:v5+s3+$0x0], $0xffff;
	[tilespmem:s28+$0xFFFFFE20] =	vst v6  }
0xde: {  	v6 =	vld.idx.msk [tilespmem:v5+s12+$0x0], $0xffff;
	[tilespmem:s28+$0xFFFFFEA0] =	vst v10  }
0xdf: {  	v7 =	vld.idx.msk [tilespmem:v5+s13+$0x0], $0xffff;
	[tilespmem:s28+$0xFFFFFF20] =	vst v11  }
0xe0: {  	v45 =	vshll.u32 v4, $0x3;
	v10 =	vld.idx.msk [tilespmem:v5+s14+$0x0], $0xffff;
	[tilespmem:s28+$0xFFFFFFA0] =	vst v12  }
0xe1: {  	v4 =	vand.u32 $0x7F, v4;
	v11 =	vld.idx.msk [tilespmem:v5+s15+$0x0], $0xffff;
	[tilespmem:s28+$0x20] =	vst v8;
	v8 =	vand.u32 $0xFFFFFC00, v45  }
0xe2: {  	v4 =	vor.u32 v4, v8;
	_ =	sdelay $0x1  }
0xe3: {  	v46 =	vld.idx.msk [tilespmem:v5+s16+$0x0], $0xffff;
	[tilespmem:s28+$0xA0] =	vst v43  }
0xe4: {  	v8 =	vld.idx.msk [tilespmem:v5+s17+$0x0], $0xffff;
	[tilespmem:s28+$0x120] =	vst v44  }
0xe5: {  	v5 =	vld.idx.msk [tilespmem:v5+s18+$0x0], $0xffff;
	[tilespmem:s28+$0x1A0] =	vst v2  }
0xe6: {  	v2 =	vld.idx.msk [tilespmem:v4+s3+$0x0], $0xffff;
	[tilespmem:s28+$0xFFFFFE30] =	vst v3  }
0xe7: {  	v3 =	vld.idx.msk [tilespmem:v4+s12+$0x0], $0xffff;
	[tilespmem:s28+$0xFFFFFEB0] =	vst v6  }
0xe8: {  	v6 =	vld.idx.msk [tilespmem:v4+s13+$0x0], $0xffff;
	[tilespmem:s28+$0xFFFFFF30] =	vst v7  }
0xe9: {  	v47 =	vshll.u32 v9, $0x3;
	v7 =	vld.idx.msk [tilespmem:v4+s14+$0x0], $0xffff;
	[tilespmem:s28+$0xFFFFFFB0] =	vst v10  }
0xea: {  	v9 =	vand.u32 $0x7F, v9;
	v10 =	vld.idx.msk [tilespmem:v4+s15+$0x0], $0xffff;
	[tilespmem:s28+$0x30] =	vst v11;
	v11 =	vand.u32 $0xFFFFFC00, v47  }
0xeb: {  	v9 =	vor.u32 v9, v11;
	_ =	sdelay $0x1  }
0xec: {  	v48 =	vld.idx.msk [tilespmem:v4+s16+$0x0], $0xffff;
	[tilespmem:s28+$0xB0] =	vst v46  }
0xed: {  	v11 =	vld.idx.msk [tilespmem:v4+s17+$0x0], $0xffff;
	[tilespmem:s28+$0x130] =	vst v8  }
0xee: {  	v4 =	vld.idx.msk [tilespmem:v4+s18+$0x0], $0xffff;
	[tilespmem:s28+$0x1B0] =	vst v5  }
0xef: {  	v5 =	vld.idx.msk [tilespmem:v9+s3+$0x0], $0xffff;
	[tilespmem:s28+$0xFFFFFE40] =	vst v2  }
0xf0: {  	v8 =	vshll.u32 v0, $0x3;
	v2 =	vld.idx.msk [tilespmem:v9+s12+$0x0], $0xffff;
	[tilespmem:s28+$0xFFFFFEC0] =	vst v3  }
0xf1: {  	v0 =	vand.u32 $0x7F, v0;
	v8 =	vand.u32 $0xFFFFFC00, v8;
	v3 =	vld.idx.msk [tilespmem:v9+s13+$0x0], $0xffff;
	[tilespmem:s28+$0xFFFFFF40] =	vst v6  }
0xf2: {  	v0 =	vor.u32 v0, v8;
	v6 =	vld.idx.msk [tilespmem:v9+s14+$0x0], $0xffff;
	[tilespmem:s28+$0xFFFFFFC0] =	vst v7  }
0xf3: {  	v7 =	vld.idx.msk [tilespmem:v9+s15+$0x0], $0xffff;
	[tilespmem:s28+$0x40] =	vst v10  }
0xf4: {  	v10 =	vld.idx.msk [tilespmem:v9+s16+$0x0], $0xffff;
	[tilespmem:s28+$0xC0] =	vst v48  }
0xf5: {  	v8 =	vld.idx.msk [tilespmem:v9+s17+$0x0], $0xffff;
	[tilespmem:s28+$0x140] =	vst v11  }
0xf6: {  	v9 =	vld.idx.msk [tilespmem:v9+s18+$0x0], $0xffff;
	[tilespmem:s28+$0x1C0] =	vst v4  }
0xf7: {  	v4 =	vld.idx.msk [tilespmem:v0+s3+$0x0], $0xffff;
	[tilespmem:s28+$0xFFFFFE50] =	vst v5  }
0xf8: {  	v5 =	vld.idx.msk [tilespmem:v0+s12+$0x0], $0xffff;
	[tilespmem:s28+$0xFFFFFED0] =	vst v2  }
0xf9: {  	v2 =	vld.idx.msk [tilespmem:v0+s13+$0x0], $0xffff;
	[tilespmem:s28+$0xFFFFFF50] =	vst v3  }
0xfa: {  	v11 =	vshll.u32 v1, $0x3;
	v3 =	vld.idx.msk [tilespmem:v0+s14+$0x0], $0xffff;
	[tilespmem:s28+$0xFFFFFFD0] =	vst v6  }
0xfb: {  	v1 =	vand.u32 $0x7F, v1;
	v6 =	vld.idx.msk [tilespmem:v0+s15+$0x0], $0xffff;
	[tilespmem:s28+$0x50] =	vst v7;
	v7 =	vand.u32 $0xFFFFFC00, v11  }
0xfc: {  	v1 =	vor.u32 v1, v7;
	_ =	sdelay $0x1  }
0xfd: {  	v11 =	vld.idx.msk [tilespmem:v0+s16+$0x0], $0xffff;
	[tilespmem:s28+$0xD0] =	vst v10  }
0xfe: {  	v7 =	vld.idx.msk [tilespmem:v0+s17+$0x0], $0xffff;
	[tilespmem:s28+$0x150] =	vst v8  }
0xff: {  	v0 =	vld.idx.msk [tilespmem:v0+s18+$0x0], $0xffff;
	[tilespmem:s28+$0x1D0] =	vst v9  }
0x100: {  	v8 =	vld.idx.msk [tilespmem:v1+s3+$0x0], $0xffff;
	[tilespmem:s28+$0xFFFFFE60] =	vst v4  }
0x101: {  	v4 =	vld.idx.msk [tilespmem:v1+s12+$0x0], $0xffff;
	[tilespmem:s28+$0xFFFFFEE0] =	vst v5  }
0x102: {  	v5 =	vld.idx.msk [tilespmem:v1+s13+$0x0], $0xffff;
	[tilespmem:s28+$0xFFFFFF60] =	vst v2  }
0x103: {  	v2 =	vld.idx.msk [tilespmem:v1+s14+$0x0], $0xffff;
	[tilespmem:s28+$0xFFFFFFE0] =	vst v3  }
0x104: {  	v3 =	vld.idx.msk [tilespmem:v1+s15+$0x0], $0xffff;
	[tilespmem:s28+$0x60] =	vst v6  }
0x105: {  	v6 =	vld.idx.msk [tilespmem:v1+s16+$0x0], $0xffff;
	[tilespmem:s28+$0xE0] =	vst v11  }
0x106: {  	v9 =	vld.idx.msk [tilespmem:v1+s17+$0x0], $0xffff;
	[tilespmem:s28+$0x160] =	vst v7  }
0x107: {  	v1 =	vld.idx.msk [tilespmem:v1+s18+$0x0], $0xffff;
	[tilespmem:s28+$0x1E0] =	vst v0  }
0x108: {  	[tilespmem:$0x19C70] =	vst v8  }
0x109: {  	[tilespmem:$0x19CF0] =	vst v4  }
0x10a: {  	[tilespmem:$0x19D70] =	vst v5  }
0x10b: {  	s30 =	sshll.u32 s25, $0x1;
	[tilespmem:$0x19DF0] =	vst v2  }
0x10c: {  	s28 =	sadd.s32 s6, s30;
	[tilespmem:$0x19E70] =	vst v3  }
0x10d: {  	s28 =	sshll.u32 s28, $0xC;
	[tilespmem:$0x19EF0] =	vst v6  }
0x10e: {  	s28 =	sadd.s32 s2, s28;
	[tilespmem:$0x19F70] =	vst v9  }
0x10f: {  	s28 =	sadd.s32 s7, s28;
	[tilespmem:$0x19FF0] =	vst v1  }
0x110: {  	[hbm4b:s28+s3] =	stream.linear.scatter [tilespmem:s19], [sflag:$0x1], $0x2000, $0x38;
	[tilespmem:$0x1C000] =	vst v63  }
0x111: {  	s28 =	simm.s32 @!p0 $0x2  }
0x112: {  	_ =	swait.ge @!p0 [sflag:s28], $0x2000  }
0x113: {  	[sflag:s28] =	ssyncset.done @!p0 $0x0  }
0x114: {  	[sflag:s28] =	ssyncadd.s32 @!p0 $0xFFFFE000  }
0x115: {  	s29 =	simm.s32 $0x0;
	v1 =	vld [tilespmem:s26+$0xFFFFFF90]  }
0x116: {  	s29 =	smax.u32 s29, $0x1  }
0x117: {  	s28 =	sshll.u32 s29, $0xA  }
0x118: {  	v0 =	vimm.f32 $0.0e+00;
	s28 =	sand.u32 $0x3FFFFC00, s28  }
0x119: {  	[tilespmem:s28+$0x19C70] =	vst v0  }
0x11a: {  	v2 =	vld [tilespmem:s26+$0xFFFFFFA0];
	[tilespmem:s28+$0x19CF0] =	vst v0;
	v6 =	vshll.u32 v1, $0x3  }
0x11b: {  	v3 =	vld [tilespmem:s26+$0xFFFFFFB0];
	[tilespmem:s28+$0x19D70] =	vst v0;
	v1 =	vand.u32 $0x7F, v1;
	v6 =	vand.u32 $0xFFFFFC00, v6  }
0x11c: {  	v4 =	vld [tilespmem:s26+$0xFFFFFFC0];
	[tilespmem:s28+$0x19DF0] =	vst v0;
	v1 =	vor.u32 v1, v6  }
0x11d: {  	v5 =	vld [tilespmem:s26+$0xFFFFFFD0];
	[tilespmem:s28+$0x19E70] =	vst v0  }
0x11e: {  	v7 =	vld [tilespmem:s26+$0xFFFFFFE0];
	[tilespmem:s28+$0x19EF0] =	vst v0  }
0x11f: {  	v6 =	vld [tilespmem:s26+$0xFFFFFFF0];
	[tilespmem:s28+$0x19F70] =	vst v0  }
0x120: {  	v8 =	vld [tilespmem:s26+$0x0];
	[tilespmem:s28+$0x19FF0] =	vst v0  }
0x121: {  	v0 =	vld.idx.msk [tilespmem:v1+s17+$0x0], $0xffff  }
0x122: {  	v9 =	vshll.u32 v2, $0x3;
	v10 =	vld.idx.msk [tilespmem:v1+s18+$0x0], $0xffff  }
0x123: {  	v2 =	vand.u32 $0x7F, v2;
	v9 =	vand.u32 $0xFFFFFC00, v9;
	v11 =	vld.idx.msk [tilespmem:v1+s3+$0x0], $0xffff  }
0x124: {  	v2 =	vor.u32 v2, v9;
	v49 =	vld.idx.msk [tilespmem:v1+s12+$0x0], $0xffff  }
0x125: {  	v9 =	vld.idx.msk [tilespmem:v1+s13+$0x0], $0xffff  }
0x126: {  	v50 =	vld.idx.msk [tilespmem:v1+s14+$0x0], $0xffff  }
0x127: {  	v51 =	vld.idx.msk [tilespmem:v1+s15+$0x0], $0xffff  }
0x128: {  	s28 =	simm.s32 $0x1A3E0;
	v1 =	vld.idx.msk [tilespmem:v1+s16+$0x0], $0xffff  }
0x129: {  	v52 =	vld.idx.msk [tilespmem:v2+s3+$0x0], $0xffff;
	[tilespmem:s28+$0xFFFFFC20] =	vst v11  }
0x12a: {  	v53 =	vshll.u32 v3, $0x3;
	v11 =	vld.idx.msk [tilespmem:v2+s12+$0x0], $0xffff;
	[tilespmem:s28+$0xFFFFFCA0] =	vst v49  }
0x12b: {  	v3 =	vand.u32 $0x7F, v3;
	v54 =	vand.u32 $0xFFFFFC00, v53;
	v12 =	vld.idx.msk [tilespmem:v2+s13+$0x0], $0xffff;
	[tilespmem:s28+$0xFFFFFD20] =	vst v9  }
0x12c: {  	v3 =	vor.u32 v3, v54;
	v9 =	vld.idx.msk [tilespmem:v2+s14+$0x0], $0xffff;
	[tilespmem:s28+$0xFFFFFDA0] =	vst v50  }
0x12d: {  	v13 =	vld.idx.msk [tilespmem:v2+s15+$0x0], $0xffff;
	[tilespmem:s28+$0xFFFFFE20] =	vst v51  }
0x12e: {  	v55 =	vld.idx.msk [tilespmem:v2+s16+$0x0], $0xffff;
	[tilespmem:s28+$0xFFFFFEA0] =	vst v1  }
0x12f: {  	v1 =	vld.idx.msk [tilespmem:v2+s17+$0x0], $0xffff;
	[tilespmem:s28+$0xFFFFFF20] =	vst v0  }
0x130: {  	v0 =	vld.idx.msk [tilespmem:v2+s18+$0x0], $0xffff;
	[tilespmem:s28+$0xFFFFFFA0] =	vst v10  }
0x131: {  	v2 =	vld.idx.msk [tilespmem:v3+s3+$0x0], $0xffff;
	[tilespmem:s28+$0xFFFFFC30] =	vst v52  }
0x132: {  	v56 =	vshll.u32 v4, $0x3;
	v10 =	vld.idx.msk [tilespmem:v3+s12+$0x0], $0xffff;
	[tilespmem:s28+$0xFFFFFCB0] =	vst v11  }
0x133: {  	v4 =	vand.u32 $0x7F, v4;
	v57 =	vand.u32 $0xFFFFFC00, v56;
	v11 =	vld.idx.msk [tilespmem:v3+s13+$0x0], $0xffff;
	[tilespmem:s28+$0xFFFFFD30] =	vst v12  }
0x134: {  	v4 =	vor.u32 v4, v57;
	v12 =	vld.idx.msk [tilespmem:v3+s14+$0x0], $0xffff;
	[tilespmem:s28+$0xFFFFFDB0] =	vst v9  }
0x135: {  	v9 =	vld.idx.msk [tilespmem:v3+s15+$0x0], $0xffff;
	[tilespmem:s28+$0xFFFFFE30] =	vst v13  }
0x136: {  	v58 =	vld.idx.msk [tilespmem:v3+s16+$0x0], $0xffff;
	[tilespmem:s28+$0xFFFFFEB0] =	vst v55  }
0x137: {  	v59 =	vld.idx.msk [tilespmem:v3+s17+$0x0], $0xffff;
	[tilespmem:s28+$0xFFFFFF30] =	vst v1  }
0x138: {  	v1 =	vld.idx.msk [tilespmem:v3+s18+$0x0], $0xffff;
	[tilespmem:s28+$0xFFFFFFB0] =	vst v0  }
0x139: {  	v0 =	vld.idx.msk [tilespmem:v4+s3+$0x0], $0xffff;
	[tilespmem:s28+$0xFFFFFC40] =	vst v2  }
0x13a: {  	v2 =	vld.idx.msk [tilespmem:v4+s12+$0x0], $0xffff;
	[tilespmem:s28+$0xFFFFFCC0] =	vst v10  }
0x13b: {  	v3 =	vld.idx.msk [tilespmem:v4+s13+$0x0], $0xffff;
	[tilespmem:s28+$0xFFFFFD40] =	vst v11  }
0x13c: {  	v60 =	vshll.u32 v5, $0x3;
	v10 =	vld.idx.msk [tilespmem:v4+s14+$0x0], $0xffff;
	[tilespmem:s28+$0xFFFFFDC0] =	vst v12  }
0x13d: {  	v5 =	vand.u32 $0x7F, v5;
	v11 =	vld.idx.msk [tilespmem:v4+s15+$0x0], $0xffff;
	[tilespmem:s28+$0xFFFFFE40] =	vst v9;
	v9 =	vand.u32 $0xFFFFFC00, v60  }
0x13e: {  	v5 =	vor.u32 v5, v9;
	_ =	sdelay $0x1  }
0x13f: {  	v61 =	vld.idx.msk [tilespmem:v4+s16+$0x0], $0xffff;
	[tilespmem:s28+$0xFFFFFEC0] =	vst v58  }
0x140: {  	v9 =	vld.idx.msk [tilespmem:v4+s17+$0x0], $0xffff;
	[tilespmem:s28+$0xFFFFFF40] =	vst v59  }
0x141: {  	v4 =	vld.idx.msk [tilespmem:v4+s18+$0x0], $0xffff;
	[tilespmem:s28+$0xFFFFFFC0] =	vst v1  }
0x142: {  	v1 =	vld.idx.msk [tilespmem:v5+s3+$0x0], $0xffff;
	[tilespmem:s28+$0xFFFFFC50] =	vst v0  }
0x143: {  	v0 =	vld.idx.msk [tilespmem:v5+s12+$0x0], $0xffff;
	[tilespmem:s28+$0xFFFFFCD0] =	vst v2  }
0x144: {  	v2 =	vld.idx.msk [tilespmem:v5+s13+$0x0], $0xffff;
	[tilespmem:s28+$0xFFFFFD50] =	vst v3  }
0x145: {  	v62 =	vshll.u32 v7, $0x3;
	v3 =	vld.idx.msk [tilespmem:v5+s14+$0x0], $0xffff;
	[tilespmem:s28+$0xFFFFFDD0] =	vst v10  }
0x146: {  	v7 =	vand.u32 $0x7F, v7;
	v10 =	vld.idx.msk [tilespmem:v5+s15+$0x0], $0xffff;
	[tilespmem:s28+$0xFFFFFE50] =	vst v11;
	v11 =	vand.u32 $0xFFFFFC00, v62  }
0x147: {  	v7 =	vor.u32 v7, v11;
	_ =	sdelay $0x1  }
0x148: {  	v63 =	vld.idx.msk [tilespmem:v5+s16+$0x0], $0xffff;
	[tilespmem:s28+$0xFFFFFED0] =	vst v61  }
0x149: {  	v11 =	vld.idx.msk [tilespmem:v5+s17+$0x0], $0xffff;
	[tilespmem:s28+$0xFFFFFF50] =	vst v9  }
0x14a: {  	v5 =	vld.idx.msk [tilespmem:v5+s18+$0x0], $0xffff;
	[tilespmem:s28+$0xFFFFFFD0] =	vst v4  }
0x14b: {  	v4 =	vld.idx.msk [tilespmem:v7+s3+$0x0], $0xffff;
	[tilespmem:s28+$0xFFFFFC60] =	vst v1  }
0x14c: {  	v9 =	vshll.u32 v6, $0x3;
	v1 =	vld.idx.msk [tilespmem:v7+s12+$0x0], $0xffff;
	[tilespmem:s28+$0xFFFFFCE0] =	vst v0  }
0x14d: {  	v6 =	vand.u32 $0x7F, v6;
	v9 =	vand.u32 $0xFFFFFC00, v9;
	v0 =	vld.idx.msk [tilespmem:v7+s13+$0x0], $0xffff;
	[tilespmem:s28+$0xFFFFFD60] =	vst v2  }
0x14e: {  	v6 =	vor.u32 v6, v9;
	v2 =	vld.idx.msk [tilespmem:v7+s14+$0x0], $0xffff;
	[tilespmem:s28+$0xFFFFFDE0] =	vst v3  }
0x14f: {  	v3 =	vld.idx.msk [tilespmem:v7+s15+$0x0], $0xffff;
	[tilespmem:s28+$0xFFFFFE60] =	vst v10  }
0x150: {  	v10 =	vld.idx.msk [tilespmem:v7+s16+$0x0], $0xffff;
	[tilespmem:s28+$0xFFFFFEE0] =	vst v63  }
0x151: {  	v9 =	vld.idx.msk [tilespmem:v7+s17+$0x0], $0xffff;
	[tilespmem:s28+$0xFFFFFF60] =	vst v11  }
0x152: {  	v7 =	vld.idx.msk [tilespmem:v7+s18+$0x0], $0xffff;
	[tilespmem:s28+$0xFFFFFFE0] =	vst v5  }
0x153: {  	v5 =	vld.idx.msk [tilespmem:v6+s3+$0x0], $0xffff;
	[tilespmem:s28+$0xFFFFFC70] =	vst v4  }
0x154: {  	v4 =	vld.idx.msk [tilespmem:v6+s12+$0x0], $0xffff;
	[tilespmem:s28+$0xFFFFFCF0] =	vst v1  }
0x155: {  	v1 =	vld.idx.msk [tilespmem:v6+s13+$0x0], $0xffff;
	[tilespmem:s28+$0xFFFFFD70] =	vst v0  }
0x156: {  	v11 =	vshll.u32 v8, $0x3;
	v0 =	vld.idx.msk [tilespmem:v6+s14+$0x0], $0xffff;
	[tilespmem:s28+$0xFFFFFDF0] =	vst v2  }
0x157: {  	v2 =	vld.idx.msk [tilespmem:v6+s15+$0x0], $0xffff;
	[tilespmem:s28+$0xFFFFFE70] =	vst v3;
	v3 =	vand.u32 $0x7F, v8;
	v8 =	vand.u32 $0xFFFFFC00, v11  }
0x158: {  	v8 =	vor.u32 v3, v8;
	_ =	sdelay $0x1  }
0x159: {  	v11 =	vld.idx.msk [tilespmem:v6+s16+$0x0], $0xffff;
	[tilespmem:s28+$0xFFFFFEF0] =	vst v10  }
0x15a: {  	v10 =	vld.idx.msk [tilespmem:v6+s17+$0x0], $0xffff;
	[tilespmem:s28+$0xFFFFFF70] =	vst v9  }
0x15b: {  	v9 =	vld.idx.msk [tilespmem:v6+s18+$0x0], $0xffff;
	[tilespmem:s28+$0xFFFFFFF0] =	vst v7  }
0x15c: {  	v6 =	vld.idx.msk [tilespmem:v8+s3+$0x0], $0xffff;
	[tilespmem:s28+$0xFFFFFC80] =	vst v5  }
0x15d: {  	v7 =	vld.idx.msk [tilespmem:v8+s12+$0x0], $0xffff;
	[tilespmem:s28+$0xFFFFFD00] =	vst v4  }
0x15e: {  	v5 =	vld.idx.msk [tilespmem:v8+s13+$0x0], $0xffff;
	[tilespmem:s28+$0xFFFFFD80] =	vst v1  }
0x15f: {  	v4 =	vld.idx.msk [tilespmem:v8+s14+$0x0], $0xffff;
	[tilespmem:s28+$0xFFFFFE00] =	vst v0  }
0x160: {  	v3 =	vld.idx.msk [tilespmem:v8+s15+$0x0], $0xffff;
	[tilespmem:s28+$0xFFFFFE80] =	vst v2  }
0x161: {  	v0 =	vld.idx.msk [tilespmem:v8+s16+$0x0], $0xffff;
	[tilespmem:s28+$0xFFFFFF00] =	vst v11  }
0x162: {  	v1 =	vld.idx.msk [tilespmem:v8+s17+$0x0], $0xffff;
	[tilespmem:s28+$0xFFFFFF80] =	vst v10  }
0x163: {  	s29 =	sadd.s32 $0x400, s26;
	v2 =	vld.idx.msk [tilespmem:v8+s18+$0x0], $0xffff;
	[tilespmem:s28+$0x0] =	vst v9  }
0x164: {  	s31 =	simm.s32 $0x1;
	v8 =	vld [tilespmem:s29+$0xFFFFFF90]  }
0x165: {  	s31 =	smax.u32 s31, $0x1  }
0x166: {  	s31 =	sshll.u32 s31, $0xA;
	s26 =	sor.u32 $0x1, s30;
	s30 =	simm.s32 $0x2  }
.LBB2_5:
0x167: {  	p0 =	sne.s32 s30, $0x7;
	s31 =	sand.u32 $0x3FFFFC00, s31  }
0x168: {  	[tilespmem:s31+$0x19C70] =	vst v6  }
0x169: {  	v6 =	vld [tilespmem:s29+$0xFFFFFFA0];
	[tilespmem:s31+$0x19CF0] =	vst v7;
	v7 =	vshll.u32 v8, $0x3;
	v8 =	vand.u32 $0x7F, v8  }
0x16a: {  	v9 =	vld [tilespmem:s29+$0xFFFFFFB0];
	[tilespmem:s31+$0x19D70] =	vst v5;
	v5 =	vand.u32 $0xFFFFFC00, v7  }
0x16b: {  	v7 =	vld [tilespmem:s29+$0xFFFFFFC0];
	[tilespmem:s31+$0x19DF0] =	vst v4;
	v4 =	vor.u32 v8, v5  }
0x16c: {  	v5 =	vld [tilespmem:s29+$0xFFFFFFD0];
	[tilespmem:s31+$0x19E70] =	vst v3  }
0x16d: {  	v3 =	vld [tilespmem:s29+$0xFFFFFFE0];
	[tilespmem:s31+$0x19EF0] =	vst v0  }
0x16e: {  	v0 =	vld [tilespmem:s29+$0xFFFFFFF0];
	[tilespmem:s31+$0x19F70] =	vst v1  }
0x16f: {  	v8 =	vld [tilespmem:s29+$0x0];
	[tilespmem:s31+$0x19FF0] =	vst v2;
	v10 =	vshll.u32 v9, $0x3;
	v9 =	vand.u32 $0x7F, v9  }
0x170: {  	v11 =	vshll.u32 v7, $0x3;
	v12 =	vld.idx.msk [tilespmem:v4+s17+$0x0], $0xffff;
	v7 =	vand.u32 $0x7F, v7  }
0x171: {  	v1 =	vshll.u32 v6, $0x3;
	v13 =	vshll.u32 v5, $0x3;
	v14 =	vld.idx.msk [tilespmem:v4+s18+$0x0], $0xffff;
	v5 =	vand.u32 $0x7F, v5  }
0x172: {  	v1 =	vand.u32 $0xFFFFFC00, v1;
	v2 =	vand.u32 $0x7F, v6;
	v15 =	vshll.u32 v3, $0x3;
	v16 =	vld.idx.msk [tilespmem:v4+s3+$0x0], $0xffff  }
0x173: {  	v18 =	vor.u32 v2, v1;
	v6 =	vshll.u32 v0, $0x3;
	v17 =	vld.idx.msk [tilespmem:v4+s12+$0x0], $0xffff;
	v2 =	vand.u32 $0x7F, v0  }
0x174: {  	v3 =	vand.u32 $0x7F, v3;
	v1 =	vshll.u32 v8, $0x3;
	v19 =	vld.idx.msk [tilespmem:v4+s13+$0x0], $0xffff;
	v0 =	vand.u32 $0x7F, v8  }
0x175: {  	v8 =	vld.idx.msk [tilespmem:v4+s14+$0x0], $0xffff  }
0x176: {  	v20 =	vld.idx.msk [tilespmem:v4+s15+$0x0], $0xffff  }
0x177: {  	s28 =	sadd.s32 $0x400, s28;
	v4 =	vld.idx.msk [tilespmem:v4+s16+$0x0], $0xffff  }
0x178: {  	v21 =	vld.idx.msk [tilespmem:v18+s3+$0x0], $0xffff;
	[tilespmem:s28+$0xFFFFFC20] =	vst v16  }
0x179: {  	v16 =	vld.idx.msk [tilespmem:v18+s12+$0x0], $0xffff;
	[tilespmem:s28+$0xFFFFFCA0] =	vst v17  }
0x17a: {  	v10 =	vand.u32 $0xFFFFFC00, v10;
	v17 =	vld.idx.msk [tilespmem:v18+s13+$0x0], $0xffff;
	[tilespmem:s28+$0xFFFFFD20] =	vst v19  }
0x17b: {  	v19 =	vld.idx.msk [tilespmem:v18+s14+$0x0], $0xffff;
	[tilespmem:s28+$0xFFFFFDA0] =	vst v8;
	v8 =	vor.u32 v9, v10  }
0x17c: {  	v9 =	vld.idx.msk [tilespmem:v18+s15+$0x0], $0xffff;
	[tilespmem:s28+$0xFFFFFE20] =	vst v20  }
0x17d: {  	v10 =	vld.idx.msk [tilespmem:v18+s16+$0x0], $0xffff;
	[tilespmem:s28+$0xFFFFFEA0] =	vst v4  }
0x17e: {  	v4 =	vld.idx.msk [tilespmem:v18+s17+$0x0], $0xffff;
	[tilespmem:s28+$0xFFFFFF20] =	vst v12  }
0x17f: {  	v12 =	vld.idx.msk [tilespmem:v18+s18+$0x0], $0xffff;
	[tilespmem:s28+$0xFFFFFFA0] =	vst v14  }
0x180: {  	v14 =	vld.idx.msk [tilespmem:v8+s3+$0x0], $0xffff;
	[tilespmem:s28+$0xFFFFFC30] =	vst v21  }
0x181: {  	v18 =	vld.idx.msk [tilespmem:v8+s12+$0x0], $0xffff;
	[tilespmem:s28+$0xFFFFFCB0] =	vst v16  }
0x182: {  	v11 =	vand.u32 $0xFFFFFC00, v11;
	v16 =	vld.idx.msk [tilespmem:v8+s13+$0x0], $0xffff;
	[tilespmem:s28+$0xFFFFFD30] =	vst v17  }
0x183: {  	v7 =	vor.u32 v7, v11;
	v17 =	vld.idx.msk [tilespmem:v8+s14+$0x0], $0xffff;
	[tilespmem:s28+$0xFFFFFDB0] =	vst v19  }
0x184: {  	v11 =	vld.idx.msk [tilespmem:v8+s15+$0x0], $0xffff;
	[tilespmem:s28+$0xFFFFFE30] =	vst v9  }
0x185: {  	v9 =	vld.idx.msk [tilespmem:v8+s16+$0x0], $0xffff;
	[tilespmem:s28+$0xFFFFFEB0] =	vst v10  }
0x186: {  	v10 =	vld.idx.msk [tilespmem:v8+s17+$0x0], $0xffff;
	[tilespmem:s28+$0xFFFFFF30] =	vst v4  }
0x187: {  	v4 =	vld.idx.msk [tilespmem:v8+s18+$0x0], $0xffff;
	[tilespmem:s28+$0xFFFFFFB0] =	vst v12  }
0x188: {  	v8 =	vld.idx.msk [tilespmem:v7+s3+$0x0], $0xffff;
	[tilespmem:s28+$0xFFFFFC40] =	vst v14  }
0x189: {  	v12 =	vld.idx.msk [tilespmem:v7+s12+$0x0], $0xffff;
	[tilespmem:s28+$0xFFFFFCC0] =	vst v18  }
0x18a: {  	v13 =	vand.u32 $0xFFFFFC00, v13;
	v14 =	vld.idx.msk [tilespmem:v7+s13+$0x0], $0xffff;
	[tilespmem:s28+$0xFFFFFD40] =	vst v16  }
0x18b: {  	v5 =	vor.u32 v5, v13;
	v16 =	vld.idx.msk [tilespmem:v7+s14+$0x0], $0xffff;
	[tilespmem:s28+$0xFFFFFDC0] =	vst v17  }
0x18c: {  	v13 =	vld.idx.msk [tilespmem:v7+s15+$0x0], $0xffff;
	[tilespmem:s28+$0xFFFFFE40] =	vst v11  }
0x18d: {  	v11 =	vld.idx.msk [tilespmem:v7+s16+$0x0], $0xffff;
	[tilespmem:s28+$0xFFFFFEC0] =	vst v9  }
0x18e: {  	v9 =	vld.idx.msk [tilespmem:v7+s17+$0x0], $0xffff;
	[tilespmem:s28+$0xFFFFFF40] =	vst v10  }
0x18f: {  	v7 =	vld.idx.msk [tilespmem:v7+s18+$0x0], $0xffff;
	[tilespmem:s28+$0xFFFFFFC0] =	vst v4  }
0x190: {  	v4 =	vld.idx.msk [tilespmem:v5+s3+$0x0], $0xffff;
	[tilespmem:s28+$0xFFFFFC50] =	vst v8  }
0x191: {  	v8 =	vld.idx.msk [tilespmem:v5+s12+$0x0], $0xffff;
	[tilespmem:s28+$0xFFFFFCD0] =	vst v12  }
0x192: {  	v10 =	vand.u32 $0xFFFFFC00, v15;
	v12 =	vld.idx.msk [tilespmem:v5+s13+$0x0], $0xffff;
	[tilespmem:s28+$0xFFFFFD50] =	vst v14  }
0x193: {  	v3 =	vor.u32 v3, v10;
	v14 =	vld.idx.msk [tilespmem:v5+s14+$0x0], $0xffff;
	[tilespmem:s28+$0xFFFFFDD0] =	vst v16  }
0x194: {  	v10 =	vld.idx.msk [tilespmem:v5+s15+$0x0], $0xffff;
	[tilespmem:s28+$0xFFFFFE50] =	vst v13  }
0x195: {  	v13 =	vld.idx.msk [tilespmem:v5+s16+$0x0], $0xffff;
	[tilespmem:s28+$0xFFFFFED0] =	vst v11  }
0x196: {  	v11 =	vld.idx.msk [tilespmem:v5+s17+$0x0], $0xffff;
	[tilespmem:s28+$0xFFFFFF50] =	vst v9  }
0x197: {  	v5 =	vld.idx.msk [tilespmem:v5+s18+$0x0], $0xffff;
	[tilespmem:s28+$0xFFFFFFD0] =	vst v7  }
0x198: {  	v7 =	vld.idx.msk [tilespmem:v3+s3+$0x0], $0xffff;
	[tilespmem:s28+$0xFFFFFC60] =	vst v4  }
0x199: {  	v4 =	vld.idx.msk [tilespmem:v3+s12+$0x0], $0xffff;
	[tilespmem:s28+$0xFFFFFCE0] =	vst v8  }
0x19a: {  	v6 =	vand.u32 $0xFFFFFC00, v6;
	v8 =	vld.idx.msk [tilespmem:v3+s13+$0x0], $0xffff;
	[tilespmem:s28+$0xFFFFFD60] =	vst v12  }
0x19b: {  	v2 =	vor.u32 v2, v6;
	v9 =	vld.idx.msk [tilespmem:v3+s14+$0x0], $0xffff;
	[tilespmem:s28+$0xFFFFFDE0] =	vst v14  }
0x19c: {  	v6 =	vld.idx.msk [tilespmem:v3+s15+$0x0], $0xffff;
	[tilespmem:s28+$0xFFFFFE60] =	vst v10  }
0x19d: {  	v10 =	vld.idx.msk [tilespmem:v3+s16+$0x0], $0xffff;
	[tilespmem:s28+$0xFFFFFEE0] =	vst v13  }
0x19e: {  	v12 =	vld.idx.msk [tilespmem:v3+s17+$0x0], $0xffff;
	[tilespmem:s28+$0xFFFFFF60] =	vst v11  }
0x19f: {  	v3 =	vld.idx.msk [tilespmem:v3+s18+$0x0], $0xffff;
	[tilespmem:s28+$0xFFFFFFE0] =	vst v5  }
0x1a0: {  	v5 =	vld.idx.msk [tilespmem:v2+s3+$0x0], $0xffff;
	[tilespmem:s28+$0xFFFFFC70] =	vst v7  }
0x1a1: {  	v11 =	vld.idx.msk [tilespmem:v2+s12+$0x0], $0xffff;
	[tilespmem:s28+$0xFFFFFCF0] =	vst v4  }
0x1a2: {  	v1 =	vand.u32 $0xFFFFFC00, v1;
	v4 =	vld.idx.msk [tilespmem:v2+s13+$0x0], $0xffff;
	[tilespmem:s28+$0xFFFFFD70] =	vst v8  }
0x1a3: {  	v8 =	vld.idx.msk [tilespmem:v2+s14+$0x0], $0xffff;
	[tilespmem:s28+$0xFFFFFDF0] =	vst v9;
	v9 =	vor.u32 v0, v1  }
0x1a4: {  	v0 =	vld.idx.msk [tilespmem:v2+s15+$0x0], $0xffff;
	[tilespmem:s28+$0xFFFFFE70] =	vst v6  }
0x1a5: {  	v1 =	vld.idx.msk [tilespmem:v2+s16+$0x0], $0xffff;
	[tilespmem:s28+$0xFFFFFEF0] =	vst v10  }
0x1a6: {  	v10 =	vld.idx.msk [tilespmem:v2+s17+$0x0], $0xffff;
	[tilespmem:s28+$0xFFFFFF70] =	vst v12  }
0x1a7: {  	v12 =	vld.idx.msk [tilespmem:v2+s18+$0x0], $0xffff;
	[tilespmem:s28+$0xFFFFFFF0] =	vst v3  }
0x1a8: {  	v6 =	vld.idx.msk [tilespmem:v9+s3+$0x0], $0xffff;
	[tilespmem:s28+$0xFFFFFC80] =	vst v5  }
0x1a9: {  	v7 =	vld.idx.msk [tilespmem:v9+s12+$0x0], $0xffff;
	[tilespmem:s28+$0xFFFFFD00] =	vst v11  }
0x1aa: {  	v5 =	vld.idx.msk [tilespmem:v9+s13+$0x0], $0xffff;
	[tilespmem:s28+$0xFFFFFD80] =	vst v4  }
0x1ab: {  	v4 =	vld.idx.msk [tilespmem:v9+s14+$0x0], $0xffff;
	[tilespmem:s28+$0xFFFFFE00] =	vst v8  }
0x1ac: {  	v3 =	vld.idx.msk [tilespmem:v9+s15+$0x0], $0xffff;
	[tilespmem:s28+$0xFFFFFE80] =	vst v0  }
0x1ad: {  	v0 =	vld.idx.msk [tilespmem:v9+s16+$0x0], $0xffff;
	[tilespmem:s28+$0xFFFFFF00] =	vst v1  }
.Ltmp1:
0x1ae: {  	v1 =	vld.idx.msk [tilespmem:v9+s17+$0x0], $0xffff;
	[tilespmem:s28+$0xFFFFFF80] =	vst v10;
	(pc) =	sbr.rel @p0 .LBB2_5-.Ltmp1, $4  }
0x1af: {  	s29 =	sadd.s32 $0x400, s29;
	v2 =	vld.idx.msk [tilespmem:v9+s18+$0x0], $0xffff;
	[tilespmem:s28+$0x0] =	vst v12  }
0x1b0: {  	v8 =	vld [tilespmem:s29+$0xFFFFFF90]  }
0x1b1: {  	s31 =	smax.u32 s30, $0x1  }
0x1b2: {  	s30 =	sadd.s32 $0x1, s30;
	s31 =	sshll.u32 s31, $0xA  }
0x1b3: {  	s30 =	sand.u32 $0x3FFFFC00, s31  }
0x1b4: {  	[tilespmem:s30+$0x19C70] =	vst v6  }
0x1b5: {  	v6 =	vld [tilespmem:s29+$0xFFFFFFA0];
	[tilespmem:s30+$0x19CF0] =	vst v7  }
0x1b6: {  	v9 =	vshll.u32 v8, $0x3;
	v7 =	vld [tilespmem:s29+$0xFFFFFFB0];
	[tilespmem:s30+$0x19D70] =	vst v5  }
0x1b7: {  	v37 =	vand.u32 $0x7F, v8;
	v38 =	vand.u32 $0xFFFFFC00, v9;
	v5 =	vld [tilespmem:s29+$0xFFFFFFC0];
	[tilespmem:s30+$0x19DF0] =	vst v4  }
0x1b8: {  	v4 =	vld [tilespmem:s29+$0xFFFFFFD0];
	[tilespmem:s30+$0x19E70] =	vst v3;
	v3 =	vor.u32 v37, v38;
	_ =	sdelay $0x1  }
0x1b9: {  	v39 =	vld [tilespmem:s29+$0xFFFFFFE0];
	[tilespmem:s30+$0x19EF0] =	vst v0  }
0x1ba: {  	v0 =	vld [tilespmem:s29+$0xFFFFFFF0];
	[tilespmem:s30+$0x19F70] =	vst v1  }
0x1bb: {  	v1 =	vld [tilespmem:s29+$0x0];
	[tilespmem:s30+$0x19FF0] =	vst v2  }
0x1bc: {  	v2 =	vld.idx.msk [tilespmem:v3+s17+$0x0], $0xffff  }
0x1bd: {  	v40 =	vshll.u32 v6, $0x3;
	v10 =	vld.idx.msk [tilespmem:v3+s18+$0x0], $0xffff  }
0x1be: {  	v6 =	vand.u32 $0x7F, v6;
	v8 =	vand.u32 $0xFFFFFC00, v40;
	v11 =	vld.idx.msk [tilespmem:v3+s3+$0x0], $0xffff  }
0x1bf: {  	v6 =	vor.u32 v6, v8;
	v12 =	vld.idx.msk [tilespmem:v3+s12+$0x0], $0xffff  }
0x1c0: {  	v41 =	vld.idx.msk [tilespmem:v3+s13+$0x0], $0xffff  }
0x1c1: {  	v13 =	vld.idx.msk [tilespmem:v3+s14+$0x0], $0xffff  }
0x1c2: {  	v14 =	vld.idx.msk [tilespmem:v3+s15+$0x0], $0xffff  }
0x1c3: {  	s28 =	sadd.s32 $0x400, s28;
	v3 =	vld.idx.msk [tilespmem:v3+s16+$0x0], $0xffff  }
0x1c4: {  	v15 =	vld.idx.msk [tilespmem:v6+s3+$0x0], $0xffff;
	[tilespmem:s28+$0xFFFFFC20] =	vst v11  }
0x1c5: {  	v16 =	vshll.u32 v7, $0x3;
	v11 =	vld.idx.msk [tilespmem:v6+s12+$0x0], $0xffff;
	[tilespmem:s28+$0xFFFFFCA0] =	vst v12  }
0x1c6: {  	v7 =	vand.u32 $0x7F, v7;
	v42 =	vand.u32 $0xFFFFFC00, v16;
	v12 =	vld.idx.msk [tilespmem:v6+s13+$0x0], $0xffff;
	[tilespmem:s28+$0xFFFFFD20] =	vst v41  }
0x1c7: {  	v7 =	vor.u32 v7, v42;
	v8 =	vld.idx.msk [tilespmem:v6+s14+$0x0], $0xffff;
	[tilespmem:s28+$0xFFFFFDA0] =	vst v13  }
0x1c8: {  	v13 =	vld.idx.msk [tilespmem:v6+s15+$0x0], $0xffff;
	[tilespmem:s28+$0xFFFFFE20] =	vst v14  }
0x1c9: {  	v43 =	vld.idx.msk [tilespmem:v6+s16+$0x0], $0xffff;
	[tilespmem:s28+$0xFFFFFEA0] =	vst v3  }
0x1ca: {  	v3 =	vld.idx.msk [tilespmem:v6+s17+$0x0], $0xffff;
	[tilespmem:s28+$0xFFFFFF20] =	vst v2  }
0x1cb: {  	v2 =	vld.idx.msk [tilespmem:v6+s18+$0x0], $0xffff;
	[tilespmem:s28+$0xFFFFFFA0] =	vst v10  }
0x1cc: {  	v44 =	vld.idx.msk [tilespmem:v7+s3+$0x0], $0xffff;
	[tilespmem:s28+$0xFFFFFC30] =	vst v15  }
0x1cd: {  	v45 =	vshll.u32 v5, $0x3;
	v10 =	vld.idx.msk [tilespmem:v7+s12+$0x0], $0xffff;
	[tilespmem:s28+$0xFFFFFCB0] =	vst v11  }
0x1ce: {  	v5 =	vand.u32 $0x7F, v5;
	v46 =	vand.u32 $0xFFFFFC00, v45;
	v11 =	vld.idx.msk [tilespmem:v7+s13+$0x0], $0xffff;
	[tilespmem:s28+$0xFFFFFD30] =	vst v12  }
0x1cf: {  	v5 =	vor.u32 v5, v46;
	v12 =	vld.idx.msk [tilespmem:v7+s14+$0x0], $0xffff;
	[tilespmem:s28+$0xFFFFFDB0] =	vst v8  }
0x1d0: {  	v8 =	vld.idx.msk [tilespmem:v7+s15+$0x0], $0xffff;
	[tilespmem:s28+$0xFFFFFE30] =	vst v13  }
0x1d1: {  	v47 =	vld.idx.msk [tilespmem:v7+s16+$0x0], $0xffff;
	[tilespmem:s28+$0xFFFFFEB0] =	vst v43  }
0x1d2: {  	v48 =	vld.idx.msk [tilespmem:v7+s17+$0x0], $0xffff;
	[tilespmem:s28+$0xFFFFFF30] =	vst v3  }
0x1d3: {  	v3 =	vld.idx.msk [tilespmem:v7+s18+$0x0], $0xffff;
	[tilespmem:s28+$0xFFFFFFB0] =	vst v2  }
0x1d4: {  	v2 =	vld.idx.msk [tilespmem:v5+s3+$0x0], $0xffff;
	[tilespmem:s28+$0xFFFFFC40] =	vst v44  }
0x1d5: {  	v50 =	vshll.u32 v4, $0x3;
	v6 =	vld.idx.msk [tilespmem:v5+s12+$0x0], $0xffff;
	[tilespmem:s28+$0xFFFFFCC0] =	vst v10  }
0x1d6: {  	v4 =	vand.u32 $0x7F, v4;
	v51 =	vand.u32 $0xFFFFFC00, v50;
	v49 =	vld.idx.msk [tilespmem:v5+s13+$0x0], $0xffff;
	[tilespmem:s28+$0xFFFFFD40] =	vst v11  }
0x1d7: {  	v4 =	vor.u32 v4, v51;
	v10 =	vld.idx.msk [tilespmem:v5+s14+$0x0], $0xffff;
	[tilespmem:s28+$0xFFFFFDC0] =	vst v12  }
0x1d8: {  	v11 =	vld.idx.msk [tilespmem:v5+s15+$0x0], $0xffff;
	[tilespmem:s28+$0xFFFFFE40] =	vst v8  }
0x1d9: {  	v52 =	vld.idx.msk [tilespmem:v5+s16+$0x0], $0xffff;
	[tilespmem:s28+$0xFFFFFEC0] =	vst v47  }
0x1da: {  	v53 =	vld.idx.msk [tilespmem:v5+s17+$0x0], $0xffff;
	[tilespmem:s28+$0xFFFFFF40] =	vst v48  }
0x1db: {  	v5 =	vld.idx.msk [tilespmem:v5+s18+$0x0], $0xffff;
	[tilespmem:s28+$0xFFFFFFC0] =	vst v3  }
0x1dc: {  	v3 =	vld.idx.msk [tilespmem:v4+s3+$0x0], $0xffff;
	[tilespmem:s28+$0xFFFFFC50] =	vst v2  }
0x1dd: {  	v54 =	vshll.u32 v39, $0x3;
	v2 =	vld.idx.msk [tilespmem:v4+s12+$0x0], $0xffff;
	[tilespmem:s28+$0xFFFFFCD0] =	vst v6  }
0x1de: {  	v9 =	vand.u32 $0x7F, v39;
	v55 =	vand.u32 $0xFFFFFC00, v54;
	v6 =	vld.idx.msk [tilespmem:v4+s13+$0x0], $0xffff;
	[tilespmem:s28+$0xFFFFFD50] =	vst v49  }
0x1df: {  	v9 =	vor.u32 v9, v55;
	v7 =	vld.idx.msk [tilespmem:v4+s14+$0x0], $0xffff;
	[tilespmem:s28+$0xFFFFFDD0] =	vst v10  }
0x1e0: {  	v10 =	vld.idx.msk [tilespmem:v4+s15+$0x0], $0xffff;
	[tilespmem:s28+$0xFFFFFE50] =	vst v11  }
0x1e1: {  	v56 =	vld.idx.msk [tilespmem:v4+s16+$0x0], $0xffff;
	[tilespmem:s28+$0xFFFFFED0] =	vst v52  }
0x1e2: {  	v57 =	vld.idx.msk [tilespmem:v4+s17+$0x0], $0xffff;
	[tilespmem:s28+$0xFFFFFF50] =	vst v53  }
0x1e3: {  	v4 =	vld.idx.msk [tilespmem:v4+s18+$0x0], $0xffff;
	[tilespmem:s28+$0xFFFFFFD0] =	vst v5  }
0x1e4: {  	v5 =	vld.idx.msk [tilespmem:v9+s3+$0x0], $0xffff;
	[tilespmem:s28+$0xFFFFFC60] =	vst v3  }
0x1e5: {  	v58 =	vshll.u32 v0, $0x3;
	v3 =	vld.idx.msk [tilespmem:v9+s12+$0x0], $0xffff;
	[tilespmem:s28+$0xFFFFFCE0] =	vst v2  }
0x1e6: {  	v0 =	vand.u32 $0x7F, v0;
	v8 =	vand.u32 $0xFFFFFC00, v58;
	v2 =	vld.idx.msk [tilespmem:v9+s13+$0x0], $0xffff;
	[tilespmem:s28+$0xFFFFFD60] =	vst v6  }
0x1e7: {  	v0 =	vor.u32 v0, v8;
	v6 =	vld.idx.msk [tilespmem:v9+s14+$0x0], $0xffff;
	[tilespmem:s28+$0xFFFFFDE0] =	vst v7  }
0x1e8: {  	v7 =	vld.idx.msk [tilespmem:v9+s15+$0x0], $0xffff;
	[tilespmem:s28+$0xFFFFFE60] =	vst v10  }
0x1e9: {  	v10 =	vld.idx.msk [tilespmem:v9+s16+$0x0], $0xffff;
	[tilespmem:s28+$0xFFFFFEE0] =	vst v56  }
0x1ea: {  	v59 =	vld.idx.msk [tilespmem:v9+s17+$0x0], $0xffff;
	[tilespmem:s28+$0xFFFFFF60] =	vst v57  }
0x1eb: {  	v9 =	vld.idx.msk [tilespmem:v9+s18+$0x0], $0xffff;
	[tilespmem:s28+$0xFFFFFFE0] =	vst v4  }
0x1ec: {  	v4 =	vld.idx.msk [tilespmem:v0+s3+$0x0], $0xffff;
	[tilespmem:s28+$0xFFFFFC70] =	vst v5  }
0x1ed: {  	v60 =	vshll.u32 v1, $0x3;
	v5 =	vld.idx.msk [tilespmem:v0+s12+$0x0], $0xffff;
	[tilespmem:s28+$0xFFFFFCF0] =	vst v3  }
0x1ee: {  	v1 =	vand.u32 $0x7F, v1;
	v61 =	vand.u32 $0xFFFFFC00, v60;
	v3 =	vld.idx.msk [tilespmem:v0+s13+$0x0], $0xffff;
	[tilespmem:s28+$0xFFFFFD70] =	vst v2  }
0x1ef: {  	v1 =	vor.u32 v1, v61;
	v2 =	vld.idx.msk [tilespmem:v0+s14+$0x0], $0xffff;
	[tilespmem:s28+$0xFFFFFDF0] =	vst v6  }
0x1f0: {  	v6 =	vld.idx.msk [tilespmem:v0+s15+$0x0], $0xffff;
	[tilespmem:s28+$0xFFFFFE70] =	vst v7  }
0x1f1: {  	v62 =	vld.idx.msk [tilespmem:v0+s16+$0x0], $0xffff;
	[tilespmem:s28+$0xFFFFFEF0] =	vst v10  }
0x1f2: {  	v63 =	vld.idx.msk [tilespmem:v0+s17+$0x0], $0xffff;
	[tilespmem:s28+$0xFFFFFF70] =	vst v59  }
0x1f3: {  	v0 =	vld.idx.msk [tilespmem:v0+s18+$0x0], $0xffff;
	[tilespmem:s28+$0xFFFFFFF0] =	vst v9  }
0x1f4: {  	v8 =	vld.idx.msk [tilespmem:v1+s3+$0x0], $0xffff;
	[tilespmem:s28+$0xFFFFFC80] =	vst v4  }
0x1f5: {  	v4 =	vld.idx.msk [tilespmem:v1+s12+$0x0], $0xffff;
	[tilespmem:s28+$0xFFFFFD00] =	vst v5  }
0x1f6: {  	v5 =	vld.idx.msk [tilespmem:v1+s13+$0x0], $0xffff;
	[tilespmem:s28+$0xFFFFFD80] =	vst v3  }
0x1f7: {  	v3 =	vld.idx.msk [tilespmem:v1+s14+$0x0], $0xffff;
	[tilespmem:s28+$0xFFFFFE00] =	vst v2  }
0x1f8: {  	v2 =	vld.idx.msk [tilespmem:v1+s15+$0x0], $0xffff;
	[tilespmem:s28+$0xFFFFFE80] =	vst v6  }
0x1f9: {  	v6 =	vld.idx.msk [tilespmem:v1+s16+$0x0], $0xffff;
	[tilespmem:s28+$0xFFFFFF00] =	vst v62  }
0x1fa: {  	v9 =	vld.idx.msk [tilespmem:v1+s17+$0x0], $0xffff;
	[tilespmem:s28+$0xFFFFFF80] =	vst v63  }
0x1fb: {  	v1 =	vld.idx.msk [tilespmem:v1+s18+$0x0], $0xffff;
	[tilespmem:s28+$0x0] =	vst v0  }
0x1fc: {  	[tilespmem:$0x1BC70] =	vst v8  }
0x1fd: {  	[tilespmem:$0x1BCF0] =	vst v4  }
0x1fe: {  	s25 =	sadd.s32 $0x1, s25;
	[tilespmem:$0x1BD70] =	vst v5  }
0x1ff: {  	p0 =	sne.s32 s25, $0x10;
	[tilespmem:$0x1BDF0] =	vst v3  }
.Ltmp2:
0x200: {  	s26 =	sadd.s32 s6, s26;
	[tilespmem:$0x1BE70] =	vst v2;
	(pc) =	sbr.rel @p0 .LBB2_2-.Ltmp2, $4  }
0x201: {  	s26 =	sshll.u32 s26, $0xC;
	[tilespmem:$0x1BEF0] =	vst v6  }
0x202: {  	s24 =	sadd.s32 $0x800, s24;
	s26 =	sadd.s32 s2, s26;
	[tilespmem:$0x1BF70] =	vst v9  }
0x203: {  	s23 =	sadd.s32 $0x1, s23;
	s22 =	sadd.s32 $0x2, s22;
	s26 =	sadd.s32 s7, s26;
	[tilespmem:$0x1BFF0] =	vst v1  }
0x204: {  	[hbm4b:s26+s3] =	stream.linear.scatter [tilespmem:s20], [sflag:$0x2], $0x2000, $0x38;
	[tilespmem:$0x1C000] =	vst v63  }
0x205: {  	s21 =	sadd.s32 $0x1, s21  }
0x206: {  	_ =	swait.ge [sflag:s10], $0x2000;
	p0 =	sne.s32 s21, s8  }
.Ltmp3:
0x207: {  	[sflag:s10] =	ssyncset.done $0x0;
	(pc) =	sbr.rel @p0 .LBB2_1-.Ltmp3, $4  }
0x208: {  	[sflag:s10] =	ssyncadd.s32 $0xFFFFE000  }
0x209: {  	_ =	swait.ge [sflag:s11], $0x2000  }
0x20a: {  	[sflag:s11] =	ssyncset.done $0x0  }
0x20b: {  	[sflag:s11] =	ssyncadd.s32 $0xFFFFE000  }
0x20c: {  	_ =	sfence.sel $0x180000  }
0x20d: {  	[bflag:$0x0] =	sbarrier.arrive $0xFFFF  }
0x20e: {  	p0 =	sne.s32 s1, $0x0;
	_ =	strace $0x90000047  }
0x20f: {  	s0 =	sadd.s32 @!p0 $0x100000, s0;
	[bflag:$0x2] =	sbarrier.arrive $0xFFFF  }
0x210: {  	[sflag:s0] =	ssyncadd.tile.s32 @!p0 $0x1;
	_ =	shalt  }
.Lfunc_end2:
_tile_overlayer_lowered:
.L_overlay_start_2:
0x211: {  	(tag) =	ssettag $0x2  }
0x212: {  	s0 =	rddreg [dreg:$0x0];
	s2 =	stileid.u32  }
0x213: {  	s1 =	rddreg [dreg:$0x1];
	p0 =	sne.s32 s2, $0x0  }
0x214: {  	s3 =	rddreg [dreg:$0x2];
	[bflag:$0x3] =	sbarrier.arrive $0xFFFF;
	s2 =	simm.s32 @!p0 $0x1C03  }
0x215: {  	[timem:s3], [sflag:s2] =	dma.local @!p0 [hbm:s0], s1  }
0x216: {  	s0 =	simm.s32 @!p0 $0x3  }
0x217: {  	_ =	swait.ge @!p0 [sflag:s0], s1  }
0x218: {  	s1 =	ssub.s32 @!p0 $0x0, s1;
	[sflag:s0] =	ssyncset.done @!p0 $0x0  }
0x219: {  	[sflag:s0] =	ssyncadd.s32 @!p0 s1  }
0x21a: {  	[bflag:$0x3] =	sbarrier.arrive $0xFFFF  }
0x21b: {  	_ =	shalt  }

</sc_bundles>
